<compile_context>
chip_gen: v7x
topology: tpu7x:2x2x1
jax: 0.10.2.dev20260603
libtpu: 0.0.44.dev20260713+nightly
codegen_flags: <defaults>
</compile_context>

<pallas_src>
import dataclasses
import functools

import jax
import jax.numpy as jnp
from jax import lax
from jax.experimental import pallas as pl
from jax.experimental.pallas import tpu as pltpu
from jax.experimental.pallas import tpu_sc as plsc

N_NODES = 10000
N_EDGES = 320000
D = 128
D_EDGE = 16
BN_EPS = 1e-5

NC = 2
NS = 16
LANES = 16
NW = NC * NS
E_PER_W = N_EDGES // NW
E_BLK = 40
N_CHUNK = E_PER_W // E_BLK
AGG_ROWS = 10240
SROWS = AGG_ROWS // NS

def _sc_layer_agg(h, ep, src, dst2):
    mesh = plsc.VectorSubcoreMesh(core_axis_name="c", subcore_axis_name="s")
    cp = pltpu.CompilerParams()
    if "needs_layout_passes" in pltpu.CompilerParams.__dataclass_fields__:
        cp = dataclasses.replace(cp, needs_layout_passes=False)

    @functools.partial(
        pl.kernel,
        out_type=jax.ShapeDtypeStruct((NC, N_NODES, D), jnp.float32),
        mesh=mesh,
        compiler_params=cp,
        scratch_types=[
            pltpu.VMEM((E_PER_W,), jnp.int32),
            pltpu.VMEM((1, E_BLK), jnp.int32),
            pltpu.VMEM((1, E_BLK), jnp.int32),
            pltpu.VMEM((E_BLK, D), jnp.float32),
            pltpu.VMEM((E_BLK, D), jnp.float32),
            pltpu.VMEM((E_BLK, D), jnp.float32),
            pltpu.VMEM((E_BLK, D), jnp.float32),
            pltpu.VMEM((E_BLK, D), jnp.float32),
            pltpu.VMEM((E_BLK, D), jnp.float32),
            pltpu.VMEM_SHARED((AGG_ROWS, D), jnp.float32),
            pltpu.SemaphoreType.DMA,
            pltpu.SemaphoreType.DMA,
            pltpu.SemaphoreType.DMA,
            pltpu.SemaphoreType.DMA,
            pltpu.SemaphoreType.DMA,
            pltpu.SemaphoreType.DMA,
            pltpu.SemaphoreType.DMA,
            pltpu.SemaphoreType.DMA,
        ],
    )
    def k(h_hbm, ep_hbm, src_hbm, dst_hbm, out_hbm,
          srci, dsti0, dsti1, rows0, rows1, epb0, epb1, msg0, msg1, agg,
          sg0, sg1, se0, se1, ss0, ss1, sd0, sd1):
        cid = lax.axis_index("c")
        sid = lax.axis_index("s")
        wid = cid * NS + sid
        ebase = wid * E_PER_W

        pltpu.sync_copy(src_hbm.at[pl.ds(ebase, E_PER_W)], srci)

        zv = jnp.zeros((LANES,), jnp.float32)

        @pl.loop(0, E_BLK)
        def _(r):
            for j in range(D // LANES):
                msg0[r, pl.ds(j * LANES, LANES)] = zv

        @pl.loop(0, SROWS // E_BLK)
        def _(kz):
            pltpu.sync_copy(
                msg0, agg.at[pl.ds(sid * SROWS + kz * E_BLK, E_BLK)])

        def issue_ge(ci, rows, epb, sg, se):
            off = pl.multiple_of(ci * E_BLK, 8)
            pltpu.make_async_copy(
                h_hbm.at[srci.at[pl.ds(off, E_BLK)]], rows, sg).start()
            pltpu.make_async_copy(
                ep_hbm.at[pl.ds(ebase + off, E_BLK)], epb, se).start()

        def issue_d(ci, dsti, sd):
            pltpu.make_async_copy(
                dst_hbm.at[wid, pl.ds(ci, 1)], dsti, sd).start()

        def issue_in(ci, rows, epb, dsti, sg, se, sd):
            issue_ge(ci, rows, epb, sg, se)
            issue_d(ci, dsti, sd)

        def wait_in(ci, rows, epb, dsti, sg, se, sd):
            off = pl.multiple_of(ci * E_BLK, 8)
            pltpu.make_async_copy(
                h_hbm.at[srci.at[pl.ds(off, E_BLK)]], rows, sg).wait()
            pltpu.make_async_copy(
                ep_hbm.at[pl.ds(ebase + off, E_BLK)], epb, se).wait()
            pltpu.make_async_copy(
                dst_hbm.at[wid, pl.ds(ci, 1)], dsti, sd).wait()

        def compute(rows, epb, msg):
            @pl.loop(0, E_BLK)
            def _(e):
                for j in range(D // LANES):
                    sl = pl.ds(j * LANES, LANES)
                    msg[e, sl] = jnp.maximum(epb[e, sl] + rows[e, sl], 0.0)

        issue_in(0, rows0, epb0, dsti0, sg0, se0, sd0)
        issue_in(1, rows1, epb1, dsti1, sg1, se1, sd1)

        plsc.subcore_barrier()

        @pl.loop(0, N_CHUNK // 2)
        def _(i):
            a = i * 2
            b = a + 1
            wait_in(a, rows0, epb0, dsti0, sg0, se0, sd0)
            compute(rows0, epb0, msg0)
            sc_a = pltpu.make_async_copy(msg0, agg.at[dsti0.at[0]], ss0)
            sc_a.start(add=True)

            @pl.when(a + 2 < N_CHUNK)
            def _():
                issue_ge(a + 2, rows0, epb0, sg0, se0)

            wait_in(b, rows1, epb1, dsti1, sg1, se1, sd1)
            compute(rows1, epb1, msg1)
            sc_b = pltpu.make_async_copy(msg1, agg.at[dsti1.at[0]], ss1)
            sc_b.start(add=True)

            @pl.when(b + 2 < N_CHUNK)
            def _():
                issue_ge(b + 2, rows1, epb1, sg1, se1)

            sc_a.wait()

            @pl.when(a + 2 < N_CHUNK)
            def _():
                issue_d(a + 2, dsti0, sd0)

            sc_b.wait()

            @pl.when(b + 2 < N_CHUNK)
            def _():
                issue_d(b + 2, dsti1, sd1)

        plsc.subcore_barrier()

        @pl.when(sid < NS - 1)
        def _():
            pltpu.sync_copy(
                agg.at[pl.ds(sid * SROWS, SROWS)],
                out_hbm.at[cid, pl.ds(sid * SROWS, SROWS)])

        @pl.when(sid == NS - 1)
        def _():
            pltpu.sync_copy(
                agg.at[pl.ds((NS - 1) * SROWS, N_NODES - (NS - 1) * SROWS)],
                out_hbm.at[cid, pl.ds((NS - 1) * SROWS, N_NODES - (NS - 1) * SROWS)])

    return k(h, ep, src, dst2)


_EP_ROWS = 4000


def _edge_proj(edge_attr, We):
    def body(ea_ref, w_ref, o_ref):
        o_ref[...] = jnp.dot(
            ea_ref[...], w_ref[...], preferred_element_type=jnp.float32)

    return pl.pallas_call(
        body,
        grid=(N_EDGES // _EP_ROWS,),
        in_specs=[pl.BlockSpec((_EP_ROWS, D_EDGE), lambda i: (i, 0)),
                  pl.BlockSpec((D_EDGE, D), lambda i: (0, 0))],
        out_specs=pl.BlockSpec((_EP_ROWS, D), lambda i: (i, 0)),
        out_shape=jax.ShapeDtypeStruct((N_EDGES, D), jnp.float32),
    )(edge_attr, We)


def _bn_relu_res(h, agg_ref, w_ref):
    s = jnp.dot(h + agg_ref[0] + agg_ref[1], w_ref[...],
                preferred_element_type=jnp.float32)
    mu = jnp.mean(s, axis=0, keepdims=True)
    var = jnp.mean((s - mu) ** 2, axis=0, keepdims=True)
    hn = (s - mu) * lax.rsqrt(var + BN_EPS)
    return jnp.maximum(hn, 0.0) + h


def _node_update(h, agg, W):
    def body(h_ref, a_ref, w_ref, o_ref):
        o_ref[...] = _bn_relu_res(h_ref[...], a_ref, w_ref)

    return pl.pallas_call(
        body,
        out_shape=jax.ShapeDtypeStruct((N_NODES, D), jnp.float32),
    )(h, agg, W)


def _node_update_final(h, agg, W, Wout, bout2):
    def body(h_ref, a_ref, w_ref, wo_ref, b_ref, o_ref):
        hn = _bn_relu_res(h_ref[...], a_ref, w_ref)
        o_ref[...] = jnp.maximum(
            jnp.dot(hn, wo_ref[...], preferred_element_type=jnp.float32)
            + b_ref[...], 0.0)

    return pl.pallas_call(
        body,
        out_shape=jax.ShapeDtypeStruct((N_NODES, D), jnp.float32),
    )(h, agg, W, Wout, bout2)


def kernel(x, edge_index, edge_attr, batch, We0, W0, We1, W1, We2, W2, Wout, bout):
    src = edge_index[0].astype(jnp.int32)
    dst2 = edge_index[1].astype(jnp.int32).reshape(NW, N_CHUNK, E_BLK)
    ep0 = _edge_proj(edge_attr, We0)
    ep1 = _edge_proj(edge_attr, We1)
    ep2 = _edge_proj(edge_attr, We2)

    h = x
    agg = _sc_layer_agg(h, ep0, src, dst2)
    h = _node_update(h, agg, W0)
    agg = _sc_layer_agg(h, ep1, src, dst2)
    h = _node_update(h, agg, W1)
    agg = _sc_layer_agg(h, ep2, src, dst2)
    return _node_update_final(h, agg, W2, Wout, jnp.reshape(bout, (1, D)))

# --- scband reference (transcript-rebuilt; emitter-appended) ---
"""Pipeline reference for scband-base-gnn-69028714381411 (READ-ONLY COPY).

The authoritative reference and input builder live on the scoring server;
editing this copy changes nothing except your own understanding.
"""

import jax, jax.numpy as jnp
import numpy as np

N_NODES = 10000
N_EDGES = 320000
D_FEAT = 128
D_EDGE = 16
N_LAYERS = 3
BN_EPS = 1e-5


def setup_inputs(seed: int = 0) -> dict:
    key = jax.random.key(seed)
    ks = jax.random.split(key, 16)
    inp = {}
    inp['x'] = jax.random.normal(ks[0], (N_NODES, D_FEAT), dtype=jnp.float32)
    inp['edge_index'] = jax.random.randint(ks[1], (2, N_EDGES), 0, N_NODES, dtype=jnp.int64 if jax.config.read('jax_enable_x64') else jnp.int32)
    inp['edge_attr'] = jax.random.normal(ks[2], (N_EDGES, D_EDGE), dtype=jnp.float32)
    inp['batch'] = jnp.sort(jax.random.randint(ks[3], (N_NODES,), 0, 128))
    # per-layer params: edge projection We_l [D_EDGE, D_FEAT], node linear W_l [D_FEAT, D_FEAT] (bias=False since bn=True)
    for l in range(N_LAYERS):
        inp[f'We{l}'] = jax.random.normal(ks[4 + 2 * l], (D_EDGE, D_FEAT), dtype=jnp.float32) * (1.0 / np.sqrt(D_EDGE))
        inp[f'W{l}'] = jax.random.normal(ks[5 + 2 * l], (D_FEAT, D_FEAT), dtype=jnp.float32) * (1.0 / np.sqrt(D_FEAT))
    # output encoder: 1-layer MLP with final activation, bias=True
    inp['Wout'] = jax.random.normal(ks[12], (D_FEAT, D_FEAT), dtype=jnp.float32) * (1.0 / np.sqrt(D_FEAT))
    inp['bout'] = jnp.zeros((D_FEAT,), dtype=jnp.float32)
    return inp


def _batchnorm(h):
    mu = jnp.mean(h, axis=0, keepdims=True)
    var = jnp.var(h, axis=0, keepdims=True)
    return (h - mu) / jnp.sqrt(var + BN_EPS)


def reference(x, edge_index, edge_attr, batch, We0, W0, We1, W1, We2, W2, Wout, bout):
    src = edge_index[0]
    dst = edge_index[1]
    prev = x
    layers = [(We0, W0), (We1, W1), (We2, W2)]
    h = x
    for (We, W) in layers:
        # GINEConv-style message passing: m_ij = relu(x_j + proj(e_ij)); sum-aggregate to dst
        msg = jax.nn.relu(h[src] + edge_attr @ We)
        agg = jax.ops.segment_sum(msg, dst, num_segments=h.shape[0])
        h = (h + agg) @ W
        h = _batchnorm(h)
        h = jax.nn.relu(h)
        # dropout p=0 -> no-op; residual
        h = h + prev
        prev = h
    out = jax.nn.relu(h @ Wout + bout)
    return out

if __name__ == "__main__":
    import jax
    _d = setup_inputs()
    print(jax.jit(kernel)(*tuple(_d.values())))

</pallas_src>

<mosaic_0001>
#map = affine_map<(d0, d1) -> (0, 0)>
#map1 = affine_map<(d0, d1) -> (0)>
#map2 = affine_map<(d0, d1) -> (0, 0, 0)>
module attributes {stable_mosaic.version = 14 : i64} {
  func.func @k(%arg0: i32, %arg1: i32, %arg2: memref<10000x128xf32, #tpu.memory_space<hbm>>, %arg3: memref<320000x128xf32, #tpu.memory_space<hbm>>, %arg4: memref<320000xi32, #tpu.memory_space<hbm>>, %arg5: memref<32x250x40xi32, #tpu.memory_space<hbm>>, %arg6: memref<2x10000x128xf32, #tpu.memory_space<hbm>>, %arg7: memref<10000xi32, #tpu.memory_space<vmem>>, %arg8: memref<1x40xi32, #tpu.memory_space<vmem>>, %arg9: memref<1x40xi32, #tpu.memory_space<vmem>>, %arg10: memref<40x128xf32, #tpu.memory_space<vmem>>, %arg11: memref<40x128xf32, #tpu.memory_space<vmem>>, %arg12: memref<40x128xf32, #tpu.memory_space<vmem>>, %arg13: memref<40x128xf32, #tpu.memory_space<vmem>>, %arg14: memref<40x128xf32, #tpu.memory_space<vmem>>, %arg15: memref<40x128xf32, #tpu.memory_space<vmem>>, %arg16: memref<10240x128xf32, #tpu.memory_space<vmem_shared>>, %arg17: memref<!tpu.dma_semaphore, #tpu.memory_space<semaphore_mem>>, %arg18: memref<!tpu.dma_semaphore, #tpu.memory_space<semaphore_mem>>, %arg19: memref<!tpu.dma_semaphore, #tpu.memory_space<semaphore_mem>>, %arg20: memref<!tpu.dma_semaphore, #tpu.memory_space<semaphore_mem>>, %arg21: memref<!tpu.dma_semaphore, #tpu.memory_space<semaphore_mem>>, %arg22: memref<!tpu.dma_semaphore, #tpu.memory_space<semaphore_mem>>, %arg23: memref<!tpu.dma_semaphore, #tpu.memory_space<semaphore_mem>>, %arg24: memref<!tpu.dma_semaphore, #tpu.memory_space<semaphore_mem>>) attributes {dimension_semantics = [#tpu.dimension_semantics<core_parallel>, #tpu.dimension_semantics<subcore_parallel>], iteration_bounds = array<i64: 2, 16>, scalar_prefetch = 0 : i64, scratch_operands = 18 : i64, tpu.core_type = #tpu.core_type<sc_vector_subcore>, window_params = [{transform_indices = #map}, {transform_indices = #map}, {transform_indices = #map1}, {transform_indices = #map2}, {transform_indices = #map2}]} {
    %mul3A = arith.constant 16 : i32
    %mul3A_0 = arith.muli %arg0, %mul3A : i32
    %add3A = arith.addi %mul3A_0, %arg1 : i32
    %mul3A_1 = arith.constant 10000 : i32
    %mul3A_2 = arith.muli %add3A, %mul3A_1 : i32
    "tpu.region"() ({
      %run_scoped3A = tpu.sem_alloc : memref<!tpu.dma_semaphore, #tpu.memory_space<semaphore_mem>>
      %dma_start3A_61 = tpu.memref_slice %arg4[%mul3A_2] : memref<320000xi32, #tpu.memory_space<hbm>> -> memref<10000xi32, #tpu.memory_space<hbm>>
      %dma_start3A_62 = tpu.memref_slice %arg4[%mul3A_2] : memref<320000xi32, #tpu.memory_space<hbm>> -> memref<10000xi32, #tpu.memory_space<hbm>>
      tpu.enqueue_dma source(%dma_start3A_62 : memref<10000xi32, #tpu.memory_space<hbm>>) target(%arg7 : memref<10000xi32, #tpu.memory_space<vmem>>) target_semaphore(%run_scoped3A : memref<!tpu.dma_semaphore, #tpu.memory_space<semaphore_mem>>)
      %dma_wait3A = tpu.memref_slice %arg4[%mul3A_2] : memref<320000xi32, #tpu.memory_space<hbm>> -> memref<10000xi32, #tpu.memory_space<hbm>>
      %dma_wait3A_63 = tpu.memref_slice %arg4[%mul3A_2] : memref<320000xi32, #tpu.memory_space<hbm>> -> memref<10000xi32, #tpu.memory_space<hbm>>
      tpu.wait_dma2 semaphore(%run_scoped3A : memref<!tpu.dma_semaphore, #tpu.memory_space<semaphore_mem>>) src(%dma_wait3A_63 : memref<10000xi32, #tpu.memory_space<hbm>>) dst(%arg7 : memref<10000xi32, #tpu.memory_space<vmem>>)
      tpu.yield
    }) : () -> ()
    %broadcast_in_dim3A = arith.constant 0.000000e+00 : f32
    %broadcast_in_dim3A_3 = vector.broadcast %broadcast_in_dim3A : f32 to vector<16xf32>
    %scan3A = arith.constant 0 : i32
    %scan3A_4 = arith.constant 40 : i32
    %scan3A_5 = arith.addi %scan3A, %scan3A_4 : i32
    %scan3A_6 = arith.constant 1 : i32
    scf.for %scan3A_61 = %scan3A to %scan3A_5 step %scan3A_6  : i32 {
      %mul3A_62 = arith.constant 1 : i32
      %mul3A_63 = arith.muli %scan3A_61, %mul3A_62 : i32
      %add3A_64 = arith.constant 0 : i32
      %add3A_65 = arith.addi %add3A_64, %mul3A_63 : i32
      %swap3A = arith.index_cast %add3A_65 : i32 to index
      %swap3A_66 = arith.constant 0 : index
      %swap3A_67 = tpu.vector_load %arg14[%swap3A, %swap3A_66] {strides = array<i32>} : memref<40x128xf32, #tpu.memory_space<vmem>>, vector<16xf32>,
      tpu.vector_store %arg14[%swap3A, %swap3A_66], %broadcast_in_dim3A_3 {strides = array<i32>} : memref<40x128xf32, #tpu.memory_space<vmem>>, vector<16xf32>,
      %swap3A_68 = arith.index_cast %add3A_65 : i32 to index
      %swap3A_69 = arith.constant 16 : index
      %swap3A_70 = tpu.vector_load %arg14[%swap3A_68, %swap3A_69] {strides = array<i32>} : memref<40x128xf32, #tpu.memory_space<vmem>>, vector<16xf32>,
      tpu.vector_store %arg14[%swap3A_68, %swap3A_69], %broadcast_in_dim3A_3 {strides = array<i32>} : memref<40x128xf32, #tpu.memory_space<vmem>>, vector<16xf32>,
      %swap3A_71 = arith.index_cast %add3A_65 : i32 to index
      %swap3A_72 = arith.constant 32 : index
      %swap3A_73 = tpu.vector_load %arg14[%swap3A_71, %swap3A_72] {strides = array<i32>} : memref<40x128xf32, #tpu.memory_space<vmem>>, vector<16xf32>,
      tpu.vector_store %arg14[%swap3A_71, %swap3A_72], %broadcast_in_dim3A_3 {strides = array<i32>} : memref<40x128xf32, #tpu.memory_space<vmem>>, vector<16xf32>,
      %swap3A_74 = arith.index_cast %add3A_65 : i32 to index
      %swap3A_75 = arith.constant 48 : index
      %swap3A_76 = tpu.vector_load %arg14[%swap3A_74, %swap3A_75] {strides = array<i32>} : memref<40x128xf32, #tpu.memory_space<vmem>>, vector<16xf32>,
      tpu.vector_store %arg14[%swap3A_74, %swap3A_75], %broadcast_in_dim3A_3 {strides = array<i32>} : memref<40x128xf32, #tpu.memory_space<vmem>>, vector<16xf32>,
      %swap3A_77 = arith.index_cast %add3A_65 : i32 to index
      %swap3A_78 = arith.constant 64 : index
      %swap3A_79 = tpu.vector_load %arg14[%swap3A_77, %swap3A_78] {strides = array<i32>} : memref<40x128xf32, #tpu.memory_space<vmem>>, vector<16xf32>,
      tpu.vector_store %arg14[%swap3A_77, %swap3A_78], %broadcast_in_dim3A_3 {strides = array<i32>} : memref<40x128xf32, #tpu.memory_space<vmem>>, vector<16xf32>,
      %swap3A_80 = arith.index_cast %add3A_65 : i32 to index
      %swap3A_81 = arith.constant 80 : index
      %swap3A_82 = tpu.vector_load %arg14[%swap3A_80, %swap3A_81] {strides = array<i32>} : memref<40x128xf32, #tpu.memory_space<vmem>>, vector<16xf32>,
      tpu.vector_store %arg14[%swap3A_80, %swap3A_81], %broadcast_in_dim3A_3 {strides = array<i32>} : memref<40x128xf32, #tpu.memory_space<vmem>>, vector<16xf32>,
      %swap3A_83 = arith.index_cast %add3A_65 : i32 to index
      %swap3A_84 = arith.constant 96 : index
      %swap3A_85 = tpu.vector_load %arg14[%swap3A_83, %swap3A_84] {strides = array<i32>} : memref<40x128xf32, #tpu.memory_space<vmem>>, vector<16xf32>,
      tpu.vector_store %arg14[%swap3A_83, %swap3A_84], %broadcast_in_dim3A_3 {strides = array<i32>} : memref<40x128xf32, #tpu.memory_space<vmem>>, vector<16xf32>,
      %swap3A_86 = arith.index_cast %add3A_65 : i32 to index
      %swap3A_87 = arith.constant 112 : index
      %swap3A_88 = tpu.vector_load %arg14[%swap3A_86, %swap3A_87] {strides = array<i32>} : memref<40x128xf32, #tpu.memory_space<vmem>>, vector<16xf32>,
      tpu.vector_store %arg14[%swap3A_86, %swap3A_87], %broadcast_in_dim3A_3 {strides = array<i32>} : memref<40x128xf32, #tpu.memory_space<vmem>>, vector<16xf32>,
    }
    %scan3A_7 = arith.constant 40 : i32
    %scan3A_8 = arith.constant 0 : i32
    %scan3A_9 = arith.constant 16 : i32
    %scan3A_10 = arith.addi %scan3A_8, %scan3A_9 : i32
    %scan3A_11 = arith.constant 1 : i32
    scf.for %scan3A_61 = %scan3A_8 to %scan3A_10 step %scan3A_11  : i32 {
      %mul3A_62 = arith.constant 1 : i32
      %mul3A_63 = arith.muli %scan3A_61, %mul3A_62 : i32
      %add3A_64 = arith.constant 0 : i32
      %add3A_65 = arith.addi %add3A_64, %mul3A_63 : i32
      %mul3A_66 = arith.constant 640 : i32
      %mul3A_67 = arith.muli %arg1, %mul3A_66 : i32
      %mul3A_68 = arith.constant 40 : i32
      %mul3A_69 = arith.muli %add3A_65, %mul3A_68 : i32
      %add3A_70 = arith.addi %mul3A_67, %mul3A_69 : i32
      "tpu.region"() ({
        %run_scoped3A = tpu.sem_alloc : memref<!tpu.dma_semaphore, #tpu.memory_space<semaphore_mem>>
        %dma_start3A_71 = arith.constant 0 : i32
        %dma_start3A_72 = tpu.memref_slice %arg16[%add3A_70, %dma_start3A_71] : memref<10240x128xf32, #tpu.memory_space<vmem_shared>> -> memref<40x128xf32, #tpu.memory_space<vmem_shared>>
        %dma_start3A_73 = arith.constant 0 : i32
        %dma_start3A_74 = tpu.memref_slice %arg16[%add3A_70, %dma_start3A_73] : memref<10240x128xf32, #tpu.memory_space<vmem_shared>> -> memref<40x128xf32, #tpu.memory_space<vmem_shared>>
        tpu.enqueue_dma source(%arg14 : memref<40x128xf32, #tpu.memory_space<vmem>>) target(%dma_start3A_74 : memref<40x128xf32, #tpu.memory_space<vmem_shared>>) target_semaphore(%run_scoped3A : memref<!tpu.dma_semaphore, #tpu.memory_space<semaphore_mem>>)
        %dma_wait3A = arith.constant 0 : i32
        %dma_wait3A_75 = tpu.memref_slice %arg16[%add3A_70, %dma_wait3A] : memref<10240x128xf32, #tpu.memory_space<vmem_shared>> -> memref<40x128xf32, #tpu.memory_space<vmem_shared>>
        %dma_wait3A_76 = arith.constant 0 : i32
        %dma_wait3A_77 = tpu.memref_slice %arg16[%add3A_70, %dma_wait3A_76] : memref<10240x128xf32, #tpu.memory_space<vmem_shared>> -> memref<40x128xf32, #tpu.memory_space<vmem_shared>>
        tpu.wait_dma2 semaphore(%run_scoped3A : memref<!tpu.dma_semaphore, #tpu.memory_space<semaphore_mem>>) src(%arg14 : memref<40x128xf32, #tpu.memory_space<vmem>>) dst(%dma_wait3A_77 : memref<40x128xf32, #tpu.memory_space<vmem_shared>>)
        tpu.yield
      }) : () -> ()
    }
    %scan3A_12 = arith.constant 16 : i32
    %multiple_of3A = arith.constant 0 : i32
    %multiple_of3A_13 = tpu.assume_multiple %multiple_of3A, 8 : i32
    %dma_start3A = tpu.memref_slice %arg7[%multiple_of3A_13] : memref<10000xi32, #tpu.memory_space<vmem>> -> memref<40xi32, #tpu.memory_space<vmem>>
    %dma_start3A_14 = arith.constant 0 : i32
    %dma_start3A_15 = arith.constant 0 : i32
    %dma_start3A_16 = tpu.memref_slice %arg2[%dma_start3A_14, %dma_start3A_15] : memref<10000x128xf32, #tpu.memory_space<hbm>> -> memref<10000x128xf32, #tpu.memory_space<hbm>>
    tpu.enqueue_indirect_dma source(%dma_start3A_16 : memref<10000x128xf32, #tpu.memory_space<hbm>>) target(%arg10 : memref<40x128xf32, #tpu.memory_space<vmem>>) offsets(%dma_start3A : memref<40xi32, #tpu.memory_space<vmem>>) semaphore(%arg17 : memref<!tpu.dma_semaphore, #tpu.memory_space<semaphore_mem>>)
    %add3A_17 = arith.addi %mul3A_2, %multiple_of3A_13 : i32
    %dma_start3A_18 = arith.constant 0 : i32
    %dma_start3A_19 = tpu.memref_slice %arg3[%add3A_17, %dma_start3A_18] : memref<320000x128xf32, #tpu.memory_space<hbm>> -> memref<40x128xf32, #tpu.memory_space<hbm>>
    %dma_start3A_20 = arith.constant 0 : i32
    %dma_start3A_21 = tpu.memref_slice %arg3[%add3A_17, %dma_start3A_20] : memref<320000x128xf32, #tpu.memory_space<hbm>> -> memref<40x128xf32, #tpu.memory_space<hbm>>
    tpu.enqueue_dma source(%dma_start3A_21 : memref<40x128xf32, #tpu.memory_space<hbm>>) target(%arg12 : memref<40x128xf32, #tpu.memory_space<vmem>>) target_semaphore(%arg19 : memref<!tpu.dma_semaphore, #tpu.memory_space<semaphore_mem>>)
    %dma_start3A_22 = arith.constant 0 : i32
    %dma_start3A_23 = arith.constant 0 : i32
    %dma_start3A_24 = tpu.memref_slice %arg5[%add3A, %dma_start3A_22, %dma_start3A_23] : memref<32x250x40xi32, #tpu.memory_space<hbm>> -> memref<1x1x40xi32, #tpu.memory_space<hbm>>
    %dma_start3A_25 = tpu.memref_squeeze %dma_start3A_24 : memref<1x1x40xi32, #tpu.memory_space<hbm>> -> memref<1x40xi32, #tpu.memory_space<hbm>>
    %dma_start3A_26 = arith.constant 0 : i32
    %dma_start3A_27 = arith.constant 0 : i32
    %dma_start3A_28 = tpu.memref_slice %arg5[%add3A, %dma_start3A_26, %dma_start3A_27] : memref<32x250x40xi32, #tpu.memory_space<hbm>> -> memref<1x1x40xi32, #tpu.memory_space<hbm>>
    %dma_start3A_29 = tpu.memref_squeeze %dma_start3A_28 : memref<1x1x40xi32, #tpu.memory_space<hbm>> -> memref<1x40xi32, #tpu.memory_space<hbm>>
    tpu.enqueue_dma source(%dma_start3A_29 : memref<1x40xi32, #tpu.memory_space<hbm>>) target(%arg8 : memref<1x40xi32, #tpu.memory_space<vmem>>) target_semaphore(%arg23 : memref<!tpu.dma_semaphore, #tpu.memory_space<semaphore_mem>>)
    %multiple_of3A_30 = arith.constant 40 : i32
    %multiple_of3A_31 = tpu.assume_multiple %multiple_of3A_30, 8 : i32
    %dma_start3A_32 = tpu.memref_slice %arg7[%multiple_of3A_31] : memref<10000xi32, #tpu.memory_space<vmem>> -> memref<40xi32, #tpu.memory_space<vmem>>
    %dma_start3A_33 = arith.constant 0 : i32
    %dma_start3A_34 = arith.constant 0 : i32
    %dma_start3A_35 = tpu.memref_slice %arg2[%dma_start3A_33, %dma_start3A_34] : memref<10000x128xf32, #tpu.memory_space<hbm>> -> memref<10000x128xf32, #tpu.memory_space<hbm>>
    tpu.enqueue_indirect_dma source(%dma_start3A_35 : memref<10000x128xf32, #tpu.memory_space<hbm>>) target(%arg11 : memref<40x128xf32, #tpu.memory_space<vmem>>) offsets(%dma_start3A_32 : memref<40xi32, #tpu.memory_space<vmem>>) semaphore(%arg18 : memref<!tpu.dma_semaphore, #tpu.memory_space<semaphore_mem>>)
    %add3A_36 = arith.addi %mul3A_2, %multiple_of3A_31 : i32
    %dma_start3A_37 = arith.constant 0 : i32
    %dma_start3A_38 = tpu.memref_slice %arg3[%add3A_36, %dma_start3A_37] : memref<320000x128xf32, #tpu.memory_space<hbm>> -> memref<40x128xf32, #tpu.memory_space<hbm>>
    %dma_start3A_39 = arith.constant 0 : i32
    %dma_start3A_40 = tpu.memref_slice %arg3[%add3A_36, %dma_start3A_39] : memref<320000x128xf32, #tpu.memory_space<hbm>> -> memref<40x128xf32, #tpu.memory_space<hbm>>
    tpu.enqueue_dma source(%dma_start3A_40 : memref<40x128xf32, #tpu.memory_space<hbm>>) target(%arg13 : memref<40x128xf32, #tpu.memory_space<vmem>>) target_semaphore(%arg20 : memref<!tpu.dma_semaphore, #tpu.memory_space<semaphore_mem>>)
    %dma_start3A_41 = arith.constant 1 : i32
    %dma_start3A_42 = arith.constant 0 : i32
    %dma_start3A_43 = tpu.memref_slice %arg5[%add3A, %dma_start3A_41, %dma_start3A_42] : memref<32x250x40xi32, #tpu.memory_space<hbm>> -> memref<1x1x40xi32, #tpu.memory_space<hbm>>
    %dma_start3A_44 = tpu.memref_squeeze %dma_start3A_43 : memref<1x1x40xi32, #tpu.memory_space<hbm>> -> memref<1x40xi32, #tpu.memory_space<hbm>>
    %dma_start3A_45 = arith.constant 1 : i32
    %dma_start3A_46 = arith.constant 0 : i32
    %dma_start3A_47 = tpu.memref_slice %arg5[%add3A, %dma_start3A_45, %dma_start3A_46] : memref<32x250x40xi32, #tpu.memory_space<hbm>> -> memref<1x1x40xi32, #tpu.memory_space<hbm>>
    %dma_start3A_48 = tpu.memref_squeeze %dma_start3A_47 : memref<1x1x40xi32, #tpu.memory_space<hbm>> -> memref<1x40xi32, #tpu.memory_space<hbm>>
    tpu.enqueue_dma source(%dma_start3A_48 : memref<1x40xi32, #tpu.memory_space<hbm>>) target(%arg9 : memref<1x40xi32, #tpu.memory_space<vmem>>) target_semaphore(%arg24 : memref<!tpu.dma_semaphore, #tpu.memory_space<semaphore_mem>>)
    %barrier3A = arith.constant 0 : index
    tpu.barrier barrier_id(%barrier3A)
    %scan3A_49 = arith.constant 0 : i32
    %scan3A_50 = arith.constant 125 : i32
    %scan3A_51 = arith.addi %scan3A_49, %scan3A_50 : i32
    %scan3A_52 = arith.constant 1 : i32
    scf.for %scan3A_61 = %scan3A_49 to %scan3A_51 step %scan3A_52  : i32 {
      %mul3A_62 = arith.constant 1 : i32
      %mul3A_63 = arith.muli %scan3A_61, %mul3A_62 : i32
      %add3A_64 = arith.constant 0 : i32
      %add3A_65 = arith.addi %add3A_64, %mul3A_63 : i32
      %mul3A_66 = arith.constant 2 : i32
      %mul3A_67 = arith.muli %add3A_65, %mul3A_66 : i32
      %add3A_68 = arith.constant 1 : i32
      %add3A_69 = arith.addi %mul3A_67, %add3A_68 : i32
      %mul3A_70 = arith.constant 40 : i32
      %mul3A_71 = arith.muli %mul3A_67, %mul3A_70 : i32
      %multiple_of3A_72 = tpu.assume_multiple %mul3A_71, 8 : i32
      %dma_wait3A = tpu.memref_slice %arg7[%multiple_of3A_72] : memref<10000xi32, #tpu.memory_space<vmem>> -> memref<40xi32, #tpu.memory_space<vmem>>
      %dma_wait3A_73 = arith.constant 0 : i32
      %dma_wait3A_74 = arith.constant 0 : i32
      %dma_wait3A_75 = tpu.memref_slice %arg2[%dma_wait3A_73, %dma_wait3A_74] : memref<10000x128xf32, #tpu.memory_space<hbm>> -> memref<10000x128xf32, #tpu.memory_space<hbm>>
      tpu.wait_indirect_dma semaphore(%arg17 : memref<!tpu.dma_semaphore, #tpu.memory_space<semaphore_mem>>) src(%dma_wait3A_75 : memref<10000x128xf32, #tpu.memory_space<hbm>>) dst(%arg10 : memref<40x128xf32, #tpu.memory_space<vmem>>)
      %add3A_76 = arith.addi %mul3A_2, %multiple_of3A_72 : i32
      %dma_wait3A_77 = arith.constant 0 : i32
      %dma_wait3A_78 = tpu.memref_slice %arg3[%add3A_76, %dma_wait3A_77] : memref<320000x128xf32, #tpu.memory_space<hbm>> -> memref<40x128xf32, #tpu.memory_space<hbm>>
      %dma_wait3A_79 = arith.constant 0 : i32
      %dma_wait3A_80 = tpu.memref_slice %arg3[%add3A_76, %dma_wait3A_79] : memref<320000x128xf32, #tpu.memory_space<hbm>> -> memref<40x128xf32, #tpu.memory_space<hbm>>
      tpu.wait_dma2 semaphore(%arg19 : memref<!tpu.dma_semaphore, #tpu.memory_space<semaphore_mem>>) src(%dma_wait3A_80 : memref<40x128xf32, #tpu.memory_space<hbm>>) dst(%arg12 : memref<40x128xf32, #tpu.memory_space<vmem>>)
      %dma_wait3A_81 = arith.constant 0 : i32
      %dma_wait3A_82 = tpu.memref_slice %arg5[%add3A, %mul3A_67, %dma_wait3A_81] : memref<32x250x40xi32, #tpu.memory_space<hbm>> -> memref<1x1x40xi32, #tpu.memory_space<hbm>>
      %dma_wait3A_83 = tpu.memref_squeeze %dma_wait3A_82 : memref<1x1x40xi32, #tpu.memory_space<hbm>> -> memref<1x40xi32, #tpu.memory_space<hbm>>
      %dma_wait3A_84 = arith.constant 0 : i32
      %dma_wait3A_85 = tpu.memref_slice %arg5[%add3A, %mul3A_67, %dma_wait3A_84] : memref<32x250x40xi32, #tpu.memory_space<hbm>> -> memref<1x1x40xi32, #tpu.memory_space<hbm>>
      %dma_wait3A_86 = tpu.memref_squeeze %dma_wait3A_85 : memref<1x1x40xi32, #tpu.memory_space<hbm>> -> memref<1x40xi32, #tpu.memory_space<hbm>>
      tpu.wait_dma2 semaphore(%arg23 : memref<!tpu.dma_semaphore, #tpu.memory_space<semaphore_mem>>) src(%dma_wait3A_86 : memref<1x40xi32, #tpu.memory_space<hbm>>) dst(%arg8 : memref<1x40xi32, #tpu.memory_space<vmem>>)
      %scan3A_87 = arith.constant 0 : i32
      %scan3A_88 = arith.constant 40 : i32
      %scan3A_89 = arith.addi %scan3A_87, %scan3A_88 : i32
      %scan3A_90 = arith.constant 1 : i32
      scf.for %scan3A_171 = %scan3A_87 to %scan3A_89 step %scan3A_90  : i32 {
        %mul3A_172 = arith.constant 1 : i32
        %mul3A_173 = arith.muli %scan3A_171, %mul3A_172 : i32
        %add3A_174 = arith.constant 0 : i32
        %add3A_175 = arith.addi %add3A_174, %mul3A_173 : i32
        %get3A = arith.index_cast %add3A_175 : i32 to index
        %get3A_176 = arith.constant 0 : index
        %get3A_177 = tpu.vector_load %arg12[%get3A, %get3A_176] {strides = array<i32>} : memref<40x128xf32, #tpu.memory_space<vmem>>, vector<16xf32>,
        %get3A_178 = arith.index_cast %add3A_175 : i32 to index
        %get3A_179 = arith.constant 0 : index
        %get3A_180 = tpu.vector_load %arg10[%get3A_178, %get3A_179] {strides = array<i32>} : memref<40x128xf32, #tpu.memory_space<vmem>>, vector<16xf32>,
        %add3A_181 = arith.addf %get3A_177, %get3A_180 : vector<16xf32>
        %max3A = arith.constant 0.000000e+00 : f32
        %max3A_182 = vector.broadcast %max3A : f32 to vector<16xf32>
        %max3A_183 = arith.maximumf %add3A_181, %max3A_182 : vector<16xf32>
        %swap3A = arith.index_cast %add3A_175 : i32 to index
        %swap3A_184 = arith.constant 0 : index
        %swap3A_185 = tpu.vector_load %arg14[%swap3A, %swap3A_184] {strides = array<i32>} : memref<40x128xf32, #tpu.memory_space<vmem>>, vector<16xf32>,
        tpu.vector_store %arg14[%swap3A, %swap3A_184], %max3A_183 {strides = array<i32>} : memref<40x128xf32, #tpu.memory_space<vmem>>, vector<16xf32>,
        %get3A_186 = arith.index_cast %add3A_175 : i32 to index
        %get3A_187 = arith.constant 16 : index
        %get3A_188 = tpu.vector_load %arg12[%get3A_186, %get3A_187] {strides = array<i32>} : memref<40x128xf32, #tpu.memory_space<vmem>>, vector<16xf32>,
        %get3A_189 = arith.index_cast %add3A_175 : i32 to index
        %get3A_190 = arith.constant 16 : index
        %get3A_191 = tpu.vector_load %arg10[%get3A_189, %get3A_190] {strides = array<i32>} : memref<40x128xf32, #tpu.memory_space<vmem>>, vector<16xf32>,
        %add3A_192 = arith.addf %get3A_188, %get3A_191 : vector<16xf32>
        %max3A_193 = arith.constant 0.000000e+00 : f32
        %max3A_194 = vector.broadcast %max3A_193 : f32 to vector<16xf32>
        %max3A_195 = arith.maximumf %add3A_192, %max3A_194 : vector<16xf32>
        %swap3A_196 = arith.index_cast %add3A_175 : i32 to index
        %swap3A_197 = arith.constant 16 : index
        %swap3A_198 = tpu.vector_load %arg14[%swap3A_196, %swap3A_197] {strides = array<i32>} : memref<40x128xf32, #tpu.memory_space<vmem>>, vector<16xf32>,
        tpu.vector_store %arg14[%swap3A_196, %swap3A_197], %max3A_195 {strides = array<i32>} : memref<40x128xf32, #tpu.memory_space<vmem>>, vector<16xf32>,
        %get3A_199 = arith.index_cast %add3A_175 : i32 to index
        %get3A_200 = arith.constant 32 : index
        %get3A_201 = tpu.vector_load %arg12[%get3A_199, %get3A_200] {strides = array<i32>} : memref<40x128xf32, #tpu.memory_space<vmem>>, vector<16xf32>,
        %get3A_202 = arith.index_cast %add3A_175 : i32 to index
        %get3A_203 = arith.constant 32 : index
        %get3A_204 = tpu.vector_load %arg10[%get3A_202, %get3A_203] {strides = array<i32>} : memref<40x128xf32, #tpu.memory_space<vmem>>, vector<16xf32>,
        %add3A_205 = arith.addf %get3A_201, %get3A_204 : vector<16xf32>
        %max3A_206 = arith.constant 0.000000e+00 : f32
        %max3A_207 = vector.broadcast %max3A_206 : f32 to vector<16xf32>
        %max3A_208 = arith.maximumf %add3A_205, %max3A_207 : vector<16xf32>
        %swap3A_209 = arith.index_cast %add3A_175 : i32 to index
        %swap3A_210 = arith.constant 32 : index
        %swap3A_211 = tpu.vector_load %arg14[%swap3A_209, %swap3A_210] {strides = array<i32>} : memref<40x128xf32, #tpu.memory_space<vmem>>, vector<16xf32>,
        tpu.vector_store %arg14[%swap3A_209, %swap3A_210], %max3A_208 {strides = array<i32>} : memref<40x128xf32, #tpu.memory_space<vmem>>, vector<16xf32>,
        %get3A_212 = arith.index_cast %add3A_175 : i32 to index
        %get3A_213 = arith.constant 48 : index
        %get3A_214 = tpu.vector_load %arg12[%get3A_212, %get3A_213] {strides = array<i32>} : memref<40x128xf32, #tpu.memory_space<vmem>>, vector<16xf32>,
        %get3A_215 = arith.index_cast %add3A_175 : i32 to index
        %get3A_216 = arith.constant 48 : index
        %get3A_217 = tpu.vector_load %arg10[%get3A_215, %get3A_216] {strides = array<i32>} : memref<40x128xf32, #tpu.memory_space<vmem>>, vector<16xf32>,
        %add3A_218 = arith.addf %get3A_214, %get3A_217 : vector<16xf32>
        %max3A_219 = arith.constant 0.000000e+00 : f32
        %max3A_220 = vector.broadcast %max3A_219 : f32 to vector<16xf32>
        %max3A_221 = arith.maximumf %add3A_218, %max3A_220 : vector<16xf32>
        %swap3A_222 = arith.index_cast %add3A_175 : i32 to index
        %swap3A_223 = arith.constant 48 : index
        %swap3A_224 = tpu.vector_load %arg14[%swap3A_222, %swap3A_223] {strides = array<i32>} : memref<40x128xf32, #tpu.memory_space<vmem>>, vector<16xf32>,
        tpu.vector_store %arg14[%swap3A_222, %swap3A_223], %max3A_221 {strides = array<i32>} : memref<40x128xf32, #tpu.memory_space<vmem>>, vector<16xf32>,
        %get3A_225 = arith.index_cast %add3A_175 : i32 to index
        %get3A_226 = arith.constant 64 : index
        %get3A_227 = tpu.vector_load %arg12[%get3A_225, %get3A_226] {strides = array<i32>} : memref<40x128xf32, #tpu.memory_space<vmem>>, vector<16xf32>,
        %get3A_228 = arith.index_cast %add3A_175 : i32 to index
        %get3A_229 = arith.constant 64 : index
        %get3A_230 = tpu.vector_load %arg10[%get3A_228, %get3A_229] {strides = array<i32>} : memref<40x128xf32, #tpu.memory_space<vmem>>, vector<16xf32>,
        %add3A_231 = arith.addf %get3A_227, %get3A_230 : vector<16xf32>
        %max3A_232 = arith.constant 0.000000e+00 : f32
        %max3A_233 = vector.broadcast %max3A_232 : f32 to vector<16xf32>
        %max3A_234 = arith.maximumf %add3A_231, %max3A_233 : vector<16xf32>
        %swap3A_235 = arith.index_cast %add3A_175 : i32 to index
        %swap3A_236 = arith.constant 64 : index
        %swap3A_237 = tpu.vector_load %arg14[%swap3A_235, %swap3A_236] {strides = array<i32>} : memref<40x128xf32, #tpu.memory_space<vmem>>, vector<16xf32>,
        tpu.vector_store %arg14[%swap3A_235, %swap3A_236], %max3A_234 {strides = array<i32>} : memref<40x128xf32, #tpu.memory_space<vmem>>, vector<16xf32>,
        %get3A_238 = arith.index_cast %add3A_175 : i32 to index
        %get3A_239 = arith.constant 80 : index
        %get3A_240 = tpu.vector_load %arg12[%get3A_238, %get3A_239] {strides = array<i32>} : memref<40x128xf32, #tpu.memory_space<vmem>>, vector<16xf32>,
        %get3A_241 = arith.index_cast %add3A_175 : i32 to index
        %get3A_242 = arith.constant 80 : index
        %get3A_243 = tpu.vector_load %arg10[%get3A_241, %get3A_242] {strides = array<i32>} : memref<40x128xf32, #tpu.memory_space<vmem>>, vector<16xf32>,
        %add3A_244 = arith.addf %get3A_240, %get3A_243 : vector<16xf32>
        %max3A_245 = arith.constant 0.000000e+00 : f32
        %max3A_246 = vector.broadcast %max3A_245 : f32 to vector<16xf32>
        %max3A_247 = arith.maximumf %add3A_244, %max3A_246 : vector<16xf32>
        %swap3A_248 = arith.index_cast %add3A_175 : i32 to index
        %swap3A_249 = arith.constant 80 : index
        %swap3A_250 = tpu.vector_load %arg14[%swap3A_248, %swap3A_249] {strides = array<i32>} : memref<40x128xf32, #tpu.memory_space<vmem>>, vector<16xf32>,
        tpu.vector_store %arg14[%swap3A_248, %swap3A_249], %max3A_247 {strides = array<i32>} : memref<40x128xf32, #tpu.memory_space<vmem>>, vector<16xf32>,
        %get3A_251 = arith.index_cast %add3A_175 : i32 to index
        %get3A_252 = arith.constant 96 : index
        %get3A_253 = tpu.vector_load %arg12[%get3A_251, %get3A_252] {strides = array<i32>} : memref<40x128xf32, #tpu.memory_space<vmem>>, vector<16xf32>,
        %get3A_254 = arith.index_cast %add3A_175 : i32 to index
        %get3A_255 = arith.constant 96 : index
        %get3A_256 = tpu.vector_load %arg10[%get3A_254, %get3A_255] {strides = array<i32>} : memref<40x128xf32, #tpu.memory_space<vmem>>, vector<16xf32>,
        %add3A_257 = arith.addf %get3A_253, %get3A_256 : vector<16xf32>
        %max3A_258 = arith.constant 0.000000e+00 : f32
        %max3A_259 = vector.broadcast %max3A_258 : f32 to vector<16xf32>
        %max3A_260 = arith.maximumf %add3A_257, %max3A_259 : vector<16xf32>
        %swap3A_261 = arith.index_cast %add3A_175 : i32 to index
        %swap3A_262 = arith.constant 96 : index
        %swap3A_263 = tpu.vector_load %arg14[%swap3A_261, %swap3A_262] {strides = array<i32>} : memref<40x128xf32, #tpu.memory_space<vmem>>, vector<16xf32>,
        tpu.vector_store %arg14[%swap3A_261, %swap3A_262], %max3A_260 {strides = array<i32>} : memref<40x128xf32, #tpu.memory_space<vmem>>, vector<16xf32>,
        %get3A_264 = arith.index_cast %add3A_175 : i32 to index
        %get3A_265 = arith.constant 112 : index
        %get3A_266 = tpu.vector_load %arg12[%get3A_264, %get3A_265] {strides = array<i32>} : memref<40x128xf32, #tpu.memory_space<vmem>>, vector<16xf32>,
        %get3A_267 = arith.index_cast %add3A_175 : i32 to index
        %get3A_268 = arith.constant 112 : index
        %get3A_269 = tpu.vector_load %arg10[%get3A_267, %get3A_268] {strides = array<i32>} : memref<40x128xf32, #tpu.memory_space<vmem>>, vector<16xf32>,
        %add3A_270 = arith.addf %get3A_266, %get3A_269 : vector<16xf32>
        %max3A_271 = arith.constant 0.000000e+00 : f32
        %max3A_272 = vector.broadcast %max3A_271 : f32 to vector<16xf32>
        %max3A_273 = arith.maximumf %add3A_270, %max3A_272 : vector<16xf32>
        %swap3A_274 = arith.index_cast %add3A_175 : i32 to index
        %swap3A_275 = arith.constant 112 : index
        %swap3A_276 = tpu.vector_load %arg14[%swap3A_274, %swap3A_275] {strides = array<i32>} : memref<40x128xf32, #tpu.memory_space<vmem>>, vector<16xf32>,
        tpu.vector_store %arg14[%swap3A_274, %swap3A_275], %max3A_273 {strides = array<i32>} : memref<40x128xf32, #tpu.memory_space<vmem>>, vector<16xf32>,
      }
      %scan3A_91 = arith.constant 40 : i32
      %dma_start3A_92 = arith.constant 0 : i32
      %dma_start3A_93 = arith.constant 0 : i32
      %dma_start3A_94 = tpu.memref_slice %arg8[%dma_start3A_92, %dma_start3A_93] : memref<1x40xi32, #tpu.memory_space<vmem>> -> memref<1x40xi32, #tpu.memory_space<vmem>>
      %dma_start3A_95 = tpu.memref_squeeze %dma_start3A_94 : memref<1x40xi32, #tpu.memory_space<vmem>> -> memref<40xi32, #tpu.memory_space<vmem>>
      %dma_start3A_96 = arith.constant 0 : i32
      %dma_start3A_97 = arith.constant 0 : i32
      %dma_start3A_98 = tpu.memref_slice %arg16[%dma_start3A_96, %dma_start3A_97] : memref<10240x128xf32, #tpu.memory_space<vmem_shared>> -> memref<10240x128xf32, #tpu.memory_space<vmem_shared>>
      tpu.enqueue_indirect_dma source(%arg14 : memref<40x128xf32, #tpu.memory_space<vmem>>) target(%dma_start3A_98 : memref<10240x128xf32, #tpu.memory_space<vmem_shared>>) offsets(%dma_start3A_95 : memref<40xi32, #tpu.memory_space<vmem>>) semaphore(%arg21 : memref<!tpu.dma_semaphore, #tpu.memory_space<semaphore_mem>>) {add = true}
      %add3A_99 = arith.constant 2 : i32
      %add3A_100 = arith.addi %mul3A_67, %add3A_99 : i32
      %lt3A_101 = arith.constant 250 : i32
      %lt3A_102 = arith.cmpi slt, %add3A_100, %lt3A_101 : i32
      %convert_element_type3A_103 = arith.extui %lt3A_102 : i1 to i32
      %cond3A_104 = arith.constant 0 : i32
      %cond3A_105 = arith.cmpi ne, %convert_element_type3A_103, %cond3A_104 : i32
      scf.if %cond3A_105 {
        %add3A_171 = arith.constant 2 : i32
        %add3A_172 = arith.addi %mul3A_67, %add3A_171 : i32
        %mul3A_173 = arith.constant 40 : i32
        %mul3A_174 = arith.muli %add3A_172, %mul3A_173 : i32
        %multiple_of3A_175 = tpu.assume_multiple %mul3A_174, 8 : i32
        %dma_start3A_176 = tpu.memref_slice %arg7[%multiple_of3A_175] : memref<10000xi32, #tpu.memory_space<vmem>> -> memref<40xi32, #tpu.memory_space<vmem>>
        %dma_start3A_177 = arith.constant 0 : i32
        %dma_start3A_178 = arith.constant 0 : i32
        %dma_start3A_179 = tpu.memref_slice %arg2[%dma_start3A_177, %dma_start3A_178] : memref<10000x128xf32, #tpu.memory_space<hbm>> -> memref<10000x128xf32, #tpu.memory_space<hbm>>
        tpu.enqueue_indirect_dma source(%dma_start3A_179 : memref<10000x128xf32, #tpu.memory_space<hbm>>) target(%arg10 : memref<40x128xf32, #tpu.memory_space<vmem>>) offsets(%dma_start3A_176 : memref<40xi32, #tpu.memory_space<vmem>>) semaphore(%arg17 : memref<!tpu.dma_semaphore, #tpu.memory_space<semaphore_mem>>)
        %add3A_180 = arith.addi %mul3A_2, %multiple_of3A_175 : i32
        %dma_start3A_181 = arith.constant 0 : i32
        %dma_start3A_182 = tpu.memref_slice %arg3[%add3A_180, %dma_start3A_181] : memref<320000x128xf32, #tpu.memory_space<hbm>> -> memref<40x128xf32, #tpu.memory_space<hbm>>
        %dma_start3A_183 = arith.constant 0 : i32
        %dma_start3A_184 = tpu.memref_slice %arg3[%add3A_180, %dma_start3A_183] : memref<320000x128xf32, #tpu.memory_space<hbm>> -> memref<40x128xf32, #tpu.memory_space<hbm>>
        tpu.enqueue_dma source(%dma_start3A_184 : memref<40x128xf32, #tpu.memory_space<hbm>>) target(%arg12 : memref<40x128xf32, #tpu.memory_space<vmem>>) target_semaphore(%arg19 : memref<!tpu.dma_semaphore, #tpu.memory_space<semaphore_mem>>)
      } else {
      }
      %mul3A_106 = arith.constant 40 : i32
      %mul3A_107 = arith.muli %add3A_69, %mul3A_106 : i32
      %multiple_of3A_108 = tpu.assume_multiple %mul3A_107, 8 : i32
      %dma_wait3A_109 = tpu.memref_slice %arg7[%multiple_of3A_108] : memref<10000xi32, #tpu.memory_space<vmem>> -> memref<40xi32, #tpu.memory_space<vmem>>
      %dma_wait3A_110 = arith.constant 0 : i32
      %dma_wait3A_111 = arith.constant 0 : i32
      %dma_wait3A_112 = tpu.memref_slice %arg2[%dma_wait3A_110, %dma_wait3A_111] : memref<10000x128xf32, #tpu.memory_space<hbm>> -> memref<10000x128xf32, #tpu.memory_space<hbm>>
      tpu.wait_indirect_dma semaphore(%arg18 : memref<!tpu.dma_semaphore, #tpu.memory_space<semaphore_mem>>) src(%dma_wait3A_112 : memref<10000x128xf32, #tpu.memory_space<hbm>>) dst(%arg11 : memref<40x128xf32, #tpu.memory_space<vmem>>)
      %add3A_113 = arith.addi %mul3A_2, %multiple_of3A_108 : i32
      %dma_wait3A_114 = arith.constant 0 : i32
      %dma_wait3A_115 = tpu.memref_slice %arg3[%add3A_113, %dma_wait3A_114] : memref<320000x128xf32, #tpu.memory_space<hbm>> -> memref<40x128xf32, #tpu.memory_space<hbm>>
      %dma_wait3A_116 = arith.constant 0 : i32
      %dma_wait3A_117 = tpu.memref_slice %arg3[%add3A_113, %dma_wait3A_116] : memref<320000x128xf32, #tpu.memory_space<hbm>> -> memref<40x128xf32, #tpu.memory_space<hbm>>
      tpu.wait_dma2 semaphore(%arg20 : memref<!tpu.dma_semaphore, #tpu.memory_space<semaphore_mem>>) src(%dma_wait3A_117 : memref<40x128xf32, #tpu.memory_space<hbm>>) dst(%arg13 : memref<40x128xf32, #tpu.memory_space<vmem>>)
      %dma_wait3A_118 = arith.constant 0 : i32
      %dma_wait3A_119 = tpu.memref_slice %arg5[%add3A, %add3A_69, %dma_wait3A_118] : memref<32x250x40xi32, #tpu.memory_space<hbm>> -> memref<1x1x40xi32, #tpu.memory_space<hbm>>
      %dma_wait3A_120 = tpu.memref_squeeze %dma_wait3A_119 : memref<1x1x40xi32, #tpu.memory_space<hbm>> -> memref<1x40xi32, #tpu.memory_space<hbm>>
      %dma_wait3A_121 = arith.constant 0 : i32
      %dma_wait3A_122 = tpu.memref_slice %arg5[%add3A, %add3A_69, %dma_wait3A_121] : memref<32x250x40xi32, #tpu.memory_space<hbm>> -> memref<1x1x40xi32, #tpu.memory_space<hbm>>
      %dma_wait3A_123 = tpu.memref_squeeze %dma_wait3A_122 : memref<1x1x40xi32, #tpu.memory_space<hbm>> -> memref<1x40xi32, #tpu.memory_space<hbm>>
      tpu.wait_dma2 semaphore(%arg24 : memref<!tpu.dma_semaphore, #tpu.memory_space<semaphore_mem>>) src(%dma_wait3A_123 : memref<1x40xi32, #tpu.memory_space<hbm>>) dst(%arg9 : memref<1x40xi32, #tpu.memory_space<vmem>>)
      %scan3A_124 = arith.constant 0 : i32
      %scan3A_125 = arith.constant 40 : i32
      %scan3A_126 = arith.addi %scan3A_124, %scan3A_125 : i32
      %scan3A_127 = arith.constant 1 : i32
      scf.for %scan3A_171 = %scan3A_124 to %scan3A_126 step %scan3A_127  : i32 {
        %mul3A_172 = arith.constant 1 : i32
        %mul3A_173 = arith.muli %scan3A_171, %mul3A_172 : i32
        %add3A_174 = arith.constant 0 : i32
        %add3A_175 = arith.addi %add3A_174, %mul3A_173 : i32
        %get3A = arith.index_cast %add3A_175 : i32 to index
        %get3A_176 = arith.constant 0 : index
        %get3A_177 = tpu.vector_load %arg13[%get3A, %get3A_176] {strides = array<i32>} : memref<40x128xf32, #tpu.memory_space<vmem>>, vector<16xf32>,
        %get3A_178 = arith.index_cast %add3A_175 : i32 to index
        %get3A_179 = arith.constant 0 : index
        %get3A_180 = tpu.vector_load %arg11[%get3A_178, %get3A_179] {strides = array<i32>} : memref<40x128xf32, #tpu.memory_space<vmem>>, vector<16xf32>,
        %add3A_181 = arith.addf %get3A_177, %get3A_180 : vector<16xf32>
        %max3A = arith.constant 0.000000e+00 : f32
        %max3A_182 = vector.broadcast %max3A : f32 to vector<16xf32>
        %max3A_183 = arith.maximumf %add3A_181, %max3A_182 : vector<16xf32>
        %swap3A = arith.index_cast %add3A_175 : i32 to index
        %swap3A_184 = arith.constant 0 : index
        %swap3A_185 = tpu.vector_load %arg15[%swap3A, %swap3A_184] {strides = array<i32>} : memref<40x128xf32, #tpu.memory_space<vmem>>, vector<16xf32>,
        tpu.vector_store %arg15[%swap3A, %swap3A_184], %max3A_183 {strides = array<i32>} : memref<40x128xf32, #tpu.memory_space<vmem>>, vector<16xf32>,
        %get3A_186 = arith.index_cast %add3A_175 : i32 to index
        %get3A_187 = arith.constant 16 : index
        %get3A_188 = tpu.vector_load %arg13[%get3A_186, %get3A_187] {strides = array<i32>} : memref<40x128xf32, #tpu.memory_space<vmem>>, vector<16xf32>,
        %get3A_189 = arith.index_cast %add3A_175 : i32 to index
        %get3A_190 = arith.constant 16 : index
        %get3A_191 = tpu.vector_load %arg11[%get3A_189, %get3A_190] {strides = array<i32>} : memref<40x128xf32, #tpu.memory_space<vmem>>, vector<16xf32>,
        %add3A_192 = arith.addf %get3A_188, %get3A_191 : vector<16xf32>
        %max3A_193 = arith.constant 0.000000e+00 : f32
        %max3A_194 = vector.broadcast %max3A_193 : f32 to vector<16xf32>
        %max3A_195 = arith.maximumf %add3A_192, %max3A_194 : vector<16xf32>
        %swap3A_196 = arith.index_cast %add3A_175 : i32 to index
        %swap3A_197 = arith.constant 16 : index
        %swap3A_198 = tpu.vector_load %arg15[%swap3A_196, %swap3A_197] {strides = array<i32>} : memref<40x128xf32, #tpu.memory_space<vmem>>, vector<16xf32>,
        tpu.vector_store %arg15[%swap3A_196, %swap3A_197], %max3A_195 {strides = array<i32>} : memref<40x128xf32, #tpu.memory_space<vmem>>, vector<16xf32>,
        %get3A_199 = arith.index_cast %add3A_175 : i32 to index
        %get3A_200 = arith.constant 32 : index
        %get3A_201 = tpu.vector_load %arg13[%get3A_199, %get3A_200] {strides = array<i32>} : memref<40x128xf32, #tpu.memory_space<vmem>>, vector<16xf32>,
        %get3A_202 = arith.index_cast %add3A_175 : i32 to index
        %get3A_203 = arith.constant 32 : index
        %get3A_204 = tpu.vector_load %arg11[%get3A_202, %get3A_203] {strides = array<i32>} : memref<40x128xf32, #tpu.memory_space<vmem>>, vector<16xf32>,
        %add3A_205 = arith.addf %get3A_201, %get3A_204 : vector<16xf32>
        %max3A_206 = arith.constant 0.000000e+00 : f32
        %max3A_207 = vector.broadcast %max3A_206 : f32 to vector<16xf32>
        %max3A_208 = arith.maximumf %add3A_205, %max3A_207 : vector<16xf32>
        %swap3A_209 = arith.index_cast %add3A_175 : i32 to index
        %swap3A_210 = arith.constant 32 : index
        %swap3A_211 = tpu.vector_load %arg15[%swap3A_209, %swap3A_210] {strides = array<i32>} : memref<40x128xf32, #tpu.memory_space<vmem>>, vector<16xf32>,
        tpu.vector_store %arg15[%swap3A_209, %swap3A_210], %max3A_208 {strides = array<i32>} : memref<40x128xf32, #tpu.memory_space<vmem>>, vector<16xf32>,
        %get3A_212 = arith.index_cast %add3A_175 : i32 to index
        %get3A_213 = arith.constant 48 : index
        %get3A_214 = tpu.vector_load %arg13[%get3A_212, %get3A_213] {strides = array<i32>} : memref<40x128xf32, #tpu.memory_space<vmem>>, vector<16xf32>,
        %get3A_215 = arith.index_cast %add3A_175 : i32 to index
        %get3A_216 = arith.constant 48 : index
        %get3A_217 = tpu.vector_load %arg11[%get3A_215, %get3A_216] {strides = array<i32>} : memref<40x128xf32, #tpu.memory_space<vmem>>, vector<16xf32>,
        %add3A_218 = arith.addf %get3A_214, %get3A_217 : vector<16xf32>
        %max3A_219 = arith.constant 0.000000e+00 : f32
        %max3A_220 = vector.broadcast %max3A_219 : f32 to vector<16xf32>
        %max3A_221 = arith.maximumf %add3A_218, %max3A_220 : vector<16xf32>
        %swap3A_222 = arith.index_cast %add3A_175 : i32 to index
        %swap3A_223 = arith.constant 48 : index
        %swap3A_224 = tpu.vector_load %arg15[%swap3A_222, %swap3A_223] {strides = array<i32>} : memref<40x128xf32, #tpu.memory_space<vmem>>, vector<16xf32>,
        tpu.vector_store %arg15[%swap3A_222, %swap3A_223], %max3A_221 {strides = array<i32>} : memref<40x128xf32, #tpu.memory_space<vmem>>, vector<16xf32>,
        %get3A_225 = arith.index_cast %add3A_175 : i32 to index
        %get3A_226 = arith.constant 64 : index
        %get3A_227 = tpu.vector_load %arg13[%get3A_225, %get3A_226] {strides = array<i32>} : memref<40x128xf32, #tpu.memory_space<vmem>>, vector<16xf32>,
        %get3A_228 = arith.index_cast %add3A_175 : i32 to index
        %get3A_229 = arith.constant 64 : index
        %get3A_230 = tpu.vector_load %arg11[%get3A_228, %get3A_229] {strides = array<i32>} : memref<40x128xf32, #tpu.memory_space<vmem>>, vector<16xf32>,
        %add3A_231 = arith.addf %get3A_227, %get3A_230 : vector<16xf32>
        %max3A_232 = arith.constant 0.000000e+00 : f32
        %max3A_233 = vector.broadcast %max3A_232 : f32 to vector<16xf32>
        %max3A_234 = arith.maximumf %add3A_231, %max3A_233 : vector<16xf32>
        %swap3A_235 = arith.index_cast %add3A_175 : i32 to index
        %swap3A_236 = arith.constant 64 : index
        %swap3A_237 = tpu.vector_load %arg15[%swap3A_235, %swap3A_236] {strides = array<i32>} : memref<40x128xf32, #tpu.memory_space<vmem>>, vector<16xf32>,
        tpu.vector_store %arg15[%swap3A_235, %swap3A_236], %max3A_234 {strides = array<i32>} : memref<40x128xf32, #tpu.memory_space<vmem>>, vector<16xf32>,
        %get3A_238 = arith.index_cast %add3A_175 : i32 to index
        %get3A_239 = arith.constant 80 : index
        %get3A_240 = tpu.vector_load %arg13[%get3A_238, %get3A_239] {strides = array<i32>} : memref<40x128xf32, #tpu.memory_space<vmem>>, vector<16xf32>,
        %get3A_241 = arith.index_cast %add3A_175 : i32 to index
        %get3A_242 = arith.constant 80 : index
        %get3A_243 = tpu.vector_load %arg11[%get3A_241, %get3A_242] {strides = array<i32>} : memref<40x128xf32, #tpu.memory_space<vmem>>, vector<16xf32>,
        %add3A_244 = arith.addf %get3A_240, %get3A_243 : vector<16xf32>
        %max3A_245 = arith.constant 0.000000e+00 : f32
        %max3A_246 = vector.broadcast %max3A_245 : f32 to vector<16xf32>
        %max3A_247 = arith.maximumf %add3A_244, %max3A_246 : vector<16xf32>
        %swap3A_248 = arith.index_cast %add3A_175 : i32 to index
        %swap3A_249 = arith.constant 80 : index
        %swap3A_250 = tpu.vector_load %arg15[%swap3A_248, %swap3A_249] {strides = array<i32>} : memref<40x128xf32, #tpu.memory_space<vmem>>, vector<16xf32>,
        tpu.vector_store %arg15[%swap3A_248, %swap3A_249], %max3A_247 {strides = array<i32>} : memref<40x128xf32, #tpu.memory_space<vmem>>, vector<16xf32>,
        %get3A_251 = arith.index_cast %add3A_175 : i32 to index
        %get3A_252 = arith.constant 96 : index
        %get3A_253 = tpu.vector_load %arg13[%get3A_251, %get3A_252] {strides = array<i32>} : memref<40x128xf32, #tpu.memory_space<vmem>>, vector<16xf32>,
        %get3A_254 = arith.index_cast %add3A_175 : i32 to index
        %get3A_255 = arith.constant 96 : index
        %get3A_256 = tpu.vector_load %arg11[%get3A_254, %get3A_255] {strides = array<i32>} : memref<40x128xf32, #tpu.memory_space<vmem>>, vector<16xf32>,
        %add3A_257 = arith.addf %get3A_253, %get3A_256 : vector<16xf32>
        %max3A_258 = arith.constant 0.000000e+00 : f32
        %max3A_259 = vector.broadcast %max3A_258 : f32 to vector<16xf32>
        %max3A_260 = arith.maximumf %add3A_257, %max3A_259 : vector<16xf32>
        %swap3A_261 = arith.index_cast %add3A_175 : i32 to index
        %swap3A_262 = arith.constant 96 : index
        %swap3A_263 = tpu.vector_load %arg15[%swap3A_261, %swap3A_262] {strides = array<i32>} : memref<40x128xf32, #tpu.memory_space<vmem>>, vector<16xf32>,
        tpu.vector_store %arg15[%swap3A_261, %swap3A_262], %max3A_260 {strides = array<i32>} : memref<40x128xf32, #tpu.memory_space<vmem>>, vector<16xf32>,
        %get3A_264 = arith.index_cast %add3A_175 : i32 to index
        %get3A_265 = arith.constant 112 : index
        %get3A_266 = tpu.vector_load %arg13[%get3A_264, %get3A_265] {strides = array<i32>} : memref<40x128xf32, #tpu.memory_space<vmem>>, vector<16xf32>,
        %get3A_267 = arith.index_cast %add3A_175 : i32 to index
        %get3A_268 = arith.constant 112 : index
        %get3A_269 = tpu.vector_load %arg11[%get3A_267, %get3A_268] {strides = array<i32>} : memref<40x128xf32, #tpu.memory_space<vmem>>, vector<16xf32>,
        %add3A_270 = arith.addf %get3A_266, %get3A_269 : vector<16xf32>
        %max3A_271 = arith.constant 0.000000e+00 : f32
        %max3A_272 = vector.broadcast %max3A_271 : f32 to vector<16xf32>
        %max3A_273 = arith.maximumf %add3A_270, %max3A_272 : vector<16xf32>
        %swap3A_274 = arith.index_cast %add3A_175 : i32 to index
        %swap3A_275 = arith.constant 112 : index
        %swap3A_276 = tpu.vector_load %arg15[%swap3A_274, %swap3A_275] {strides = array<i32>} : memref<40x128xf32, #tpu.memory_space<vmem>>, vector<16xf32>,
        tpu.vector_store %arg15[%swap3A_274, %swap3A_275], %max3A_273 {strides = array<i32>} : memref<40x128xf32, #tpu.memory_space<vmem>>, vector<16xf32>,
      }
      %scan3A_128 = arith.constant 40 : i32
      %dma_start3A_129 = arith.constant 0 : i32
      %dma_start3A_130 = arith.constant 0 : i32
      %dma_start3A_131 = tpu.memref_slice %arg9[%dma_start3A_129, %dma_start3A_130] : memref<1x40xi32, #tpu.memory_space<vmem>> -> memref<1x40xi32, #tpu.memory_space<vmem>>
      %dma_start3A_132 = tpu.memref_squeeze %dma_start3A_131 : memref<1x40xi32, #tpu.memory_space<vmem>> -> memref<40xi32, #tpu.memory_space<vmem>>
      %dma_start3A_133 = arith.constant 0 : i32
      %dma_start3A_134 = arith.constant 0 : i32
      %dma_start3A_135 = tpu.memref_slice %arg16[%dma_start3A_133, %dma_start3A_134] : memref<10240x128xf32, #tpu.memory_space<vmem_shared>> -> memref<10240x128xf32, #tpu.memory_space<vmem_shared>>
      tpu.enqueue_indirect_dma source(%arg15 : memref<40x128xf32, #tpu.memory_space<vmem>>) target(%dma_start3A_135 : memref<10240x128xf32, #tpu.memory_space<vmem_shared>>) offsets(%dma_start3A_132 : memref<40xi32, #tpu.memory_space<vmem>>) semaphore(%arg22 : memref<!tpu.dma_semaphore, #tpu.memory_space<semaphore_mem>>) {add = true}
      %add3A_136 = arith.constant 2 : i32
      %add3A_137 = arith.addi %add3A_69, %add3A_136 : i32
      %lt3A_138 = arith.constant 250 : i32
      %lt3A_139 = arith.cmpi slt, %add3A_137, %lt3A_138 : i32
      %convert_element_type3A_140 = arith.extui %lt3A_139 : i1 to i32
      %cond3A_141 = arith.constant 0 : i32
      %cond3A_142 = arith.cmpi ne, %convert_element_type3A_140, %cond3A_141 : i32
      scf.if %cond3A_142 {
        %add3A_171 = arith.constant 2 : i32
        %add3A_172 = arith.addi %add3A_69, %add3A_171 : i32
        %mul3A_173 = arith.constant 40 : i32
        %mul3A_174 = arith.muli %add3A_172, %mul3A_173 : i32
        %multiple_of3A_175 = tpu.assume_multiple %mul3A_174, 8 : i32
        %dma_start3A_176 = tpu.memref_slice %arg7[%multiple_of3A_175] : memref<10000xi32, #tpu.memory_space<vmem>> -> memref<40xi32, #tpu.memory_space<vmem>>
        %dma_start3A_177 = arith.constant 0 : i32
        %dma_start3A_178 = arith.constant 0 : i32
        %dma_start3A_179 = tpu.memref_slice %arg2[%dma_start3A_177, %dma_start3A_178] : memref<10000x128xf32, #tpu.memory_space<hbm>> -> memref<10000x128xf32, #tpu.memory_space<hbm>>
        tpu.enqueue_indirect_dma source(%dma_start3A_179 : memref<10000x128xf32, #tpu.memory_space<hbm>>) target(%arg11 : memref<40x128xf32, #tpu.memory_space<vmem>>) offsets(%dma_start3A_176 : memref<40xi32, #tpu.memory_space<vmem>>) semaphore(%arg18 : memref<!tpu.dma_semaphore, #tpu.memory_space<semaphore_mem>>)
        %add3A_180 = arith.addi %mul3A_2, %multiple_of3A_175 : i32
        %dma_start3A_181 = arith.constant 0 : i32
        %dma_start3A_182 = tpu.memref_slice %arg3[%add3A_180, %dma_start3A_181] : memref<320000x128xf32, #tpu.memory_space<hbm>> -> memref<40x128xf32, #tpu.memory_space<hbm>>
        %dma_start3A_183 = arith.constant 0 : i32
        %dma_start3A_184 = tpu.memref_slice %arg3[%add3A_180, %dma_start3A_183] : memref<320000x128xf32, #tpu.memory_space<hbm>> -> memref<40x128xf32, #tpu.memory_space<hbm>>
        tpu.enqueue_dma source(%dma_start3A_184 : memref<40x128xf32, #tpu.memory_space<hbm>>) target(%arg13 : memref<40x128xf32, #tpu.memory_space<vmem>>) target_semaphore(%arg20 : memref<!tpu.dma_semaphore, #tpu.memory_space<semaphore_mem>>)
      } else {
      }
      %dma_wait3A_143 = arith.constant 0 : i32
      %dma_wait3A_144 = arith.constant 0 : i32
      %dma_wait3A_145 = tpu.memref_slice %arg8[%dma_wait3A_143, %dma_wait3A_144] : memref<1x40xi32, #tpu.memory_space<vmem>> -> memref<1x40xi32, #tpu.memory_space<vmem>>
      %dma_wait3A_146 = tpu.memref_squeeze %dma_wait3A_145 : memref<1x40xi32, #tpu.memory_space<vmem>> -> memref<40xi32, #tpu.memory_space<vmem>>
      %dma_wait3A_147 = arith.constant 0 : i32
      %dma_wait3A_148 = arith.constant 0 : i32
      %dma_wait3A_149 = tpu.memref_slice %arg16[%dma_wait3A_147, %dma_wait3A_148] : memref<10240x128xf32, #tpu.memory_space<vmem_shared>> -> memref<10240x128xf32, #tpu.memory_space<vmem_shared>>
      tpu.wait_indirect_dma semaphore(%arg21 : memref<!tpu.dma_semaphore, #tpu.memory_space<semaphore_mem>>) src(%arg14 : memref<40x128xf32, #tpu.memory_space<vmem>>) dst(%dma_wait3A_149 : memref<10240x128xf32, #tpu.memory_space<vmem_shared>>)
      %add3A_150 = arith.constant 2 : i32
      %add3A_151 = arith.addi %mul3A_67, %add3A_150 : i32
      %lt3A_152 = arith.constant 250 : i32
      %lt3A_153 = arith.cmpi slt, %add3A_151, %lt3A_152 : i32
      %convert_element_type3A_154 = arith.extui %lt3A_153 : i1 to i32
      %cond3A_155 = arith.constant 0 : i32
      %cond3A_156 = arith.cmpi ne, %convert_element_type3A_154, %cond3A_155 : i32
      scf.if %cond3A_156 {
        %add3A_171 = arith.constant 2 : i32
        %add3A_172 = arith.addi %mul3A_67, %add3A_171 : i32
        %dma_start3A_173 = arith.constant 0 : i32
        %dma_start3A_174 = tpu.memref_slice %arg5[%add3A, %add3A_172, %dma_start3A_173] : memref<32x250x40xi32, #tpu.memory_space<hbm>> -> memref<1x1x40xi32, #tpu.memory_space<hbm>>
        %dma_start3A_175 = tpu.memref_squeeze %dma_start3A_174 : memref<1x1x40xi32, #tpu.memory_space<hbm>> -> memref<1x40xi32, #tpu.memory_space<hbm>>
        %dma_start3A_176 = arith.constant 0 : i32
        %dma_start3A_177 = tpu.memref_slice %arg5[%add3A, %add3A_172, %dma_start3A_176] : memref<32x250x40xi32, #tpu.memory_space<hbm>> -> memref<1x1x40xi32, #tpu.memory_space<hbm>>
        %dma_start3A_178 = tpu.memref_squeeze %dma_start3A_177 : memref<1x1x40xi32, #tpu.memory_space<hbm>> -> memref<1x40xi32, #tpu.memory_space<hbm>>
        tpu.enqueue_dma source(%dma_start3A_178 : memref<1x40xi32, #tpu.memory_space<hbm>>) target(%arg8 : memref<1x40xi32, #tpu.memory_space<vmem>>) target_semaphore(%arg23 : memref<!tpu.dma_semaphore, #tpu.memory_space<semaphore_mem>>)
      } else {
      }
      %dma_wait3A_157 = arith.constant 0 : i32
      %dma_wait3A_158 = arith.constant 0 : i32
      %dma_wait3A_159 = tpu.memref_slice %arg9[%dma_wait3A_157, %dma_wait3A_158] : memref<1x40xi32, #tpu.memory_space<vmem>> -> memref<1x40xi32, #tpu.memory_space<vmem>>
      %dma_wait3A_160 = tpu.memref_squeeze %dma_wait3A_159 : memref<1x40xi32, #tpu.memory_space<vmem>> -> memref<40xi32, #tpu.memory_space<vmem>>
      %dma_wait3A_161 = arith.constant 0 : i32
      %dma_wait3A_162 = arith.constant 0 : i32
      %dma_wait3A_163 = tpu.memref_slice %arg16[%dma_wait3A_161, %dma_wait3A_162] : memref<10240x128xf32, #tpu.memory_space<vmem_shared>> -> memref<10240x128xf32, #tpu.memory_space<vmem_shared>>
      tpu.wait_indirect_dma semaphore(%arg22 : memref<!tpu.dma_semaphore, #tpu.memory_space<semaphore_mem>>) src(%arg15 : memref<40x128xf32, #tpu.memory_space<vmem>>) dst(%dma_wait3A_163 : memref<10240x128xf32, #tpu.memory_space<vmem_shared>>)
      %add3A_164 = arith.constant 2 : i32
      %add3A_165 = arith.addi %add3A_69, %add3A_164 : i32
      %lt3A_166 = arith.constant 250 : i32
      %lt3A_167 = arith.cmpi slt, %add3A_165, %lt3A_166 : i32
      %convert_element_type3A_168 = arith.extui %lt3A_167 : i1 to i32
      %cond3A_169 = arith.constant 0 : i32
      %cond3A_170 = arith.cmpi ne, %convert_element_type3A_168, %cond3A_169 : i32
      scf.if %cond3A_170 {
        %add3A_171 = arith.constant 2 : i32
        %add3A_172 = arith.addi %add3A_69, %add3A_171 : i32
        %dma_start3A_173 = arith.constant 0 : i32
        %dma_start3A_174 = tpu.memref_slice %arg5[%add3A, %add3A_172, %dma_start3A_173] : memref<32x250x40xi32, #tpu.memory_space<hbm>> -> memref<1x1x40xi32, #tpu.memory_space<hbm>>
        %dma_start3A_175 = tpu.memref_squeeze %dma_start3A_174 : memref<1x1x40xi32, #tpu.memory_space<hbm>> -> memref<1x40xi32, #tpu.memory_space<hbm>>
        %dma_start3A_176 = arith.constant 0 : i32
        %dma_start3A_177 = tpu.memref_slice %arg5[%add3A, %add3A_172, %dma_start3A_176] : memref<32x250x40xi32, #tpu.memory_space<hbm>> -> memref<1x1x40xi32, #tpu.memory_space<hbm>>
        %dma_start3A_178 = tpu.memref_squeeze %dma_start3A_177 : memref<1x1x40xi32, #tpu.memory_space<hbm>> -> memref<1x40xi32, #tpu.memory_space<hbm>>
        tpu.enqueue_dma source(%dma_start3A_178 : memref<1x40xi32, #tpu.memory_space<hbm>>) target(%arg9 : memref<1x40xi32, #tpu.memory_space<vmem>>) target_semaphore(%arg24 : memref<!tpu.dma_semaphore, #tpu.memory_space<semaphore_mem>>)
      } else {
      }
    }
    %scan3A_53 = arith.constant 125 : i32
    %barrier3A_54 = arith.constant 0 : index
    tpu.barrier barrier_id(%barrier3A_54)
    %lt3A = arith.constant 15 : i32
    %lt3A_55 = arith.cmpi slt, %arg1, %lt3A : i32
    %convert_element_type3A = arith.extui %lt3A_55 : i1 to i32
    %cond3A = arith.constant 0 : i32
    %cond3A_56 = arith.cmpi ne, %convert_element_type3A, %cond3A : i32
    scf.if %cond3A_56 {
      %mul3A_61 = arith.constant 640 : i32
      %mul3A_62 = arith.muli %arg1, %mul3A_61 : i32
      %mul3A_63 = arith.constant 640 : i32
      %mul3A_64 = arith.muli %arg1, %mul3A_63 : i32
      "tpu.region"() ({
        %run_scoped3A = tpu.sem_alloc : memref<!tpu.dma_semaphore, #tpu.memory_space<semaphore_mem>>
        %dma_start3A_65 = arith.constant 0 : i32
        %dma_start3A_66 = tpu.memref_slice %arg6[%arg0, %mul3A_64, %dma_start3A_65] : memref<2x10000x128xf32, #tpu.memory_space<hbm>> -> memref<1x640x128xf32, #tpu.memory_space<hbm>>
        %dma_start3A_67 = tpu.memref_squeeze %dma_start3A_66 : memref<1x640x128xf32, #tpu.memory_space<hbm>> -> memref<640x128xf32, #tpu.memory_space<hbm>>
        %dma_start3A_68 = arith.constant 0 : i32
        %dma_start3A_69 = tpu.memref_slice %arg16[%mul3A_62, %dma_start3A_68] : memref<10240x128xf32, #tpu.memory_space<vmem_shared>> -> memref<640x128xf32, #tpu.memory_space<vmem_shared>>
        tpu.enqueue_dma source(%dma_start3A_69 : memref<640x128xf32, #tpu.memory_space<vmem_shared>>) target(%dma_start3A_67 : memref<640x128xf32, #tpu.memory_space<hbm>>) target_semaphore(%run_scoped3A : memref<!tpu.dma_semaphore, #tpu.memory_space<semaphore_mem>>)
        %dma_wait3A = arith.constant 0 : i32
        %dma_wait3A_70 = tpu.memref_slice %arg6[%arg0, %mul3A_64, %dma_wait3A] : memref<2x10000x128xf32, #tpu.memory_space<hbm>> -> memref<1x640x128xf32, #tpu.memory_space<hbm>>
        %dma_wait3A_71 = tpu.memref_squeeze %dma_wait3A_70 : memref<1x640x128xf32, #tpu.memory_space<hbm>> -> memref<640x128xf32, #tpu.memory_space<hbm>>
        %dma_wait3A_72 = arith.constant 0 : i32
        %dma_wait3A_73 = tpu.memref_slice %arg16[%mul3A_62, %dma_wait3A_72] : memref<10240x128xf32, #tpu.memory_space<vmem_shared>> -> memref<640x128xf32, #tpu.memory_space<vmem_shared>>
        tpu.wait_dma2 semaphore(%run_scoped3A : memref<!tpu.dma_semaphore, #tpu.memory_space<semaphore_mem>>) src(%dma_wait3A_73 : memref<640x128xf32, #tpu.memory_space<vmem_shared>>) dst(%dma_wait3A_71 : memref<640x128xf32, #tpu.memory_space<hbm>>)
        tpu.yield
      }) : () -> ()
    } else {
    }
    %eq3A = arith.constant 15 : i32
    %eq3A_57 = arith.cmpi eq, %arg1, %eq3A : i32
    %convert_element_type3A_58 = arith.extui %eq3A_57 : i1 to i32
    %cond3A_59 = arith.constant 0 : i32
    %cond3A_60 = arith.cmpi ne, %convert_element_type3A_58, %cond3A_59 : i32
    scf.if %cond3A_60 {
      "tpu.region"() ({
        %run_scoped3A = tpu.sem_alloc : memref<!tpu.dma_semaphore, #tpu.memory_space<semaphore_mem>>
        %dma_start3A_61 = arith.constant 9600 : i32
        %dma_start3A_62 = arith.constant 0 : i32
        %dma_start3A_63 = tpu.memref_slice %arg6[%arg0, %dma_start3A_61, %dma_start3A_62] : memref<2x10000x128xf32, #tpu.memory_space<hbm>> -> memref<1x400x128xf32, #tpu.memory_space<hbm>>
        %dma_start3A_64 = tpu.memref_squeeze %dma_start3A_63 : memref<1x400x128xf32, #tpu.memory_space<hbm>> -> memref<400x128xf32, #tpu.memory_space<hbm>>
        %dma_start3A_65 = arith.constant 9600 : i32
        %dma_start3A_66 = arith.constant 0 : i32
        %dma_start3A_67 = tpu.memref_slice %arg16[%dma_start3A_65, %dma_start3A_66] : memref<10240x128xf32, #tpu.memory_space<vmem_shared>> -> memref<400x128xf32, #tpu.memory_space<vmem_shared>>
        tpu.enqueue_dma source(%dma_start3A_67 : memref<400x128xf32, #tpu.memory_space<vmem_shared>>) target(%dma_start3A_64 : memref<400x128xf32, #tpu.memory_space<hbm>>) target_semaphore(%run_scoped3A : memref<!tpu.dma_semaphore, #tpu.memory_space<semaphore_mem>>)
        %dma_wait3A = arith.constant 9600 : i32
        %dma_wait3A_68 = arith.constant 0 : i32
        %dma_wait3A_69 = tpu.memref_slice %arg6[%arg0, %dma_wait3A, %dma_wait3A_68] : memref<2x10000x128xf32, #tpu.memory_space<hbm>> -> memref<1x400x128xf32, #tpu.memory_space<hbm>>
        %dma_wait3A_70 = tpu.memref_squeeze %dma_wait3A_69 : memref<1x400x128xf32, #tpu.memory_space<hbm>> -> memref<400x128xf32, #tpu.memory_space<hbm>>
        %dma_wait3A_71 = arith.constant 9600 : i32
        %dma_wait3A_72 = arith.constant 0 : i32
        %dma_wait3A_73 = tpu.memref_slice %arg16[%dma_wait3A_71, %dma_wait3A_72] : memref<10240x128xf32, #tpu.memory_space<vmem_shared>> -> memref<400x128xf32, #tpu.memory_space<vmem_shared>>
        tpu.wait_dma2 semaphore(%run_scoped3A : memref<!tpu.dma_semaphore, #tpu.memory_space<semaphore_mem>>) src(%dma_wait3A_73 : memref<400x128xf32, #tpu.memory_space<vmem_shared>>) dst(%dma_wait3A_70 : memref<400x128xf32, #tpu.memory_space<hbm>>)
        tpu.yield
      }) : () -> ()
    } else {
    }
    return
  }
}

#map = affine_map<(d0, d1) -> (0, 0)>
#map1 = affine_map<(d0, d1) -> (0)>
#map2 = affine_map<(d0, d1) -> (0, 0, 0)>
module attributes {stable_mosaic.version = 14 : i64} {
  func.func @k(%arg0: i32, %arg1: i32, %arg2: memref<10000x128xf32, #tpu.memory_space<hbm>>, %arg3: memref<320000x128xf32, #tpu.memory_space<hbm>>, %arg4: memref<320000xi32, #tpu.memory_space<hbm>>, %arg5: memref<32x250x40xi32, #tpu.memory_space<hbm>>, %arg6: memref<2x10000x128xf32, #tpu.memory_space<hbm>>, %arg7: memref<10000xi32, #tpu.memory_space<vmem>>, %arg8: memref<1x40xi32, #tpu.memory_space<vmem>>, %arg9: memref<1x40xi32, #tpu.memory_space<vmem>>, %arg10: memref<40x128xf32, #tpu.memory_space<vmem>>, %arg11: memref<40x128xf32, #tpu.memory_space<vmem>>, %arg12: memref<40x128xf32, #tpu.memory_space<vmem>>, %arg13: memref<40x128xf32, #tpu.memory_space<vmem>>, %arg14: memref<40x128xf32, #tpu.memory_space<vmem>>, %arg15: memref<40x128xf32, #tpu.memory_space<vmem>>, %arg16: memref<10240x128xf32, #tpu.memory_space<vmem_shared>>, %arg17: memref<!tpu.dma_semaphore, #tpu.memory_space<semaphore_mem>>, %arg18: memref<!tpu.dma_semaphore, #tpu.memory_space<semaphore_mem>>, %arg19: memref<!tpu.dma_semaphore, #tpu.memory_space<semaphore_mem>>, %arg20: memref<!tpu.dma_semaphore, #tpu.memory_space<semaphore_mem>>, %arg21: memref<!tpu.dma_semaphore, #tpu.memory_space<semaphore_mem>>, %arg22: memref<!tpu.dma_semaphore, #tpu.memory_space<semaphore_mem>>, %arg23: memref<!tpu.dma_semaphore, #tpu.memory_space<semaphore_mem>>, %arg24: memref<!tpu.dma_semaphore, #tpu.memory_space<semaphore_mem>>) attributes {dimension_semantics = [#tpu.dimension_semantics<core_parallel>, #tpu.dimension_semantics<subcore_parallel>], iteration_bounds = array<i64: 2, 16>, scalar_prefetch = 0 : i64, scratch_operands = 18 : i64, tpu.core_type = #tpu.core_type<sc_vector_subcore>, window_params = [{transform_indices = #map}, {transform_indices = #map}, {transform_indices = #map1}, {transform_indices = #map2}, {transform_indices = #map2}]} {
    %mul3A = arith.constant 16 : i32
    %mul3A_0 = arith.muli %arg0, %mul3A : i32
    %add3A = arith.addi %mul3A_0, %arg1 : i32
    %mul3A_1 = arith.constant 10000 : i32
    %mul3A_2 = arith.muli %add3A, %mul3A_1 : i32
    "tpu.region"() ({
      %run_scoped3A = tpu.sem_alloc : memref<!tpu.dma_semaphore, #tpu.memory_space<semaphore_mem>>
      %dma_start3A_61 = tpu.memref_slice %arg4[%mul3A_2] : memref<320000xi32, #tpu.memory_space<hbm>> -> memref<10000xi32, #tpu.memory_space<hbm>>
      %dma_start3A_62 = tpu.memref_slice %arg4[%mul3A_2] : memref<320000xi32, #tpu.memory_space<hbm>> -> memref<10000xi32, #tpu.memory_space<hbm>>
      tpu.enqueue_dma source(%dma_start3A_62 : memref<10000xi32, #tpu.memory_space<hbm>>) target(%arg7 : memref<10000xi32, #tpu.memory_space<vmem>>) target_semaphore(%run_scoped3A : memref<!tpu.dma_semaphore, #tpu.memory_space<semaphore_mem>>)
      %dma_wait3A = tpu.memref_slice %arg4[%mul3A_2] : memref<320000xi32, #tpu.memory_space<hbm>> -> memref<10000xi32, #tpu.memory_space<hbm>>
      %dma_wait3A_63 = tpu.memref_slice %arg4[%mul3A_2] : memref<320000xi32, #tpu.memory_space<hbm>> -> memref<10000xi32, #tpu.memory_space<hbm>>
      tpu.wait_dma2 semaphore(%run_scoped3A : memref<!tpu.dma_semaphore, #tpu.memory_space<semaphore_mem>>) src(%dma_wait3A_63 : memref<10000xi32, #tpu.memory_space<hbm>>) dst(%arg7 : memref<10000xi32, #tpu.memory_space<vmem>>)
      tpu.yield
    }) : () -> ()
    %broadcast_in_dim3A = arith.constant 0.000000e+00 : f32
    %broadcast_in_dim3A_3 = vector.broadcast %broadcast_in_dim3A : f32 to vector<16xf32>
    %scan3A = arith.constant 0 : i32
    %scan3A_4 = arith.constant 40 : i32
    %scan3A_5 = arith.addi %scan3A, %scan3A_4 : i32
    %scan3A_6 = arith.constant 1 : i32
    scf.for %scan3A_61 = %scan3A to %scan3A_5 step %scan3A_6  : i32 {
      %mul3A_62 = arith.constant 1 : i32
      %mul3A_63 = arith.muli %scan3A_61, %mul3A_62 : i32
      %add3A_64 = arith.constant 0 : i32
      %add3A_65 = arith.addi %add3A_64, %mul3A_63 : i32
      %swap3A = arith.index_cast %add3A_65 : i32 to index
      %swap3A_66 = arith.constant 0 : index
      %swap3A_67 = tpu.vector_load %arg14[%swap3A, %swap3A_66] {strides = array<i32>} : memref<40x128xf32, #tpu.memory_space<vmem>>, vector<16xf32>,
      tpu.vector_store %arg14[%swap3A, %swap3A_66], %broadcast_in_dim3A_3 {strides = array<i32>} : memref<40x128xf32, #tpu.memory_space<vmem>>, vector<16xf32>,
      %swap3A_68 = arith.index_cast %add3A_65 : i32 to index
      %swap3A_69 = arith.constant 16 : index
      %swap3A_70 = tpu.vector_load %arg14[%swap3A_68, %swap3A_69] {strides = array<i32>} : memref<40x128xf32, #tpu.memory_space<vmem>>, vector<16xf32>,
      tpu.vector_store %arg14[%swap3A_68, %swap3A_69], %broadcast_in_dim3A_3 {strides = array<i32>} : memref<40x128xf32, #tpu.memory_space<vmem>>, vector<16xf32>,
      %swap3A_71 = arith.index_cast %add3A_65 : i32 to index
      %swap3A_72 = arith.constant 32 : index
      %swap3A_73 = tpu.vector_load %arg14[%swap3A_71, %swap3A_72] {strides = array<i32>} : memref<40x128xf32, #tpu.memory_space<vmem>>, vector<16xf32>,
      tpu.vector_store %arg14[%swap3A_71, %swap3A_72], %broadcast_in_dim3A_3 {strides = array<i32>} : memref<40x128xf32, #tpu.memory_space<vmem>>, vector<16xf32>,
      %swap3A_74 = arith.index_cast %add3A_65 : i32 to index
      %swap3A_75 = arith.constant 48 : index
      %swap3A_76 = tpu.vector_load %arg14[%swap3A_74, %swap3A_75] {strides = array<i32>} : memref<40x128xf32, #tpu.memory_space<vmem>>, vector<16xf32>,
      tpu.vector_store %arg14[%swap3A_74, %swap3A_75], %broadcast_in_dim3A_3 {strides = array<i32>} : memref<40x128xf32, #tpu.memory_space<vmem>>, vector<16xf32>,
      %swap3A_77 = arith.index_cast %add3A_65 : i32 to index
      %swap3A_78 = arith.constant 64 : index
      %swap3A_79 = tpu.vector_load %arg14[%swap3A_77, %swap3A_78] {strides = array<i32>} : memref<40x128xf32, #tpu.memory_space<vmem>>, vector<16xf32>,
      tpu.vector_store %arg14[%swap3A_77, %swap3A_78], %broadcast_in_dim3A_3 {strides = array<i32>} : memref<40x128xf32, #tpu.memory_space<vmem>>, vector<16xf32>,
      %swap3A_80 = arith.index_cast %add3A_65 : i32 to index
      %swap3A_81 = arith.constant 80 : index
      %swap3A_82 = tpu.vector_load %arg14[%swap3A_80, %swap3A_81] {strides = array<i32>} : memref<40x128xf32, #tpu.memory_space<vmem>>, vector<16xf32>,
      tpu.vector_store %arg14[%swap3A_80, %swap3A_81], %broadcast_in_dim3A_3 {strides = array<i32>} : memref<40x128xf32, #tpu.memory_space<vmem>>, vector<16xf32>,
      %swap3A_83 = arith.index_cast %add3A_65 : i32 to index
      %swap3A_84 = arith.constant 96 : index
      %swap3A_85 = tpu.vector_load %arg14[%swap3A_83, %swap3A_84] {strides = array<i32>} : memref<40x128xf32, #tpu.memory_space<vmem>>, vector<16xf32>,
      tpu.vector_store %arg14[%swap3A_83, %swap3A_84], %broadcast_in_dim3A_3 {strides = array<i32>} : memref<40x128xf32, #tpu.memory_space<vmem>>, vector<16xf32>,
      %swap3A_86 = arith.index_cast %add3A_65 : i32 to index
      %swap3A_87 = arith.constant 112 : index
      %swap3A_88 = tpu.vector_load %arg14[%swap3A_86, %swap3A_87] {strides = array<i32>} : memref<40x128xf32, #tpu.memory_space<vmem>>, vector<16xf32>,
      tpu.vector_store %arg14[%swap3A_86, %swap3A_87], %broadcast_in_dim3A_3 {strides = array<i32>} : memref<40x128xf32, #tpu.memory_space<vmem>>, vector<16xf32>,
    }
    %scan3A_7 = arith.constant 40 : i32
    %scan3A_8 = arith.constant 0 : i32
    %scan3A_9 = arith.constant 16 : i32
    %scan3A_10 = arith.addi %scan3A_8, %scan3A_9 : i32
    %scan3A_11 = arith.constant 1 : i32
    scf.for %scan3A_61 = %scan3A_8 to %scan3A_10 step %scan3A_11  : i32 {
      %mul3A_62 = arith.constant 1 : i32
      %mul3A_63 = arith.muli %scan3A_61, %mul3A_62 : i32
      %add3A_64 = arith.constant 0 : i32
      %add3A_65 = arith.addi %add3A_64, %mul3A_63 : i32
      %mul3A_66 = arith.constant 640 : i32
      %mul3A_67 = arith.muli %arg1, %mul3A_66 : i32
      %mul3A_68 = arith.constant 40 : i32
      %mul3A_69 = arith.muli %add3A_65, %mul3A_68 : i32
      %add3A_70 = arith.addi %mul3A_67, %mul3A_69 : i32
      "tpu.region"() ({
        %run_scoped3A = tpu.sem_alloc : memref<!tpu.dma_semaphore, #tpu.memory_space<semaphore_mem>>
        %dma_start3A_71 = arith.constant 0 : i32
        %dma_start3A_72 = tpu.memref_slice %arg16[%add3A_70, %dma_start3A_71] : memref<10240x128xf32, #tpu.memory_space<vmem_shared>> -> memref<40x128xf32, #tpu.memory_space<vmem_shared>>
        %dma_start3A_73 = arith.constant 0 : i32
        %dma_start3A_74 = tpu.memref_slice %arg16[%add3A_70, %dma_start3A_73] : memref<10240x128xf32, #tpu.memory_space<vmem_shared>> -> memref<40x128xf32, #tpu.memory_space<vmem_shared>>
        tpu.enqueue_dma source(%arg14 : memref<40x128xf32, #tpu.memory_space<vmem>>) target(%dma_start3A_74 : memref<40x128xf32, #tpu.memory_space<vmem_shared>>) target_semaphore(%run_scoped3A : memref<!tpu.dma_semaphore, #tpu.memory_space<semaphore_mem>>)
        %dma_wait3A = arith.constant 0 : i32
        %dma_wait3A_75 = tpu.memref_slice %arg16[%add3A_70, %dma_wait3A] : memref<10240x128xf32, #tpu.memory_space<vmem_shared>> -> memref<40x128xf32, #tpu.memory_space<vmem_shared>>
        %dma_wait3A_76 = arith.constant 0 : i32
        %dma_wait3A_77 = tpu.memref_slice %arg16[%add3A_70, %dma_wait3A_76] : memref<10240x128xf32, #tpu.memory_space<vmem_shared>> -> memref<40x128xf32, #tpu.memory_space<vmem_shared>>
        tpu.wait_dma2 semaphore(%run_scoped3A : memref<!tpu.dma_semaphore, #tpu.memory_space<semaphore_mem>>) src(%arg14 : memref<40x128xf32, #tpu.memory_space<vmem>>) dst(%dma_wait3A_77 : memref<40x128xf32, #tpu.memory_space<vmem_shared>>)
        tpu.yield
      }) : () -> ()
    }
    %scan3A_12 = arith.constant 16 : i32
    %multiple_of3A = arith.constant 0 : i32
    %multiple_of3A_13 = tpu.assume_multiple %multiple_of3A, 8 : i32
    %dma_start3A = tpu.memref_slice %arg7[%multiple_of3A_13] : memref<10000xi32, #tpu.memory_space<vmem>> -> memref<40xi32, #tpu.memory_space<vmem>>
    %dma_start3A_14 = arith.constant 0 : i32
    %dma_start3A_15 = arith.constant 0 : i32
    %dma_start3A_16 = tpu.memref_slice %arg2[%dma_start3A_14, %dma_start3A_15] : memref<10000x128xf32, #tpu.memory_space<hbm>> -> memref<10000x128xf32, #tpu.memory_space<hbm>>
    tpu.enqueue_indirect_dma source(%dma_start3A_16 : memref<10000x128xf32, #tpu.memory_space<hbm>>) target(%arg10 : memref<40x128xf32, #tpu.memory_space<vmem>>) offsets(%dma_start3A : memref<40xi32, #tpu.memory_space<vmem>>) semaphore(%arg17 : memref<!tpu.dma_semaphore, #tpu.memory_space<semaphore_mem>>)
    %add3A_17 = arith.addi %mul3A_2, %multiple_of3A_13 : i32
    %dma_start3A_18 = arith.constant 0 : i32
    %dma_start3A_19 = tpu.memref_slice %arg3[%add3A_17, %dma_start3A_18] : memref<320000x128xf32, #tpu.memory_space<hbm>> -> memref<40x128xf32, #tpu.memory_space<hbm>>
    %dma_start3A_20 = arith.constant 0 : i32
    %dma_start3A_21 = tpu.memref_slice %arg3[%add3A_17, %dma_start3A_20] : memref<320000x128xf32, #tpu.memory_space<hbm>> -> memref<40x128xf32, #tpu.memory_space<hbm>>
    tpu.enqueue_dma source(%dma_start3A_21 : memref<40x128xf32, #tpu.memory_space<hbm>>) target(%arg12 : memref<40x128xf32, #tpu.memory_space<vmem>>) target_semaphore(%arg19 : memref<!tpu.dma_semaphore, #tpu.memory_space<semaphore_mem>>)
    %dma_start3A_22 = arith.constant 0 : i32
    %dma_start3A_23 = arith.constant 0 : i32
    %dma_start3A_24 = tpu.memref_slice %arg5[%add3A, %dma_start3A_22, %dma_start3A_23] : memref<32x250x40xi32, #tpu.memory_space<hbm>> -> memref<1x1x40xi32, #tpu.memory_space<hbm>>
    %dma_start3A_25 = tpu.memref_squeeze %dma_start3A_24 : memref<1x1x40xi32, #tpu.memory_space<hbm>> -> memref<1x40xi32, #tpu.memory_space<hbm>>
    %dma_start3A_26 = arith.constant 0 : i32
    %dma_start3A_27 = arith.constant 0 : i32
    %dma_start3A_28 = tpu.memref_slice %arg5[%add3A, %dma_start3A_26, %dma_start3A_27] : memref<32x250x40xi32, #tpu.memory_space<hbm>> -> memref<1x1x40xi32, #tpu.memory_space<hbm>>
    %dma_start3A_29 = tpu.memref_squeeze %dma_start3A_28 : memref<1x1x40xi32, #tpu.memory_space<hbm>> -> memref<1x40xi32, #tpu.memory_space<hbm>>
    tpu.enqueue_dma source(%dma_start3A_29 : memref<1x40xi32, #tpu.memory_space<hbm>>) target(%arg8 : memref<1x40xi32, #tpu.memory_space<vmem>>) target_semaphore(%arg23 : memref<!tpu.dma_semaphore, #tpu.memory_space<semaphore_mem>>)
    %multiple_of3A_30 = arith.constant 40 : i32
    %multiple_of3A_31 = tpu.assume_multiple %multiple_of3A_30, 8 : i32
    %dma_start3A_32 = tpu.memref_slice %arg7[%multiple_of3A_31] : memref<10000xi32, #tpu.memory_space<vmem>> -> memref<40xi32, #tpu.memory_space<vmem>>
    %dma_start3A_33 = arith.constant 0 : i32
    %dma_start3A_34 = arith.constant 0 : i32
    %dma_start3A_35 = tpu.memref_slice %arg2[%dma_start3A_33, %dma_start3A_34] : memref<10000x128xf32, #tpu.memory_space<hbm>> -> memref<10000x128xf32, #tpu.memory_space<hbm>>
    tpu.enqueue_indirect_dma source(%dma_start3A_35 : memref<10000x128xf32, #tpu.memory_space<hbm>>) target(%arg11 : memref<40x128xf32, #tpu.memory_space<vmem>>) offsets(%dma_start3A_32 : memref<40xi32, #tpu.memory_space<vmem>>) semaphore(%arg18 : memref<!tpu.dma_semaphore, #tpu.memory_space<semaphore_mem>>)
    %add3A_36 = arith.addi %mul3A_2, %multiple_of3A_31 : i32
    %dma_start3A_37 = arith.constant 0 : i32
    %dma_start3A_38 = tpu.memref_slice %arg3[%add3A_36, %dma_start3A_37] : memref<320000x128xf32, #tpu.memory_space<hbm>> -> memref<40x128xf32, #tpu.memory_space<hbm>>
    %dma_start3A_39 = arith.constant 0 : i32
    %dma_start3A_40 = tpu.memref_slice %arg3[%add3A_36, %dma_start3A_39] : memref<320000x128xf32, #tpu.memory_space<hbm>> -> memref<40x128xf32, #tpu.memory_space<hbm>>
    tpu.enqueue_dma source(%dma_start3A_40 : memref<40x128xf32, #tpu.memory_space<hbm>>) target(%arg13 : memref<40x128xf32, #tpu.memory_space<vmem>>) target_semaphore(%arg20 : memref<!tpu.dma_semaphore, #tpu.memory_space<semaphore_mem>>)
    %dma_start3A_41 = arith.constant 1 : i32
    %dma_start3A_42 = arith.constant 0 : i32
    %dma_start3A_43 = tpu.memref_slice %arg5[%add3A, %dma_start3A_41, %dma_start3A_42] : memref<32x250x40xi32, #tpu.memory_space<hbm>> -> memref<1x1x40xi32, #tpu.memory_space<hbm>>
    %dma_start3A_44 = tpu.memref_squeeze %dma_start3A_43 : memref<1x1x40xi32, #tpu.memory_space<hbm>> -> memref<1x40xi32, #tpu.memory_space<hbm>>
    %dma_start3A_45 = arith.constant 1 : i32
    %dma_start3A_46 = arith.constant 0 : i32
    %dma_start3A_47 = tpu.memref_slice %arg5[%add3A, %dma_start3A_45, %dma_start3A_46] : memref<32x250x40xi32, #tpu.memory_space<hbm>> -> memref<1x1x40xi32, #tpu.memory_space<hbm>>
    %dma_start3A_48 = tpu.memref_squeeze %dma_start3A_47 : memref<1x1x40xi32, #tpu.memory_space<hbm>> -> memref<1x40xi32, #tpu.memory_space<hbm>>
    tpu.enqueue_dma source(%dma_start3A_48 : memref<1x40xi32, #tpu.memory_space<hbm>>) target(%arg9 : memref<1x40xi32, #tpu.memory_space<vmem>>) target_semaphore(%arg24 : memref<!tpu.dma_semaphore, #tpu.memory_space<semaphore_mem>>)
    %barrier3A = arith.constant 0 : index
    tpu.barrier barrier_id(%barrier3A)
    %scan3A_49 = arith.constant 0 : i32
    %scan3A_50 = arith.constant 125 : i32
    %scan3A_51 = arith.addi %scan3A_49, %scan3A_50 : i32
    %scan3A_52 = arith.constant 1 : i32
    scf.for %scan3A_61 = %scan3A_49 to %scan3A_51 step %scan3A_52  : i32 {
      %mul3A_62 = arith.constant 1 : i32
      %mul3A_63 = arith.muli %scan3A_61, %mul3A_62 : i32
      %add3A_64 = arith.constant 0 : i32
      %add3A_65 = arith.addi %add3A_64, %mul3A_63 : i32
      %mul3A_66 = arith.constant 2 : i32
      %mul3A_67 = arith.muli %add3A_65, %mul3A_66 : i32
      %add3A_68 = arith.constant 1 : i32
      %add3A_69 = arith.addi %mul3A_67, %add3A_68 : i32
      %mul3A_70 = arith.constant 40 : i32
      %mul3A_71 = arith.muli %mul3A_67, %mul3A_70 : i32
      %multiple_of3A_72 = tpu.assume_multiple %mul3A_71, 8 : i32
      %dma_wait3A = tpu.memref_slice %arg7[%multiple_of3A_72] : memref<10000xi32, #tpu.memory_space<vmem>> -> memref<40xi32, #tpu.memory_space<vmem>>
      %dma_wait3A_73 = arith.constant 0 : i32
      %dma_wait3A_74 = arith.constant 0 : i32
      %dma_wait3A_75 = tpu.memref_slice %arg2[%dma_wait3A_73, %dma_wait3A_74] : memref<10000x128xf32, #tpu.memory_space<hbm>> -> memref<10000x128xf32, #tpu.memory_space<hbm>>
      tpu.wait_indirect_dma semaphore(%arg17 : memref<!tpu.dma_semaphore, #tpu.memory_space<semaphore_mem>>) src(%dma_wait3A_75 : memref<10000x128xf32, #tpu.memory_space<hbm>>) dst(%arg10 : memref<40x128xf32, #tpu.memory_space<vmem>>)
      %add3A_76 = arith.addi %mul3A_2, %multiple_of3A_72 : i32
      %dma_wait3A_77 = arith.constant 0 : i32
      %dma_wait3A_78 = tpu.memref_slice %arg3[%add3A_76, %dma_wait3A_77] : memref<320000x128xf32, #tpu.memory_space<hbm>> -> memref<40x128xf32, #tpu.memory_space<hbm>>
      %dma_wait3A_79 = arith.constant 0 : i32
      %dma_wait3A_80 = tpu.memref_slice %arg3[%add3A_76, %dma_wait3A_79] : memref<320000x128xf32, #tpu.memory_space<hbm>> -> memref<40x128xf32, #tpu.memory_space<hbm>>
      tpu.wait_dma2 semaphore(%arg19 : memref<!tpu.dma_semaphore, #tpu.memory_space<semaphore_mem>>) src(%dma_wait3A_80 : memref<40x128xf32, #tpu.memory_space<hbm>>) dst(%arg12 : memref<40x128xf32, #tpu.memory_space<vmem>>)
      %dma_wait3A_81 = arith.constant 0 : i32
      %dma_wait3A_82 = tpu.memref_slice %arg5[%add3A, %mul3A_67, %dma_wait3A_81] : memref<32x250x40xi32, #tpu.memory_space<hbm>> -> memref<1x1x40xi32, #tpu.memory_space<hbm>>
      %dma_wait3A_83 = tpu.memref_squeeze %dma_wait3A_82 : memref<1x1x40xi32, #tpu.memory_space<hbm>> -> memref<1x40xi32, #tpu.memory_space<hbm>>
      %dma_wait3A_84 = arith.constant 0 : i32
      %dma_wait3A_85 = tpu.memref_slice %arg5[%add3A, %mul3A_67, %dma_wait3A_84] : memref<32x250x40xi32, #tpu.memory_space<hbm>> -> memref<1x1x40xi32, #tpu.memory_space<hbm>>
      %dma_wait3A_86 = tpu.memref_squeeze %dma_wait3A_85 : memref<1x1x40xi32, #tpu.memory_space<hbm>> -> memref<1x40xi32, #tpu.memory_space<hbm>>
      tpu.wait_dma2 semaphore(%arg23 : memref<!tpu.dma_semaphore, #tpu.memory_space<semaphore_mem>>) src(%dma_wait3A_86 : memref<1x40xi32, #tpu.memory_space<hbm>>) dst(%arg8 : memref<1x40xi32, #tpu.memory_space<vmem>>)
      %scan3A_87 = arith.constant 0 : i32
      %scan3A_88 = arith.constant 40 : i32
      %scan3A_89 = arith.addi %scan3A_87, %scan3A_88 : i32
      %scan3A_90 = arith.constant 1 : i32
      scf.for %scan3A_171 = %scan3A_87 to %scan3A_89 step %scan3A_90  : i32 {
        %mul3A_172 = arith.constant 1 : i32
        %mul3A_173 = arith.muli %scan3A_171, %mul3A_172 : i32
        %add3A_174 = arith.constant 0 : i32
        %add3A_175 = arith.addi %add3A_174, %mul3A_173 : i32
        %get3A = arith.index_cast %add3A_175 : i32 to index
        %get3A_176 = arith.constant 0 : index
        %get3A_177 = tpu.vector_load %arg12[%get3A, %get3A_176] {strides = array<i32>} : memref<40x128xf32, #tpu.memory_space<vmem>>, vector<16xf32>,
        %get3A_178 = arith.index_cast %add3A_175 : i32 to index
        %get3A_179 = arith.constant 0 : index
        %get3A_180 = tpu.vector_load %arg10[%get3A_178, %get3A_179] {strides = array<i32>} : memref<40x128xf32, #tpu.memory_space<vmem>>, vector<16xf32>,
        %add3A_181 = arith.addf %get3A_177, %get3A_180 : vector<16xf32>
        %max3A = arith.constant 0.000000e+00 : f32
        %max3A_182 = vector.broadcast %max3A : f32 to vector<16xf32>
        %max3A_183 = arith.maximumf %add3A_181, %max3A_182 : vector<16xf32>
        %swap3A = arith.index_cast %add3A_175 : i32 to index
        %swap3A_184 = arith.constant 0 : index
        %swap3A_185 = tpu.vector_load %arg14[%swap3A, %swap3A_184] {strides = array<i32>} : memref<40x128xf32, #tpu.memory_space<vmem>>, vector<16xf32>,
        tpu.vector_store %arg14[%swap3A, %swap3A_184], %max3A_183 {strides = array<i32>} : memref<40x128xf32, #tpu.memory_space<vmem>>, vector<16xf32>,
        %get3A_186 = arith.index_cast %add3A_175 : i32 to index
        %get3A_187 = arith.constant 16 : index
        %get3A_188 = tpu.vector_load %arg12[%get3A_186, %get3A_187] {strides = array<i32>} : memref<40x128xf32, #tpu.memory_space<vmem>>, vector<16xf32>,
        %get3A_189 = arith.index_cast %add3A_175 : i32 to index
        %get3A_190 = arith.constant 16 : index
        %get3A_191 = tpu.vector_load %arg10[%get3A_189, %get3A_190] {strides = array<i32>} : memref<40x128xf32, #tpu.memory_space<vmem>>, vector<16xf32>,
        %add3A_192 = arith.addf %get3A_188, %get3A_191 : vector<16xf32>
        %max3A_193 = arith.constant 0.000000e+00 : f32
        %max3A_194 = vector.broadcast %max3A_193 : f32 to vector<16xf32>
        %max3A_195 = arith.maximumf %add3A_192, %max3A_194 : vector<16xf32>
        %swap3A_196 = arith.index_cast %add3A_175 : i32 to index
        %swap3A_197 = arith.constant 16 : index
        %swap3A_198 = tpu.vector_load %arg14[%swap3A_196, %swap3A_197] {strides = array<i32>} : memref<40x128xf32, #tpu.memory_space<vmem>>, vector<16xf32>,
        tpu.vector_store %arg14[%swap3A_196, %swap3A_197], %max3A_195 {strides = array<i32>} : memref<40x128xf32, #tpu.memory_space<vmem>>, vector<16xf32>,
        %get3A_199 = arith.index_cast %add3A_175 : i32 to index
        %get3A_200 = arith.constant 32 : index
        %get3A_201 = tpu.vector_load %arg12[%get3A_199, %get3A_200] {strides = array<i32>} : memref<40x128xf32, #tpu.memory_space<vmem>>, vector<16xf32>,
        %get3A_202 = arith.index_cast %add3A_175 : i32 to index
        %get3A_203 = arith.constant 32 : index
        %get3A_204 = tpu.vector_load %arg10[%get3A_202, %get3A_203] {strides = array<i32>} : memref<40x128xf32, #tpu.memory_space<vmem>>, vector<16xf32>,
        %add3A_205 = arith.addf %get3A_201, %get3A_204 : vector<16xf32>
        %max3A_206 = arith.constant 0.000000e+00 : f32
        %max3A_207 = vector.broadcast %max3A_206 : f32 to vector<16xf32>
        %max3A_208 = arith.maximumf %add3A_205, %max3A_207 : vector<16xf32>
        %swap3A_209 = arith.index_cast %add3A_175 : i32 to index
        %swap3A_210 = arith.constant 32 : index
        %swap3A_211 = tpu.vector_load %arg14[%swap3A_209, %swap3A_210] {strides = array<i32>} : memref<40x128xf32, #tpu.memory_space<vmem>>, vector<16xf32>,
        tpu.vector_store %arg14[%swap3A_209, %swap3A_210], %max3A_208 {strides = array<i32>} : memref<40x128xf32, #tpu.memory_space<vmem>>, vector<16xf32>,
        %get3A_212 = arith.index_cast %add3A_175 : i32 to index
        %get3A_213 = arith.constant 48 : index
        %get3A_214 = tpu.vector_load %arg12[%get3A_212, %get3A_213] {strides = array<i32>} : memref<40x128xf32, #tpu.memory_space<vmem>>, vector<16xf32>,
        %get3A_215 = arith.index_cast %add3A_175 : i32 to index
        %get3A_216 = arith.constant 48 : index
        %get3A_217 = tpu.vector_load %arg10[%get3A_215, %get3A_216] {strides = array<i32>} : memref<40x128xf32, #tpu.memory_space<vmem>>, vector<16xf32>,
        %add3A_218 = arith.addf %get3A_214, %get3A_217 : vector<16xf32>
        %max3A_219 = arith.constant 0.000000e+00 : f32
        %max3A_220 = vector.broadcast %max3A_219 : f32 to vector<16xf32>
        %max3A_221 = arith.maximumf %add3A_218, %max3A_220 : vector<16xf32>
        %swap3A_222 = arith.index_cast %add3A_175 : i32 to index
        %swap3A_223 = arith.constant 48 : index
        %swap3A_224 = tpu.vector_load %arg14[%swap3A_222, %swap3A_223] {strides = array<i32>} : memref<40x128xf32, #tpu.memory_space<vmem>>, vector<16xf32>,
        tpu.vector_store %arg14[%swap3A_222, %swap3A_223], %max3A_221 {strides = array<i32>} : memref<40x128xf32, #tpu.memory_space<vmem>>, vector<16xf32>,
        %get3A_225 = arith.index_cast %add3A_175 : i32 to index
        %get3A_226 = arith.constant 64 : index
        %get3A_227 = tpu.vector_load %arg12[%get3A_225, %get3A_226] {strides = array<i32>} : memref<40x128xf32, #tpu.memory_space<vmem>>, vector<16xf32>,
        %get3A_228 = arith.index_cast %add3A_175 : i32 to index
        %get3A_229 = arith.constant 64 : index
        %get3A_230 = tpu.vector_load %arg10[%get3A_228, %get3A_229] {strides = array<i32>} : memref<40x128xf32, #tpu.memory_space<vmem>>, vector<16xf32>,
        %add3A_231 = arith.addf %get3A_227, %get3A_230 : vector<16xf32>
        %max3A_232 = arith.constant 0.000000e+00 : f32
        %max3A_233 = vector.broadcast %max3A_232 : f32 to vector<16xf32>
        %max3A_234 = arith.maximumf %add3A_231, %max3A_233 : vector<16xf32>
        %swap3A_235 = arith.index_cast %add3A_175 : i32 to index
        %swap3A_236 = arith.constant 64 : index
        %swap3A_237 = tpu.vector_load %arg14[%swap3A_235, %swap3A_236] {strides = array<i32>} : memref<40x128xf32, #tpu.memory_space<vmem>>, vector<16xf32>,
        tpu.vector_store %arg14[%swap3A_235, %swap3A_236], %max3A_234 {strides = array<i32>} : memref<40x128xf32, #tpu.memory_space<vmem>>, vector<16xf32>,
        %get3A_238 = arith.index_cast %add3A_175 : i32 to index
        %get3A_239 = arith.constant 80 : index
        %get3A_240 = tpu.vector_load %arg12[%get3A_238, %get3A_239] {strides = array<i32>} : memref<40x128xf32, #tpu.memory_space<vmem>>, vector<16xf32>,
        %get3A_241 = arith.index_cast %add3A_175 : i32 to index
        %get3A_242 = arith.constant 80 : index
        %get3A_243 = tpu.vector_load %arg10[%get3A_241, %get3A_242] {strides = array<i32>} : memref<40x128xf32, #tpu.memory_space<vmem>>, vector<16xf32>,
        %add3A_244 = arith.addf %get3A_240, %get3A_243 : vector<16xf32>
        %max3A_245 = arith.constant 0.000000e+00 : f32
        %max3A_246 = vector.broadcast %max3A_245 : f32 to vector<16xf32>
        %max3A_247 = arith.maximumf %add3A_244, %max3A_246 : vector<16xf32>
        %swap3A_248 = arith.index_cast %add3A_175 : i32 to index
        %swap3A_249 = arith.constant 80 : index
        %swap3A_250 = tpu.vector_load %arg14[%swap3A_248, %swap3A_249] {strides = array<i32>} : memref<40x128xf32, #tpu.memory_space<vmem>>, vector<16xf32>,
        tpu.vector_store %arg14[%swap3A_248, %swap3A_249], %max3A_247 {strides = array<i32>} : memref<40x128xf32, #tpu.memory_space<vmem>>, vector<16xf32>,
        %get3A_251 = arith.index_cast %add3A_175 : i32 to index
        %get3A_252 = arith.constant 96 : index
        %get3A_253 = tpu.vector_load %arg12[%get3A_251, %get3A_252] {strides = array<i32>} : memref<40x128xf32, #tpu.memory_space<vmem>>, vector<16xf32>,
        %get3A_254 = arith.index_cast %add3A_175 : i32 to index
        %get3A_255 = arith.constant 96 : index
        %get3A_256 = tpu.vector_load %arg10[%get3A_254, %get3A_255] {strides = array<i32>} : memref<40x128xf32, #tpu.memory_space<vmem>>, vector<16xf32>,
        %add3A_257 = arith.addf %get3A_253, %get3A_256 : vector<16xf32>
        %max3A_258 = arith.constant 0.000000e+00 : f32
        %max3A_259 = vector.broadcast %max3A_258 : f32 to vector<16xf32>
        %max3A_260 = arith.maximumf %add3A_257, %max3A_259 : vector<16xf32>
        %swap3A_261 = arith.index_cast %add3A_175 : i32 to index
        %swap3A_262 = arith.constant 96 : index
        %swap3A_263 = tpu.vector_load %arg14[%swap3A_261, %swap3A_262] {strides = array<i32>} : memref<40x128xf32, #tpu.memory_space<vmem>>, vector<16xf32>,
        tpu.vector_store %arg14[%swap3A_261, %swap3A_262], %max3A_260 {strides = array<i32>} : memref<40x128xf32, #tpu.memory_space<vmem>>, vector<16xf32>,
        %get3A_264 = arith.index_cast %add3A_175 : i32 to index
        %get3A_265 = arith.constant 112 : index
        %get3A_266 = tpu.vector_load %arg12[%get3A_264, %get3A_265] {strides = array<i32>} : memref<40x128xf32, #tpu.memory_space<vmem>>, vector<16xf32>,
        %get3A_267 = arith.index_cast %add3A_175 : i32 to index
        %get3A_268 = arith.constant 112 : index
        %get3A_269 = tpu.vector_load %arg10[%get3A_267, %get3A_268] {strides = array<i32>} : memref<40x128xf32, #tpu.memory_space<vmem>>, vector<16xf32>,
        %add3A_270 = arith.addf %get3A_266, %get3A_269 : vector<16xf32>
        %max3A_271 = arith.constant 0.000000e+00 : f32
        %max3A_272 = vector.broadcast %max3A_271 : f32 to vector<16xf32>
        %max3A_273 = arith.maximumf %add3A_270, %max3A_272 : vector<16xf32>
        %swap3A_274 = arith.index_cast %add3A_175 : i32 to index
        %swap3A_275 = arith.constant 112 : index
        %swap3A_276 = tpu.vector_load %arg14[%swap3A_274, %swap3A_275] {strides = array<i32>} : memref<40x128xf32, #tpu.memory_space<vmem>>, vector<16xf32>,
        tpu.vector_store %arg14[%swap3A_274, %swap3A_275], %max3A_273 {strides = array<i32>} : memref<40x128xf32, #tpu.memory_space<vmem>>, vector<16xf32>,
      }
      %scan3A_91 = arith.constant 40 : i32
      %dma_start3A_92 = arith.constant 0 : i32
      %dma_start3A_93 = arith.constant 0 : i32
      %dma_start3A_94 = tpu.memref_slice %arg8[%dma_start3A_92, %dma_start3A_93] : memref<1x40xi32, #tpu.memory_space<vmem>> -> memref<1x40xi32, #tpu.memory_space<vmem>>
      %dma_start3A_95 = tpu.memref_squeeze %dma_start3A_94 : memref<1x40xi32, #tpu.memory_space<vmem>> -> memref<40xi32, #tpu.memory_space<vmem>>
      %dma_start3A_96 = arith.constant 0 : i32
      %dma_start3A_97 = arith.constant 0 : i32
      %dma_start3A_98 = tpu.memref_slice %arg16[%dma_start3A_96, %dma_start3A_97] : memref<10240x128xf32, #tpu.memory_space<vmem_shared>> -> memref<10240x128xf32, #tpu.memory_space<vmem_shared>>
      tpu.enqueue_indirect_dma source(%arg14 : memref<40x128xf32, #tpu.memory_space<vmem>>) target(%dma_start3A_98 : memref<10240x128xf32, #tpu.memory_space<vmem_shared>>) offsets(%dma_start3A_95 : memref<40xi32, #tpu.memory_space<vmem>>) semaphore(%arg21 : memref<!tpu.dma_semaphore, #tpu.memory_space<semaphore_mem>>) {add = true}
      %add3A_99 = arith.constant 2 : i32
      %add3A_100 = arith.addi %mul3A_67, %add3A_99 : i32
      %lt3A_101 = arith.constant 250 : i32
      %lt3A_102 = arith.cmpi slt, %add3A_100, %lt3A_101 : i32
      %convert_element_type3A_103 = arith.extui %lt3A_102 : i1 to i32
      %cond3A_104 = arith.constant 0 : i32
      %cond3A_105 = arith.cmpi ne, %convert_element_type3A_103, %cond3A_104 : i32
      scf.if %cond3A_105 {
        %add3A_171 = arith.constant 2 : i32
        %add3A_172 = arith.addi %mul3A_67, %add3A_171 : i32
        %mul3A_173 = arith.constant 40 : i32
        %mul3A_174 = arith.muli %add3A_172, %mul3A_173 : i32
        %multiple_of3A_175 = tpu.assume_multiple %mul3A_174, 8 : i32
        %dma_start3A_176 = tpu.memref_slice %arg7[%multiple_of3A_175] : memref<10000xi32, #tpu.memory_space<vmem>> -> memref<40xi32, #tpu.memory_space<vmem>>
        %dma_start3A_177 = arith.constant 0 : i32
        %dma_start3A_178 = arith.constant 0 : i32
        %dma_start3A_179 = tpu.memref_slice %arg2[%dma_start3A_177, %dma_start3A_178] : memref<10000x128xf32, #tpu.memory_space<hbm>> -> memref<10000x128xf32, #tpu.memory_space<hbm>>
        tpu.enqueue_indirect_dma source(%dma_start3A_179 : memref<10000x128xf32, #tpu.memory_space<hbm>>) target(%arg10 : memref<40x128xf32, #tpu.memory_space<vmem>>) offsets(%dma_start3A_176 : memref<40xi32, #tpu.memory_space<vmem>>) semaphore(%arg17 : memref<!tpu.dma_semaphore, #tpu.memory_space<semaphore_mem>>)
        %add3A_180 = arith.addi %mul3A_2, %multiple_of3A_175 : i32
        %dma_start3A_181 = arith.constant 0 : i32
        %dma_start3A_182 = tpu.memref_slice %arg3[%add3A_180, %dma_start3A_181] : memref<320000x128xf32, #tpu.memory_space<hbm>> -> memref<40x128xf32, #tpu.memory_space<hbm>>
        %dma_start3A_183 = arith.constant 0 : i32
        %dma_start3A_184 = tpu.memref_slice %arg3[%add3A_180, %dma_start3A_183] : memref<320000x128xf32, #tpu.memory_space<hbm>> -> memref<40x128xf32, #tpu.memory_space<hbm>>
        tpu.enqueue_dma source(%dma_start3A_184 : memref<40x128xf32, #tpu.memory_space<hbm>>) target(%arg12 : memref<40x128xf32, #tpu.memory_space<vmem>>) target_semaphore(%arg19 : memref<!tpu.dma_semaphore, #tpu.memory_space<semaphore_mem>>)
      } else {
      }
      %mul3A_106 = arith.constant 40 : i32
      %mul3A_107 = arith.muli %add3A_69, %mul3A_106 : i32
      %multiple_of3A_108 = tpu.assume_multiple %mul3A_107, 8 : i32
      %dma_wait3A_109 = tpu.memref_slice %arg7[%multiple_of3A_108] : memref<10000xi32, #tpu.memory_space<vmem>> -> memref<40xi32, #tpu.memory_space<vmem>>
      %dma_wait3A_110 = arith.constant 0 : i32
      %dma_wait3A_111 = arith.constant 0 : i32
      %dma_wait3A_112 = tpu.memref_slice %arg2[%dma_wait3A_110, %dma_wait3A_111] : memref<10000x128xf32, #tpu.memory_space<hbm>> -> memref<10000x128xf32, #tpu.memory_space<hbm>>
      tpu.wait_indirect_dma semaphore(%arg18 : memref<!tpu.dma_semaphore, #tpu.memory_space<semaphore_mem>>) src(%dma_wait3A_112 : memref<10000x128xf32, #tpu.memory_space<hbm>>) dst(%arg11 : memref<40x128xf32, #tpu.memory_space<vmem>>)
      %add3A_113 = arith.addi %mul3A_2, %multiple_of3A_108 : i32
      %dma_wait3A_114 = arith.constant 0 : i32
      %dma_wait3A_115 = tpu.memref_slice %arg3[%add3A_113, %dma_wait3A_114] : memref<320000x128xf32, #tpu.memory_space<hbm>> -> memref<40x128xf32, #tpu.memory_space<hbm>>
      %dma_wait3A_116 = arith.constant 0 : i32
      %dma_wait3A_117 = tpu.memref_slice %arg3[%add3A_113, %dma_wait3A_116] : memref<320000x128xf32, #tpu.memory_space<hbm>> -> memref<40x128xf32, #tpu.memory_space<hbm>>
      tpu.wait_dma2 semaphore(%arg20 : memref<!tpu.dma_semaphore, #tpu.memory_space<semaphore_mem>>) src(%dma_wait3A_117 : memref<40x128xf32, #tpu.memory_space<hbm>>) dst(%arg13 : memref<40x128xf32, #tpu.memory_space<vmem>>)
      %dma_wait3A_118 = arith.constant 0 : i32
      %dma_wait3A_119 = tpu.memref_slice %arg5[%add3A, %add3A_69, %dma_wait3A_118] : memref<32x250x40xi32, #tpu.memory_space<hbm>> -> memref<1x1x40xi32, #tpu.memory_space<hbm>>
      %dma_wait3A_120 = tpu.memref_squeeze %dma_wait3A_119 : memref<1x1x40xi32, #tpu.memory_space<hbm>> -> memref<1x40xi32, #tpu.memory_space<hbm>>
      %dma_wait3A_121 = arith.constant 0 : i32
      %dma_wait3A_122 = tpu.memref_slice %arg5[%add3A, %add3A_69, %dma_wait3A_121] : memref<32x250x40xi32, #tpu.memory_space<hbm>> -> memref<1x1x40xi32, #tpu.memory_space<hbm>>
      %dma_wait3A_123 = tpu.memref_squeeze %dma_wait3A_122 : memref<1x1x40xi32, #tpu.memory_space<hbm>> -> memref<1x40xi32, #tpu.memory_space<hbm>>
      tpu.wait_dma2 semaphore(%arg24 : memref<!tpu.dma_semaphore, #tpu.memory_space<semaphore_mem>>) src(%dma_wait3A_123 : memref<1x40xi32, #tpu.memory_space<hbm>>) dst(%arg9 : memref<1x40xi32, #tpu.memory_space<vmem>>)
      %scan3A_124 = arith.constant 0 : i32
      %scan3A_125 = arith.constant 40 : i32
      %scan3A_126 = arith.addi %scan3A_124, %scan3A_125 : i32
      %scan3A_127 = arith.constant 1 : i32
      scf.for %scan3A_171 = %scan3A_124 to %scan3A_126 step %scan3A_127  : i32 {
        %mul3A_172 = arith.constant 1 : i32
        %mul3A_173 = arith.muli %scan3A_171, %mul3A_172 : i32
        %add3A_174 = arith.constant 0 : i32
        %add3A_175 = arith.addi %add3A_174, %mul3A_173 : i32
        %get3A = arith.index_cast %add3A_175 : i32 to index
        %get3A_176 = arith.constant 0 : index
        %get3A_177 = tpu.vector_load %arg13[%get3A, %get3A_176] {strides = array<i32>} : memref<40x128xf32, #tpu.memory_space<vmem>>, vector<16xf32>,
        %get3A_178 = arith.index_cast %add3A_175 : i32 to index
        %get3A_179 = arith.constant 0 : index
        %get3A_180 = tpu.vector_load %arg11[%get3A_178, %get3A_179] {strides = array<i32>} : memref<40x128xf32, #tpu.memory_space<vmem>>, vector<16xf32>,
        %add3A_181 = arith.addf %get3A_177, %get3A_180 : vector<16xf32>
        %max3A = arith.constant 0.000000e+00 : f32
        %max3A_182 = vector.broadcast %max3A : f32 to vector<16xf32>
        %max3A_183 = arith.maximumf %add3A_181, %max3A_182 : vector<16xf32>
        %swap3A = arith.index_cast %add3A_175 : i32 to index
        %swap3A_184 = arith.constant 0 : index
        %swap3A_185 = tpu.vector_load %arg15[%swap3A, %swap3A_184] {strides = array<i32>} : memref<40x128xf32, #tpu.memory_space<vmem>>, vector<16xf32>,
        tpu.vector_store %arg15[%swap3A, %swap3A_184], %max3A_183 {strides = array<i32>} : memref<40x128xf32, #tpu.memory_space<vmem>>, vector<16xf32>,
        %get3A_186 = arith.index_cast %add3A_175 : i32 to index
        %get3A_187 = arith.constant 16 : index
        %get3A_188 = tpu.vector_load %arg13[%get3A_186, %get3A_187] {strides = array<i32>} : memref<40x128xf32, #tpu.memory_space<vmem>>, vector<16xf32>,
        %get3A_189 = arith.index_cast %add3A_175 : i32 to index
        %get3A_190 = arith.constant 16 : index
        %get3A_191 = tpu.vector_load %arg11[%get3A_189, %get3A_190] {strides = array<i32>} : memref<40x128xf32, #tpu.memory_space<vmem>>, vector<16xf32>,
        %add3A_192 = arith.addf %get3A_188, %get3A_191 : vector<16xf32>
        %max3A_193 = arith.constant 0.000000e+00 : f32
        %max3A_194 = vector.broadcast %max3A_193 : f32 to vector<16xf32>
        %max3A_195 = arith.maximumf %add3A_192, %max3A_194 : vector<16xf32>
        %swap3A_196 = arith.index_cast %add3A_175 : i32 to index
        %swap3A_197 = arith.constant 16 : index
        %swap3A_198 = tpu.vector_load %arg15[%swap3A_196, %swap3A_197] {strides = array<i32>} : memref<40x128xf32, #tpu.memory_space<vmem>>, vector<16xf32>,
        tpu.vector_store %arg15[%swap3A_196, %swap3A_197], %max3A_195 {strides = array<i32>} : memref<40x128xf32, #tpu.memory_space<vmem>>, vector<16xf32>,
        %get3A_199 = arith.index_cast %add3A_175 : i32 to index
        %get3A_200 = arith.constant 32 : index
        %get3A_201 = tpu.vector_load %arg13[%get3A_199, %get3A_200] {strides = array<i32>} : memref<40x128xf32, #tpu.memory_space<vmem>>, vector<16xf32>,
        %get3A_202 = arith.index_cast %add3A_175 : i32 to index
        %get3A_203 = arith.constant 32 : index
        %get3A_204 = tpu.vector_load %arg11[%get3A_202, %get3A_203] {strides = array<i32>} : memref<40x128xf32, #tpu.memory_space<vmem>>, vector<16xf32>,
        %add3A_205 = arith.addf %get3A_201, %get3A_204 : vector<16xf32>
        %max3A_206 = arith.constant 0.000000e+00 : f32
        %max3A_207 = vector.broadcast %max3A_206 : f32 to vector<16xf32>
        %max3A_208 = arith.maximumf %add3A_205, %max3A_207 : vector<16xf32>
        %swap3A_209 = arith.index_cast %add3A_175 : i32 to index
        %swap3A_210 = arith.constant 32 : index
        %swap3A_211 = tpu.vector_load %arg15[%swap3A_209, %swap3A_210] {strides = array<i32>} : memref<40x128xf32, #tpu.memory_space<vmem>>, vector<16xf32>,
        tpu.vector_store %arg15[%swap3A_209, %swap3A_210], %max3A_208 {strides = array<i32>} : memref<40x128xf32, #tpu.memory_space<vmem>>, vector<16xf32>,
        %get3A_212 = arith.index_cast %add3A_175 : i32 to index
        %get3A_213 = arith.constant 48 : index
        %get3A_214 = tpu.vector_load %arg13[%get3A_212, %get3A_213] {strides = array<i32>} : memref<40x128xf32, #tpu.memory_space<vmem>>, vector<16xf32>,
        %get3A_215 = arith.index_cast %add3A_175 : i32 to index
        %get3A_216 = arith.constant 48 : index
        %get3A_217 = tpu.vector_load %arg11[%get3A_215, %get3A_216] {strides = array<i32>} : memref<40x128xf32, #tpu.memory_space<vmem>>, vector<16xf32>,
        %add3A_218 = arith.addf %get3A_214, %get3A_217 : vector<16xf32>
        %max3A_219 = arith.constant 0.000000e+00 : f32
        %max3A_220 = vector.broadcast %max3A_219 : f32 to vector<16xf32>
        %max3A_221 = arith.maximumf %add3A_218, %max3A_220 : vector<16xf32>
        %swap3A_222 = arith.index_cast %add3A_175 : i32 to index
        %swap3A_223 = arith.constant 48 : index
        %swap3A_224 = tpu.vector_load %arg15[%swap3A_222, %swap3A_223] {strides = array<i32>} : memref<40x128xf32, #tpu.memory_space<vmem>>, vector<16xf32>,
        tpu.vector_store %arg15[%swap3A_222, %swap3A_223], %max3A_221 {strides = array<i32>} : memref<40x128xf32, #tpu.memory_space<vmem>>, vector<16xf32>,
        %get3A_225 = arith.index_cast %add3A_175 : i32 to index
        %get3A_226 = arith.constant 64 : index
        %get3A_227 = tpu.vector_load %arg13[%get3A_225, %get3A_226] {strides = array<i32>} : memref<40x128xf32, #tpu.memory_space<vmem>>, vector<16xf32>,
        %get3A_228 = arith.index_cast %add3A_175 : i32 to index
        %get3A_229 = arith.constant 64 : index
        %get3A_230 = tpu.vector_load %arg11[%get3A_228, %get3A_229] {strides = array<i32>} : memref<40x128xf32, #tpu.memory_space<vmem>>, vector<16xf32>,
        %add3A_231 = arith.addf %get3A_227, %get3A_230 : vector<16xf32>
        %max3A_232 = arith.constant 0.000000e+00 : f32
        %max3A_233 = vector.broadcast %max3A_232 : f32 to vector<16xf32>
        %max3A_234 = arith.maximumf %add3A_231, %max3A_233 : vector<16xf32>
        %swap3A_235 = arith.index_cast %add3A_175 : i32 to index
        %swap3A_236 = arith.constant 64 : index
        %swap3A_237 = tpu.vector_load %arg15[%swap3A_235, %swap3A_236] {strides = array<i32>} : memref<40x128xf32, #tpu.memory_space<vmem>>, vector<16xf32>,
        tpu.vector_store %arg15[%swap3A_235, %swap3A_236], %max3A_234 {strides = array<i32>} : memref<40x128xf32, #tpu.memory_space<vmem>>, vector<16xf32>,
        %get3A_238 = arith.index_cast %add3A_175 : i32 to index
        %get3A_239 = arith.constant 80 : index
        %get3A_240 = tpu.vector_load %arg13[%get3A_238, %get3A_239] {strides = array<i32>} : memref<40x128xf32, #tpu.memory_space<vmem>>, vector<16xf32>,
        %get3A_241 = arith.index_cast %add3A_175 : i32 to index
        %get3A_242 = arith.constant 80 : index
        %get3A_243 = tpu.vector_load %arg11[%get3A_241, %get3A_242] {strides = array<i32>} : memref<40x128xf32, #tpu.memory_space<vmem>>, vector<16xf32>,
        %add3A_244 = arith.addf %get3A_240, %get3A_243 : vector<16xf32>
        %max3A_245 = arith.constant 0.000000e+00 : f32
        %max3A_246 = vector.broadcast %max3A_245 : f32 to vector<16xf32>
        %max3A_247 = arith.maximumf %add3A_244, %max3A_246 : vector<16xf32>
        %swap3A_248 = arith.index_cast %add3A_175 : i32 to index
        %swap3A_249 = arith.constant 80 : index
        %swap3A_250 = tpu.vector_load %arg15[%swap3A_248, %swap3A_249] {strides = array<i32>} : memref<40x128xf32, #tpu.memory_space<vmem>>, vector<16xf32>,
        tpu.vector_store %arg15[%swap3A_248, %swap3A_249], %max3A_247 {strides = array<i32>} : memref<40x128xf32, #tpu.memory_space<vmem>>, vector<16xf32>,
        %get3A_251 = arith.index_cast %add3A_175 : i32 to index
        %get3A_252 = arith.constant 96 : index
        %get3A_253 = tpu.vector_load %arg13[%get3A_251, %get3A_252] {strides = array<i32>} : memref<40x128xf32, #tpu.memory_space<vmem>>, vector<16xf32>,
        %get3A_254 = arith.index_cast %add3A_175 : i32 to index
        %get3A_255 = arith.constant 96 : index
        %get3A_256 = tpu.vector_load %arg11[%get3A_254, %get3A_255] {strides = array<i32>} : memref<40x128xf32, #tpu.memory_space<vmem>>, vector<16xf32>,
        %add3A_257 = arith.addf %get3A_253, %get3A_256 : vector<16xf32>
        %max3A_258 = arith.constant 0.000000e+00 : f32
        %max3A_259 = vector.broadcast %max3A_258 : f32 to vector<16xf32>
        %max3A_260 = arith.maximumf %add3A_257, %max3A_259 : vector<16xf32>
        %swap3A_261 = arith.index_cast %add3A_175 : i32 to index
        %swap3A_262 = arith.constant 96 : index
        %swap3A_263 = tpu.vector_load %arg15[%swap3A_261, %swap3A_262] {strides = array<i32>} : memref<40x128xf32, #tpu.memory_space<vmem>>, vector<16xf32>,
        tpu.vector_store %arg15[%swap3A_261, %swap3A_262], %max3A_260 {strides = array<i32>} : memref<40x128xf32, #tpu.memory_space<vmem>>, vector<16xf32>,
        %get3A_264 = arith.index_cast %add3A_175 : i32 to index
        %get3A_265 = arith.constant 112 : index
        %get3A_266 = tpu.vector_load %arg13[%get3A_264, %get3A_265] {strides = array<i32>} : memref<40x128xf32, #tpu.memory_space<vmem>>, vector<16xf32>,
        %get3A_267 = arith.index_cast %add3A_175 : i32 to index
        %get3A_268 = arith.constant 112 : index
        %get3A_269 = tpu.vector_load %arg11[%get3A_267, %get3A_268] {strides = array<i32>} : memref<40x128xf32, #tpu.memory_space<vmem>>, vector<16xf32>,
        %add3A_270 = arith.addf %get3A_266, %get3A_269 : vector<16xf32>
        %max3A_271 = arith.constant 0.000000e+00 : f32
        %max3A_272 = vector.broadcast %max3A_271 : f32 to vector<16xf32>
        %max3A_273 = arith.maximumf %add3A_270, %max3A_272 : vector<16xf32>
        %swap3A_274 = arith.index_cast %add3A_175 : i32 to index
        %swap3A_275 = arith.constant 112 : index
        %swap3A_276 = tpu.vector_load %arg15[%swap3A_274, %swap3A_275] {strides = array<i32>} : memref<40x128xf32, #tpu.memory_space<vmem>>, vector<16xf32>,
        tpu.vector_store %arg15[%swap3A_274, %swap3A_275], %max3A_273 {strides = array<i32>} : memref<40x128xf32, #tpu.memory_space<vmem>>, vector<16xf32>,
      }
      %scan3A_128 = arith.constant 40 : i32
      %dma_start3A_129 = arith.constant 0 : i32
      %dma_start3A_130 = arith.constant 0 : i32
      %dma_start3A_131 = tpu.memref_slice %arg9[%dma_start3A_129, %dma_start3A_130] : memref<1x40xi32, #tpu.memory_space<vmem>> -> memref<1x40xi32, #tpu.memory_space<vmem>>
      %dma_start3A_132 = tpu.memref_squeeze %dma_start3A_131 : memref<1x40xi32, #tpu.memory_space<vmem>> -> memref<40xi32, #tpu.memory_space<vmem>>
      %dma_start3A_133 = arith.constant 0 : i32
      %dma_start3A_134 = arith.constant 0 : i32
      %dma_start3A_135 = tpu.memref_slice %arg16[%dma_start3A_133, %dma_start3A_134] : memref<10240x128xf32, #tpu.memory_space<vmem_shared>> -> memref<10240x128xf32, #tpu.memory_space<vmem_shared>>
      tpu.enqueue_indirect_dma source(%arg15 : memref<40x128xf32, #tpu.memory_space<vmem>>) target(%dma_start3A_135 : memref<10240x128xf32, #tpu.memory_space<vmem_shared>>) offsets(%dma_start3A_132 : memref<40xi32, #tpu.memory_space<vmem>>) semaphore(%arg22 : memref<!tpu.dma_semaphore, #tpu.memory_space<semaphore_mem>>) {add = true}
      %add3A_136 = arith.constant 2 : i32
      %add3A_137 = arith.addi %add3A_69, %add3A_136 : i32
      %lt3A_138 = arith.constant 250 : i32
      %lt3A_139 = arith.cmpi slt, %add3A_137, %lt3A_138 : i32
      %convert_element_type3A_140 = arith.extui %lt3A_139 : i1 to i32
      %cond3A_141 = arith.constant 0 : i32
      %cond3A_142 = arith.cmpi ne, %convert_element_type3A_140, %cond3A_141 : i32
      scf.if %cond3A_142 {
        %add3A_171 = arith.constant 2 : i32
        %add3A_172 = arith.addi %add3A_69, %add3A_171 : i32
        %mul3A_173 = arith.constant 40 : i32
        %mul3A_174 = arith.muli %add3A_172, %mul3A_173 : i32
        %multiple_of3A_175 = tpu.assume_multiple %mul3A_174, 8 : i32
        %dma_start3A_176 = tpu.memref_slice %arg7[%multiple_of3A_175] : memref<10000xi32, #tpu.memory_space<vmem>> -> memref<40xi32, #tpu.memory_space<vmem>>
        %dma_start3A_177 = arith.constant 0 : i32
        %dma_start3A_178 = arith.constant 0 : i32
        %dma_start3A_179 = tpu.memref_slice %arg2[%dma_start3A_177, %dma_start3A_178] : memref<10000x128xf32, #tpu.memory_space<hbm>> -> memref<10000x128xf32, #tpu.memory_space<hbm>>
        tpu.enqueue_indirect_dma source(%dma_start3A_179 : memref<10000x128xf32, #tpu.memory_space<hbm>>) target(%arg11 : memref<40x128xf32, #tpu.memory_space<vmem>>) offsets(%dma_start3A_176 : memref<40xi32, #tpu.memory_space<vmem>>) semaphore(%arg18 : memref<!tpu.dma_semaphore, #tpu.memory_space<semaphore_mem>>)
        %add3A_180 = arith.addi %mul3A_2, %multiple_of3A_175 : i32
        %dma_start3A_181 = arith.constant 0 : i32
        %dma_start3A_182 = tpu.memref_slice %arg3[%add3A_180, %dma_start3A_181] : memref<320000x128xf32, #tpu.memory_space<hbm>> -> memref<40x128xf32, #tpu.memory_space<hbm>>
        %dma_start3A_183 = arith.constant 0 : i32
        %dma_start3A_184 = tpu.memref_slice %arg3[%add3A_180, %dma_start3A_183] : memref<320000x128xf32, #tpu.memory_space<hbm>> -> memref<40x128xf32, #tpu.memory_space<hbm>>
        tpu.enqueue_dma source(%dma_start3A_184 : memref<40x128xf32, #tpu.memory_space<hbm>>) target(%arg13 : memref<40x128xf32, #tpu.memory_space<vmem>>) target_semaphore(%arg20 : memref<!tpu.dma_semaphore, #tpu.memory_space<semaphore_mem>>)
      } else {
      }
      %dma_wait3A_143 = arith.constant 0 : i32
      %dma_wait3A_144 = arith.constant 0 : i32
      %dma_wait3A_145 = tpu.memref_slice %arg8[%dma_wait3A_143, %dma_wait3A_144] : memref<1x40xi32, #tpu.memory_space<vmem>> -> memref<1x40xi32, #tpu.memory_space<vmem>>
      %dma_wait3A_146 = tpu.memref_squeeze %dma_wait3A_145 : memref<1x40xi32, #tpu.memory_space<vmem>> -> memref<40xi32, #tpu.memory_space<vmem>>
      %dma_wait3A_147 = arith.constant 0 : i32
      %dma_wait3A_148 = arith.constant 0 : i32
      %dma_wait3A_149 = tpu.memref_slice %arg16[%dma_wait3A_147, %dma_wait3A_148] : memref<10240x128xf32, #tpu.memory_space<vmem_shared>> -> memref<10240x128xf32, #tpu.memory_space<vmem_shared>>
      tpu.wait_indirect_dma semaphore(%arg21 : memref<!tpu.dma_semaphore, #tpu.memory_space<semaphore_mem>>) src(%arg14 : memref<40x128xf32, #tpu.memory_space<vmem>>) dst(%dma_wait3A_149 : memref<10240x128xf32, #tpu.memory_space<vmem_shared>>)
      %add3A_150 = arith.constant 2 : i32
      %add3A_151 = arith.addi %mul3A_67, %add3A_150 : i32
      %lt3A_152 = arith.constant 250 : i32
      %lt3A_153 = arith.cmpi slt, %add3A_151, %lt3A_152 : i32
      %convert_element_type3A_154 = arith.extui %lt3A_153 : i1 to i32
      %cond3A_155 = arith.constant 0 : i32
      %cond3A_156 = arith.cmpi ne, %convert_element_type3A_154, %cond3A_155 : i32
      scf.if %cond3A_156 {
        %add3A_171 = arith.constant 2 : i32
        %add3A_172 = arith.addi %mul3A_67, %add3A_171 : i32
        %dma_start3A_173 = arith.constant 0 : i32
        %dma_start3A_174 = tpu.memref_slice %arg5[%add3A, %add3A_172, %dma_start3A_173] : memref<32x250x40xi32, #tpu.memory_space<hbm>> -> memref<1x1x40xi32, #tpu.memory_space<hbm>>
        %dma_start3A_175 = tpu.memref_squeeze %dma_start3A_174 : memref<1x1x40xi32, #tpu.memory_space<hbm>> -> memref<1x40xi32, #tpu.memory_space<hbm>>
        %dma_start3A_176 = arith.constant 0 : i32
        %dma_start3A_177 = tpu.memref_slice %arg5[%add3A, %add3A_172, %dma_start3A_176] : memref<32x250x40xi32, #tpu.memory_space<hbm>> -> memref<1x1x40xi32, #tpu.memory_space<hbm>>
        %dma_start3A_178 = tpu.memref_squeeze %dma_start3A_177 : memref<1x1x40xi32, #tpu.memory_space<hbm>> -> memref<1x40xi32, #tpu.memory_space<hbm>>
        tpu.enqueue_dma source(%dma_start3A_178 : memref<1x40xi32, #tpu.memory_space<hbm>>) target(%arg8 : memref<1x40xi32, #tpu.memory_space<vmem>>) target_semaphore(%arg23 : memref<!tpu.dma_semaphore, #tpu.memory_space<semaphore_mem>>)
      } else {
      }
      %dma_wait3A_157 = arith.constant 0 : i32
      %dma_wait3A_158 = arith.constant 0 : i32
      %dma_wait3A_159 = tpu.memref_slice %arg9[%dma_wait3A_157, %dma_wait3A_158] : memref<1x40xi32, #tpu.memory_space<vmem>> -> memref<1x40xi32, #tpu.memory_space<vmem>>
      %dma_wait3A_160 = tpu.memref_squeeze %dma_wait3A_159 : memref<1x40xi32, #tpu.memory_space<vmem>> -> memref<40xi32, #tpu.memory_space<vmem>>
      %dma_wait3A_161 = arith.constant 0 : i32
      %dma_wait3A_162 = arith.constant 0 : i32
      %dma_wait3A_163 = tpu.memref_slice %arg16[%dma_wait3A_161, %dma_wait3A_162] : memref<10240x128xf32, #tpu.memory_space<vmem_shared>> -> memref<10240x128xf32, #tpu.memory_space<vmem_shared>>
      tpu.wait_indirect_dma semaphore(%arg22 : memref<!tpu.dma_semaphore, #tpu.memory_space<semaphore_mem>>) src(%arg15 : memref<40x128xf32, #tpu.memory_space<vmem>>) dst(%dma_wait3A_163 : memref<10240x128xf32, #tpu.memory_space<vmem_shared>>)
      %add3A_164 = arith.constant 2 : i32
      %add3A_165 = arith.addi %add3A_69, %add3A_164 : i32
      %lt3A_166 = arith.constant 250 : i32
      %lt3A_167 = arith.cmpi slt, %add3A_165, %lt3A_166 : i32
      %convert_element_type3A_168 = arith.extui %lt3A_167 : i1 to i32
      %cond3A_169 = arith.constant 0 : i32
      %cond3A_170 = arith.cmpi ne, %convert_element_type3A_168, %cond3A_169 : i32
      scf.if %cond3A_170 {
        %add3A_171 = arith.constant 2 : i32
        %add3A_172 = arith.addi %add3A_69, %add3A_171 : i32
        %dma_start3A_173 = arith.constant 0 : i32
        %dma_start3A_174 = tpu.memref_slice %arg5[%add3A, %add3A_172, %dma_start3A_173] : memref<32x250x40xi32, #tpu.memory_space<hbm>> -> memref<1x1x40xi32, #tpu.memory_space<hbm>>
        %dma_start3A_175 = tpu.memref_squeeze %dma_start3A_174 : memref<1x1x40xi32, #tpu.memory_space<hbm>> -> memref<1x40xi32, #tpu.memory_space<hbm>>
        %dma_start3A_176 = arith.constant 0 : i32
        %dma_start3A_177 = tpu.memref_slice %arg5[%add3A, %add3A_172, %dma_start3A_176] : memref<32x250x40xi32, #tpu.memory_space<hbm>> -> memref<1x1x40xi32, #tpu.memory_space<hbm>>
        %dma_start3A_178 = tpu.memref_squeeze %dma_start3A_177 : memref<1x1x40xi32, #tpu.memory_space<hbm>> -> memref<1x40xi32, #tpu.memory_space<hbm>>
        tpu.enqueue_dma source(%dma_start3A_178 : memref<1x40xi32, #tpu.memory_space<hbm>>) target(%arg9 : memref<1x40xi32, #tpu.memory_space<vmem>>) target_semaphore(%arg24 : memref<!tpu.dma_semaphore, #tpu.memory_space<semaphore_mem>>)
      } else {
      }
    }
    %scan3A_53 = arith.constant 125 : i32
    %barrier3A_54 = arith.constant 0 : index
    tpu.barrier barrier_id(%barrier3A_54)
    %lt3A = arith.constant 15 : i32
    %lt3A_55 = arith.cmpi slt, %arg1, %lt3A : i32
    %convert_element_type3A = arith.extui %lt3A_55 : i1 to i32
    %cond3A = arith.constant 0 : i32
    %cond3A_56 = arith.cmpi ne, %convert_element_type3A, %cond3A : i32
    scf.if %cond3A_56 {
      %mul3A_61 = arith.constant 640 : i32
      %mul3A_62 = arith.muli %arg1, %mul3A_61 : i32
      %mul3A_63 = arith.constant 640 : i32
      %mul3A_64 = arith.muli %arg1, %mul3A_63 : i32
      "tpu.region"() ({
        %run_scoped3A = tpu.sem_alloc : memref<!tpu.dma_semaphore, #tpu.memory_space<semaphore_mem>>
        %dma_start3A_65 = arith.constant 0 : i32
        %dma_start3A_66 = tpu.memref_slice %arg6[%arg0, %mul3A_64, %dma_start3A_65] : memref<2x10000x128xf32, #tpu.memory_space<hbm>> -> memref<1x640x128xf32, #tpu.memory_space<hbm>>
        %dma_start3A_67 = tpu.memref_squeeze %dma_start3A_66 : memref<1x640x128xf32, #tpu.memory_space<hbm>> -> memref<640x128xf32, #tpu.memory_space<hbm>>
        %dma_start3A_68 = arith.constant 0 : i32
        %dma_start3A_69 = tpu.memref_slice %arg16[%mul3A_62, %dma_start3A_68] : memref<10240x128xf32, #tpu.memory_space<vmem_shared>> -> memref<640x128xf32, #tpu.memory_space<vmem_shared>>
        tpu.enqueue_dma source(%dma_start3A_69 : memref<640x128xf32, #tpu.memory_space<vmem_shared>>) target(%dma_start3A_67 : memref<640x128xf32, #tpu.memory_space<hbm>>) target_semaphore(%run_scoped3A : memref<!tpu.dma_semaphore, #tpu.memory_space<semaphore_mem>>)
        %dma_wait3A = arith.constant 0 : i32
        %dma_wait3A_70 = tpu.memref_slice %arg6[%arg0, %mul3A_64, %dma_wait3A] : memref<2x10000x128xf32, #tpu.memory_space<hbm>> -> memref<1x640x128xf32, #tpu.memory_space<hbm>>
        %dma_wait3A_71 = tpu.memref_squeeze %dma_wait3A_70 : memref<1x640x128xf32, #tpu.memory_space<hbm>> -> memref<640x128xf32, #tpu.memory_space<hbm>>
        %dma_wait3A_72 = arith.constant 0 : i32
        %dma_wait3A_73 = tpu.memref_slice %arg16[%mul3A_62, %dma_wait3A_72] : memref<10240x128xf32, #tpu.memory_space<vmem_shared>> -> memref<640x128xf32, #tpu.memory_space<vmem_shared>>
        tpu.wait_dma2 semaphore(%run_scoped3A : memref<!tpu.dma_semaphore, #tpu.memory_space<semaphore_mem>>) src(%dma_wait3A_73 : memref<640x128xf32, #tpu.memory_space<vmem_shared>>) dst(%dma_wait3A_71 : memref<640x128xf32, #tpu.memory_space<hbm>>)
        tpu.yield
      }) : () -> ()
    } else {
    }
    %eq3A = arith.constant 15 : i32
    %eq3A_57 = arith.cmpi eq, %arg1, %eq3A : i32
    %convert_element_type3A_58 = arith.extui %eq3A_57 : i1 to i32
    %cond3A_59 = arith.constant 0 : i32
    %cond3A_60 = arith.cmpi ne, %convert_element_type3A_58, %cond3A_59 : i32
    scf.if %cond3A_60 {
      "tpu.region"() ({
        %run_scoped3A = tpu.sem_alloc : memref<!tpu.dma_semaphore, #tpu.memory_space<semaphore_mem>>
        %dma_start3A_61 = arith.constant 9600 : i32
        %dma_start3A_62 = arith.constant 0 : i32
        %dma_start3A_63 = tpu.memref_slice %arg6[%arg0, %dma_start3A_61, %dma_start3A_62] : memref<2x10000x128xf32, #tpu.memory_space<hbm>> -> memref<1x400x128xf32, #tpu.memory_space<hbm>>
        %dma_start3A_64 = tpu.memref_squeeze %dma_start3A_63 : memref<1x400x128xf32, #tpu.memory_space<hbm>> -> memref<400x128xf32, #tpu.memory_space<hbm>>
        %dma_start3A_65 = arith.constant 9600 : i32
        %dma_start3A_66 = arith.constant 0 : i32
        %dma_start3A_67 = tpu.memref_slice %arg16[%dma_start3A_65, %dma_start3A_66] : memref<10240x128xf32, #tpu.memory_space<vmem_shared>> -> memref<400x128xf32, #tpu.memory_space<vmem_shared>>
        tpu.enqueue_dma source(%dma_start3A_67 : memref<400x128xf32, #tpu.memory_space<vmem_shared>>) target(%dma_start3A_64 : memref<400x128xf32, #tpu.memory_space<hbm>>) target_semaphore(%run_scoped3A : memref<!tpu.dma_semaphore, #tpu.memory_space<semaphore_mem>>)
        %dma_wait3A = arith.constant 9600 : i32
        %dma_wait3A_68 = arith.constant 0 : i32
        %dma_wait3A_69 = tpu.memref_slice %arg6[%arg0, %dma_wait3A, %dma_wait3A_68] : memref<2x10000x128xf32, #tpu.memory_space<hbm>> -> memref<1x400x128xf32, #tpu.memory_space<hbm>>
        %dma_wait3A_70 = tpu.memref_squeeze %dma_wait3A_69 : memref<1x400x128xf32, #tpu.memory_space<hbm>> -> memref<400x128xf32, #tpu.memory_space<hbm>>
        %dma_wait3A_71 = arith.constant 9600 : i32
        %dma_wait3A_72 = arith.constant 0 : i32
        %dma_wait3A_73 = tpu.memref_slice %arg16[%dma_wait3A_71, %dma_wait3A_72] : memref<10240x128xf32, #tpu.memory_space<vmem_shared>> -> memref<400x128xf32, #tpu.memory_space<vmem_shared>>
        tpu.wait_dma2 semaphore(%run_scoped3A : memref<!tpu.dma_semaphore, #tpu.memory_space<semaphore_mem>>) src(%dma_wait3A_73 : memref<400x128xf32, #tpu.memory_space<vmem_shared>>) dst(%dma_wait3A_70 : memref<400x128xf32, #tpu.memory_space<hbm>>)
        tpu.yield
      }) : () -> ()
    } else {
    }
    return
  }
}

#map = affine_map<(d0, d1) -> (0, 0)>
#map1 = affine_map<(d0, d1) -> (0)>
#map2 = affine_map<(d0, d1) -> (0, 0, 0)>
module attributes {stable_mosaic.version = 14 : i64} {
  func.func @k(%arg0: i32, %arg1: i32, %arg2: memref<10000x128xf32, #tpu.memory_space<hbm>>, %arg3: memref<320000x128xf32, #tpu.memory_space<hbm>>, %arg4: memref<320000xi32, #tpu.memory_space<hbm>>, %arg5: memref<32x250x40xi32, #tpu.memory_space<hbm>>, %arg6: memref<2x10000x128xf32, #tpu.memory_space<hbm>>, %arg7: memref<10000xi32, #tpu.memory_space<vmem>>, %arg8: memref<1x40xi32, #tpu.memory_space<vmem>>, %arg9: memref<1x40xi32, #tpu.memory_space<vmem>>, %arg10: memref<40x128xf32, #tpu.memory_space<vmem>>, %arg11: memref<40x128xf32, #tpu.memory_space<vmem>>, %arg12: memref<40x128xf32, #tpu.memory_space<vmem>>, %arg13: memref<40x128xf32, #tpu.memory_space<vmem>>, %arg14: memref<40x128xf32, #tpu.memory_space<vmem>>, %arg15: memref<40x128xf32, #tpu.memory_space<vmem>>, %arg16: memref<10240x128xf32, #tpu.memory_space<vmem_shared>>, %arg17: memref<!tpu.dma_semaphore, #tpu.memory_space<semaphore_mem>>, %arg18: memref<!tpu.dma_semaphore, #tpu.memory_space<semaphore_mem>>, %arg19: memref<!tpu.dma_semaphore, #tpu.memory_space<semaphore_mem>>, %arg20: memref<!tpu.dma_semaphore, #tpu.memory_space<semaphore_mem>>, %arg21: memref<!tpu.dma_semaphore, #tpu.memory_space<semaphore_mem>>, %arg22: memref<!tpu.dma_semaphore, #tpu.memory_space<semaphore_mem>>, %arg23: memref<!tpu.dma_semaphore, #tpu.memory_space<semaphore_mem>>, %arg24: memref<!tpu.dma_semaphore, #tpu.memory_space<semaphore_mem>>) attributes {dimension_semantics = [#tpu.dimension_semantics<core_parallel>, #tpu.dimension_semantics<subcore_parallel>], iteration_bounds = array<i64: 2, 16>, scalar_prefetch = 0 : i64, scratch_operands = 18 : i64, tpu.core_type = #tpu.core_type<sc_vector_subcore>, window_params = [{transform_indices = #map}, {transform_indices = #map}, {transform_indices = #map1}, {transform_indices = #map2}, {transform_indices = #map2}]} {
    %mul3A = arith.constant 16 : i32
    %mul3A_0 = arith.muli %arg0, %mul3A : i32
    %add3A = arith.addi %mul3A_0, %arg1 : i32
    %mul3A_1 = arith.constant 10000 : i32
    %mul3A_2 = arith.muli %add3A, %mul3A_1 : i32
    "tpu.region"() ({
      %run_scoped3A = tpu.sem_alloc : memref<!tpu.dma_semaphore, #tpu.memory_space<semaphore_mem>>
      %dma_start3A_61 = tpu.memref_slice %arg4[%mul3A_2] : memref<320000xi32, #tpu.memory_space<hbm>> -> memref<10000xi32, #tpu.memory_space<hbm>>
      %dma_start3A_62 = tpu.memref_slice %arg4[%mul3A_2] : memref<320000xi32, #tpu.memory_space<hbm>> -> memref<10000xi32, #tpu.memory_space<hbm>>
      tpu.enqueue_dma source(%dma_start3A_62 : memref<10000xi32, #tpu.memory_space<hbm>>) target(%arg7 : memref<10000xi32, #tpu.memory_space<vmem>>) target_semaphore(%run_scoped3A : memref<!tpu.dma_semaphore, #tpu.memory_space<semaphore_mem>>)
      %dma_wait3A = tpu.memref_slice %arg4[%mul3A_2] : memref<320000xi32, #tpu.memory_space<hbm>> -> memref<10000xi32, #tpu.memory_space<hbm>>
      %dma_wait3A_63 = tpu.memref_slice %arg4[%mul3A_2] : memref<320000xi32, #tpu.memory_space<hbm>> -> memref<10000xi32, #tpu.memory_space<hbm>>
      tpu.wait_dma2 semaphore(%run_scoped3A : memref<!tpu.dma_semaphore, #tpu.memory_space<semaphore_mem>>) src(%dma_wait3A_63 : memref<10000xi32, #tpu.memory_space<hbm>>) dst(%arg7 : memref<10000xi32, #tpu.memory_space<vmem>>)
      tpu.yield
    }) : () -> ()
    %broadcast_in_dim3A = arith.constant 0.000000e+00 : f32
    %broadcast_in_dim3A_3 = vector.broadcast %broadcast_in_dim3A : f32 to vector<16xf32>
    %scan3A = arith.constant 0 : i32
    %scan3A_4 = arith.constant 40 : i32
    %scan3A_5 = arith.addi %scan3A, %scan3A_4 : i32
    %scan3A_6 = arith.constant 1 : i32
    scf.for %scan3A_61 = %scan3A to %scan3A_5 step %scan3A_6  : i32 {
      %mul3A_62 = arith.constant 1 : i32
      %mul3A_63 = arith.muli %scan3A_61, %mul3A_62 : i32
      %add3A_64 = arith.constant 0 : i32
      %add3A_65 = arith.addi %add3A_64, %mul3A_63 : i32
      %swap3A = arith.index_cast %add3A_65 : i32 to index
      %swap3A_66 = arith.constant 0 : index
      %swap3A_67 = tpu.vector_load %arg14[%swap3A, %swap3A_66] {strides = array<i32>} : memref<40x128xf32, #tpu.memory_space<vmem>>, vector<16xf32>,
      tpu.vector_store %arg14[%swap3A, %swap3A_66], %broadcast_in_dim3A_3 {strides = array<i32>} : memref<40x128xf32, #tpu.memory_space<vmem>>, vector<16xf32>,
      %swap3A_68 = arith.index_cast %add3A_65 : i32 to index
      %swap3A_69 = arith.constant 16 : index
      %swap3A_70 = tpu.vector_load %arg14[%swap3A_68, %swap3A_69] {strides = array<i32>} : memref<40x128xf32, #tpu.memory_space<vmem>>, vector<16xf32>,
      tpu.vector_store %arg14[%swap3A_68, %swap3A_69], %broadcast_in_dim3A_3 {strides = array<i32>} : memref<40x128xf32, #tpu.memory_space<vmem>>, vector<16xf32>,
      %swap3A_71 = arith.index_cast %add3A_65 : i32 to index
      %swap3A_72 = arith.constant 32 : index
      %swap3A_73 = tpu.vector_load %arg14[%swap3A_71, %swap3A_72] {strides = array<i32>} : memref<40x128xf32, #tpu.memory_space<vmem>>, vector<16xf32>,
      tpu.vector_store %arg14[%swap3A_71, %swap3A_72], %broadcast_in_dim3A_3 {strides = array<i32>} : memref<40x128xf32, #tpu.memory_space<vmem>>, vector<16xf32>,
      %swap3A_74 = arith.index_cast %add3A_65 : i32 to index
      %swap3A_75 = arith.constant 48 : index
      %swap3A_76 = tpu.vector_load %arg14[%swap3A_74, %swap3A_75] {strides = array<i32>} : memref<40x128xf32, #tpu.memory_space<vmem>>, vector<16xf32>,
      tpu.vector_store %arg14[%swap3A_74, %swap3A_75], %broadcast_in_dim3A_3 {strides = array<i32>} : memref<40x128xf32, #tpu.memory_space<vmem>>, vector<16xf32>,
      %swap3A_77 = arith.index_cast %add3A_65 : i32 to index
      %swap3A_78 = arith.constant 64 : index
      %swap3A_79 = tpu.vector_load %arg14[%swap3A_77, %swap3A_78] {strides = array<i32>} : memref<40x128xf32, #tpu.memory_space<vmem>>, vector<16xf32>,
      tpu.vector_store %arg14[%swap3A_77, %swap3A_78], %broadcast_in_dim3A_3 {strides = array<i32>} : memref<40x128xf32, #tpu.memory_space<vmem>>, vector<16xf32>,
      %swap3A_80 = arith.index_cast %add3A_65 : i32 to index
      %swap3A_81 = arith.constant 80 : index
      %swap3A_82 = tpu.vector_load %arg14[%swap3A_80, %swap3A_81] {strides = array<i32>} : memref<40x128xf32, #tpu.memory_space<vmem>>, vector<16xf32>,
      tpu.vector_store %arg14[%swap3A_80, %swap3A_81], %broadcast_in_dim3A_3 {strides = array<i32>} : memref<40x128xf32, #tpu.memory_space<vmem>>, vector<16xf32>,
      %swap3A_83 = arith.index_cast %add3A_65 : i32 to index
      %swap3A_84 = arith.constant 96 : index
      %swap3A_85 = tpu.vector_load %arg14[%swap3A_83, %swap3A_84] {strides = array<i32>} : memref<40x128xf32, #tpu.memory_space<vmem>>, vector<16xf32>,
      tpu.vector_store %arg14[%swap3A_83, %swap3A_84], %broadcast_in_dim3A_3 {strides = array<i32>} : memref<40x128xf32, #tpu.memory_space<vmem>>, vector<16xf32>,
      %swap3A_86 = arith.index_cast %add3A_65 : i32 to index
      %swap3A_87 = arith.constant 112 : index
      %swap3A_88 = tpu.vector_load %arg14[%swap3A_86, %swap3A_87] {strides = array<i32>} : memref<40x128xf32, #tpu.memory_space<vmem>>, vector<16xf32>,
      tpu.vector_store %arg14[%swap3A_86, %swap3A_87], %broadcast_in_dim3A_3 {strides = array<i32>} : memref<40x128xf32, #tpu.memory_space<vmem>>, vector<16xf32>,
    }
    %scan3A_7 = arith.constant 40 : i32
    %scan3A_8 = arith.constant 0 : i32
    %scan3A_9 = arith.constant 16 : i32
    %scan3A_10 = arith.addi %scan3A_8, %scan3A_9 : i32
    %scan3A_11 = arith.constant 1 : i32
    scf.for %scan3A_61 = %scan3A_8 to %scan3A_10 step %scan3A_11  : i32 {
      %mul3A_62 = arith.constant 1 : i32
      %mul3A_63 = arith.muli %scan3A_61, %mul3A_62 : i32
      %add3A_64 = arith.constant 0 : i32
      %add3A_65 = arith.addi %add3A_64, %mul3A_63 : i32
      %mul3A_66 = arith.constant 640 : i32
      %mul3A_67 = arith.muli %arg1, %mul3A_66 : i32
      %mul3A_68 = arith.constant 40 : i32
      %mul3A_69 = arith.muli %add3A_65, %mul3A_68 : i32
      %add3A_70 = arith.addi %mul3A_67, %mul3A_69 : i32
      "tpu.region"() ({
        %run_scoped3A = tpu.sem_alloc : memref<!tpu.dma_semaphore, #tpu.memory_space<semaphore_mem>>
        %dma_start3A_71 = arith.constant 0 : i32
        %dma_start3A_72 = tpu.memref_slice %arg16[%add3A_70, %dma_start3A_71] : memref<10240x128xf32, #tpu.memory_space<vmem_shared>> -> memref<40x128xf32, #tpu.memory_space<vmem_shared>>
        %dma_start3A_73 = arith.constant 0 : i32
        %dma_start3A_74 = tpu.memref_slice %arg16[%add3A_70, %dma_start3A_73] : memref<10240x128xf32, #tpu.memory_space<vmem_shared>> -> memref<40x128xf32, #tpu.memory_space<vmem_shared>>
        tpu.enqueue_dma source(%arg14 : memref<40x128xf32, #tpu.memory_space<vmem>>) target(%dma_start3A_74 : memref<40x128xf32, #tpu.memory_space<vmem_shared>>) target_semaphore(%run_scoped3A : memref<!tpu.dma_semaphore, #tpu.memory_space<semaphore_mem>>)
        %dma_wait3A = arith.constant 0 : i32
        %dma_wait3A_75 = tpu.memref_slice %arg16[%add3A_70, %dma_wait3A] : memref<10240x128xf32, #tpu.memory_space<vmem_shared>> -> memref<40x128xf32, #tpu.memory_space<vmem_shared>>
        %dma_wait3A_76 = arith.constant 0 : i32
        %dma_wait3A_77 = tpu.memref_slice %arg16[%add3A_70, %dma_wait3A_76] : memref<10240x128xf32, #tpu.memory_space<vmem_shared>> -> memref<40x128xf32, #tpu.memory_space<vmem_shared>>
        tpu.wait_dma2 semaphore(%run_scoped3A : memref<!tpu.dma_semaphore, #tpu.memory_space<semaphore_mem>>) src(%arg14 : memref<40x128xf32, #tpu.memory_space<vmem>>) dst(%dma_wait3A_77 : memref<40x128xf32, #tpu.memory_space<vmem_shared>>)
        tpu.yield
      }) : () -> ()
    }
    %scan3A_12 = arith.constant 16 : i32
    %multiple_of3A = arith.constant 0 : i32
    %multiple_of3A_13 = tpu.assume_multiple %multiple_of3A, 8 : i32
    %dma_start3A = tpu.memref_slice %arg7[%multiple_of3A_13] : memref<10000xi32, #tpu.memory_space<vmem>> -> memref<40xi32, #tpu.memory_space<vmem>>
    %dma_start3A_14 = arith.constant 0 : i32
    %dma_start3A_15 = arith.constant 0 : i32
    %dma_start3A_16 = tpu.memref_slice %arg2[%dma_start3A_14, %dma_start3A_15] : memref<10000x128xf32, #tpu.memory_space<hbm>> -> memref<10000x128xf32, #tpu.memory_space<hbm>>
    tpu.enqueue_indirect_dma source(%dma_start3A_16 : memref<10000x128xf32, #tpu.memory_space<hbm>>) target(%arg10 : memref<40x128xf32, #tpu.memory_space<vmem>>) offsets(%dma_start3A : memref<40xi32, #tpu.memory_space<vmem>>) semaphore(%arg17 : memref<!tpu.dma_semaphore, #tpu.memory_space<semaphore_mem>>)
    %add3A_17 = arith.addi %mul3A_2, %multiple_of3A_13 : i32
    %dma_start3A_18 = arith.constant 0 : i32
    %dma_start3A_19 = tpu.memref_slice %arg3[%add3A_17, %dma_start3A_18] : memref<320000x128xf32, #tpu.memory_space<hbm>> -> memref<40x128xf32, #tpu.memory_space<hbm>>
    %dma_start3A_20 = arith.constant 0 : i32
    %dma_start3A_21 = tpu.memref_slice %arg3[%add3A_17, %dma_start3A_20] : memref<320000x128xf32, #tpu.memory_space<hbm>> -> memref<40x128xf32, #tpu.memory_space<hbm>>
    tpu.enqueue_dma source(%dma_start3A_21 : memref<40x128xf32, #tpu.memory_space<hbm>>) target(%arg12 : memref<40x128xf32, #tpu.memory_space<vmem>>) target_semaphore(%arg19 : memref<!tpu.dma_semaphore, #tpu.memory_space<semaphore_mem>>)
    %dma_start3A_22 = arith.constant 0 : i32
    %dma_start3A_23 = arith.constant 0 : i32
    %dma_start3A_24 = tpu.memref_slice %arg5[%add3A, %dma_start3A_22, %dma_start3A_23] : memref<32x250x40xi32, #tpu.memory_space<hbm>> -> memref<1x1x40xi32, #tpu.memory_space<hbm>>
    %dma_start3A_25 = tpu.memref_squeeze %dma_start3A_24 : memref<1x1x40xi32, #tpu.memory_space<hbm>> -> memref<1x40xi32, #tpu.memory_space<hbm>>
    %dma_start3A_26 = arith.constant 0 : i32
    %dma_start3A_27 = arith.constant 0 : i32
    %dma_start3A_28 = tpu.memref_slice %arg5[%add3A, %dma_start3A_26, %dma_start3A_27] : memref<32x250x40xi32, #tpu.memory_space<hbm>> -> memref<1x1x40xi32, #tpu.memory_space<hbm>>
    %dma_start3A_29 = tpu.memref_squeeze %dma_start3A_28 : memref<1x1x40xi32, #tpu.memory_space<hbm>> -> memref<1x40xi32, #tpu.memory_space<hbm>>
    tpu.enqueue_dma source(%dma_start3A_29 : memref<1x40xi32, #tpu.memory_space<hbm>>) target(%arg8 : memref<1x40xi32, #tpu.memory_space<vmem>>) target_semaphore(%arg23 : memref<!tpu.dma_semaphore, #tpu.memory_space<semaphore_mem>>)
    %multiple_of3A_30 = arith.constant 40 : i32
    %multiple_of3A_31 = tpu.assume_multiple %multiple_of3A_30, 8 : i32
    %dma_start3A_32 = tpu.memref_slice %arg7[%multiple_of3A_31] : memref<10000xi32, #tpu.memory_space<vmem>> -> memref<40xi32, #tpu.memory_space<vmem>>
    %dma_start3A_33 = arith.constant 0 : i32
    %dma_start3A_34 = arith.constant 0 : i32
    %dma_start3A_35 = tpu.memref_slice %arg2[%dma_start3A_33, %dma_start3A_34] : memref<10000x128xf32, #tpu.memory_space<hbm>> -> memref<10000x128xf32, #tpu.memory_space<hbm>>
    tpu.enqueue_indirect_dma source(%dma_start3A_35 : memref<10000x128xf32, #tpu.memory_space<hbm>>) target(%arg11 : memref<40x128xf32, #tpu.memory_space<vmem>>) offsets(%dma_start3A_32 : memref<40xi32, #tpu.memory_space<vmem>>) semaphore(%arg18 : memref<!tpu.dma_semaphore, #tpu.memory_space<semaphore_mem>>)
    %add3A_36 = arith.addi %mul3A_2, %multiple_of3A_31 : i32
    %dma_start3A_37 = arith.constant 0 : i32
    %dma_start3A_38 = tpu.memref_slice %arg3[%add3A_36, %dma_start3A_37] : memref<320000x128xf32, #tpu.memory_space<hbm>> -> memref<40x128xf32, #tpu.memory_space<hbm>>
    %dma_start3A_39 = arith.constant 0 : i32
    %dma_start3A_40 = tpu.memref_slice %arg3[%add3A_36, %dma_start3A_39] : memref<320000x128xf32, #tpu.memory_space<hbm>> -> memref<40x128xf32, #tpu.memory_space<hbm>>
    tpu.enqueue_dma source(%dma_start3A_40 : memref<40x128xf32, #tpu.memory_space<hbm>>) target(%arg13 : memref<40x128xf32, #tpu.memory_space<vmem>>) target_semaphore(%arg20 : memref<!tpu.dma_semaphore, #tpu.memory_space<semaphore_mem>>)
    %dma_start3A_41 = arith.constant 1 : i32
    %dma_start3A_42 = arith.constant 0 : i32
    %dma_start3A_43 = tpu.memref_slice %arg5[%add3A, %dma_start3A_41, %dma_start3A_42] : memref<32x250x40xi32, #tpu.memory_space<hbm>> -> memref<1x1x40xi32, #tpu.memory_space<hbm>>
    %dma_start3A_44 = tpu.memref_squeeze %dma_start3A_43 : memref<1x1x40xi32, #tpu.memory_space<hbm>> -> memref<1x40xi32, #tpu.memory_space<hbm>>
    %dma_start3A_45 = arith.constant 1 : i32
    %dma_start3A_46 = arith.constant 0 : i32
    %dma_start3A_47 = tpu.memref_slice %arg5[%add3A, %dma_start3A_45, %dma_start3A_46] : memref<32x250x40xi32, #tpu.memory_space<hbm>> -> memref<1x1x40xi32, #tpu.memory_space<hbm>>
    %dma_start3A_48 = tpu.memref_squeeze %dma_start3A_47 : memref<1x1x40xi32, #tpu.memory_space<hbm>> -> memref<1x40xi32, #tpu.memory_space<hbm>>
    tpu.enqueue_dma source(%dma_start3A_48 : memref<1x40xi32, #tpu.memory_space<hbm>>) target(%arg9 : memref<1x40xi32, #tpu.memory_space<vmem>>) target_semaphore(%arg24 : memref<!tpu.dma_semaphore, #tpu.memory_space<semaphore_mem>>)
    %barrier3A = arith.constant 0 : index
    tpu.barrier barrier_id(%barrier3A)
    %scan3A_49 = arith.constant 0 : i32
    %scan3A_50 = arith.constant 125 : i32
    %scan3A_51 = arith.addi %scan3A_49, %scan3A_50 : i32
    %scan3A_52 = arith.constant 1 : i32
    scf.for %scan3A_61 = %scan3A_49 to %scan3A_51 step %scan3A_52  : i32 {
      %mul3A_62 = arith.constant 1 : i32
      %mul3A_63 = arith.muli %scan3A_61, %mul3A_62 : i32
      %add3A_64 = arith.constant 0 : i32
      %add3A_65 = arith.addi %add3A_64, %mul3A_63 : i32
      %mul3A_66 = arith.constant 2 : i32
      %mul3A_67 = arith.muli %add3A_65, %mul3A_66 : i32
      %add3A_68 = arith.constant 1 : i32
      %add3A_69 = arith.addi %mul3A_67, %add3A_68 : i32
      %mul3A_70 = arith.constant 40 : i32
      %mul3A_71 = arith.muli %mul3A_67, %mul3A_70 : i32
      %multiple_of3A_72 = tpu.assume_multiple %mul3A_71, 8 : i32
      %dma_wait3A = tpu.memref_slice %arg7[%multiple_of3A_72] : memref<10000xi32, #tpu.memory_space<vmem>> -> memref<40xi32, #tpu.memory_space<vmem>>
      %dma_wait3A_73 = arith.constant 0 : i32
      %dma_wait3A_74 = arith.constant 0 : i32
      %dma_wait3A_75 = tpu.memref_slice %arg2[%dma_wait3A_73, %dma_wait3A_74] : memref<10000x128xf32, #tpu.memory_space<hbm>> -> memref<10000x128xf32, #tpu.memory_space<hbm>>
      tpu.wait_indirect_dma semaphore(%arg17 : memref<!tpu.dma_semaphore, #tpu.memory_space<semaphore_mem>>) src(%dma_wait3A_75 : memref<10000x128xf32, #tpu.memory_space<hbm>>) dst(%arg10 : memref<40x128xf32, #tpu.memory_space<vmem>>)
      %add3A_76 = arith.addi %mul3A_2, %multiple_of3A_72 : i32
      %dma_wait3A_77 = arith.constant 0 : i32
      %dma_wait3A_78 = tpu.memref_slice %arg3[%add3A_76, %dma_wait3A_77] : memref<320000x128xf32, #tpu.memory_space<hbm>> -> memref<40x128xf32, #tpu.memory_space<hbm>>
      %dma_wait3A_79 = arith.constant 0 : i32
      %dma_wait3A_80 = tpu.memref_slice %arg3[%add3A_76, %dma_wait3A_79] : memref<320000x128xf32, #tpu.memory_space<hbm>> -> memref<40x128xf32, #tpu.memory_space<hbm>>
      tpu.wait_dma2 semaphore(%arg19 : memref<!tpu.dma_semaphore, #tpu.memory_space<semaphore_mem>>) src(%dma_wait3A_80 : memref<40x128xf32, #tpu.memory_space<hbm>>) dst(%arg12 : memref<40x128xf32, #tpu.memory_space<vmem>>)
      %dma_wait3A_81 = arith.constant 0 : i32
      %dma_wait3A_82 = tpu.memref_slice %arg5[%add3A, %mul3A_67, %dma_wait3A_81] : memref<32x250x40xi32, #tpu.memory_space<hbm>> -> memref<1x1x40xi32, #tpu.memory_space<hbm>>
      %dma_wait3A_83 = tpu.memref_squeeze %dma_wait3A_82 : memref<1x1x40xi32, #tpu.memory_space<hbm>> -> memref<1x40xi32, #tpu.memory_space<hbm>>
      %dma_wait3A_84 = arith.constant 0 : i32
      %dma_wait3A_85 = tpu.memref_slice %arg5[%add3A, %mul3A_67, %dma_wait3A_84] : memref<32x250x40xi32, #tpu.memory_space<hbm>> -> memref<1x1x40xi32, #tpu.memory_space<hbm>>
      %dma_wait3A_86 = tpu.memref_squeeze %dma_wait3A_85 : memref<1x1x40xi32, #tpu.memory_space<hbm>> -> memref<1x40xi32, #tpu.memory_space<hbm>>
      tpu.wait_dma2 semaphore(%arg23 : memref<!tpu.dma_semaphore, #tpu.memory_space<semaphore_mem>>) src(%dma_wait3A_86 : memref<1x40xi32, #tpu.memory_space<hbm>>) dst(%arg8 : memref<1x40xi32, #tpu.memory_space<vmem>>)
      %scan3A_87 = arith.constant 0 : i32
      %scan3A_88 = arith.constant 40 : i32
      %scan3A_89 = arith.addi %scan3A_87, %scan3A_88 : i32
      %scan3A_90 = arith.constant 1 : i32
      scf.for %scan3A_171 = %scan3A_87 to %scan3A_89 step %scan3A_90  : i32 {
        %mul3A_172 = arith.constant 1 : i32
        %mul3A_173 = arith.muli %scan3A_171, %mul3A_172 : i32
        %add3A_174 = arith.constant 0 : i32
        %add3A_175 = arith.addi %add3A_174, %mul3A_173 : i32
        %get3A = arith.index_cast %add3A_175 : i32 to index
        %get3A_176 = arith.constant 0 : index
        %get3A_177 = tpu.vector_load %arg12[%get3A, %get3A_176] {strides = array<i32>} : memref<40x128xf32, #tpu.memory_space<vmem>>, vector<16xf32>,
        %get3A_178 = arith.index_cast %add3A_175 : i32 to index
        %get3A_179 = arith.constant 0 : index
        %get3A_180 = tpu.vector_load %arg10[%get3A_178, %get3A_179] {strides = array<i32>} : memref<40x128xf32, #tpu.memory_space<vmem>>, vector<16xf32>,
        %add3A_181 = arith.addf %get3A_177, %get3A_180 : vector<16xf32>
        %max3A = arith.constant 0.000000e+00 : f32
        %max3A_182 = vector.broadcast %max3A : f32 to vector<16xf32>
        %max3A_183 = arith.maximumf %add3A_181, %max3A_182 : vector<16xf32>
        %swap3A = arith.index_cast %add3A_175 : i32 to index
        %swap3A_184 = arith.constant 0 : index
        %swap3A_185 = tpu.vector_load %arg14[%swap3A, %swap3A_184] {strides = array<i32>} : memref<40x128xf32, #tpu.memory_space<vmem>>, vector<16xf32>,
        tpu.vector_store %arg14[%swap3A, %swap3A_184], %max3A_183 {strides = array<i32>} : memref<40x128xf32, #tpu.memory_space<vmem>>, vector<16xf32>,
        %get3A_186 = arith.index_cast %add3A_175 : i32 to index
        %get3A_187 = arith.constant 16 : index
        %get3A_188 = tpu.vector_load %arg12[%get3A_186, %get3A_187] {strides = array<i32>} : memref<40x128xf32, #tpu.memory_space<vmem>>, vector<16xf32>,
        %get3A_189 = arith.index_cast %add3A_175 : i32 to index
        %get3A_190 = arith.constant 16 : index
        %get3A_191 = tpu.vector_load %arg10[%get3A_189, %get3A_190] {strides = array<i32>} : memref<40x128xf32, #tpu.memory_space<vmem>>, vector<16xf32>,
        %add3A_192 = arith.addf %get3A_188, %get3A_191 : vector<16xf32>
        %max3A_193 = arith.constant 0.000000e+00 : f32
        %max3A_194 = vector.broadcast %max3A_193 : f32 to vector<16xf32>
        %max3A_195 = arith.maximumf %add3A_192, %max3A_194 : vector<16xf32>
        %swap3A_196 = arith.index_cast %add3A_175 : i32 to index
        %swap3A_197 = arith.constant 16 : index
        %swap3A_198 = tpu.vector_load %arg14[%swap3A_196, %swap3A_197] {strides = array<i32>} : memref<40x128xf32, #tpu.memory_space<vmem>>, vector<16xf32>,
        tpu.vector_store %arg14[%swap3A_196, %swap3A_197], %max3A_195 {strides = array<i32>} : memref<40x128xf32, #tpu.memory_space<vmem>>, vector<16xf32>,
        %get3A_199 = arith.index_cast %add3A_175 : i32 to index
        %get3A_200 = arith.constant 32 : index
        %get3A_201 = tpu.vector_load %arg12[%get3A_199, %get3A_200] {strides = array<i32>} : memref<40x128xf32, #tpu.memory_space<vmem>>, vector<16xf32>,
        %get3A_202 = arith.index_cast %add3A_175 : i32 to index
        %get3A_203 = arith.constant 32 : index
        %get3A_204 = tpu.vector_load %arg10[%get3A_202, %get3A_203] {strides = array<i32>} : memref<40x128xf32, #tpu.memory_space<vmem>>, vector<16xf32>,
        %add3A_205 = arith.addf %get3A_201, %get3A_204 : vector<16xf32>
        %max3A_206 = arith.constant 0.000000e+00 : f32
        %max3A_207 = vector.broadcast %max3A_206 : f32 to vector<16xf32>
        %max3A_208 = arith.maximumf %add3A_205, %max3A_207 : vector<16xf32>
        %swap3A_209 = arith.index_cast %add3A_175 : i32 to index
        %swap3A_210 = arith.constant 32 : index
        %swap3A_211 = tpu.vector_load %arg14[%swap3A_209, %swap3A_210] {strides = array<i32>} : memref<40x128xf32, #tpu.memory_space<vmem>>, vector<16xf32>,
        tpu.vector_store %arg14[%swap3A_209, %swap3A_210], %max3A_208 {strides = array<i32>} : memref<40x128xf32, #tpu.memory_space<vmem>>, vector<16xf32>,
        %get3A_212 = arith.index_cast %add3A_175 : i32 to index
        %get3A_213 = arith.constant 48 : index
        %get3A_214 = tpu.vector_load %arg12[%get3A_212, %get3A_213] {strides = array<i32>} : memref<40x128xf32, #tpu.memory_space<vmem>>, vector<16xf32>,
        %get3A_215 = arith.index_cast %add3A_175 : i32 to index
        %get3A_216 = arith.constant 48 : index
        %get3A_217 = tpu.vector_load %arg10[%get3A_215, %get3A_216] {strides = array<i32>} : memref<40x128xf32, #tpu.memory_space<vmem>>, vector<16xf32>,
        %add3A_218 = arith.addf %get3A_214, %get3A_217 : vector<16xf32>
        %max3A_219 = arith.constant 0.000000e+00 : f32
        %max3A_220 = vector.broadcast %max3A_219 : f32 to vector<16xf32>
        %max3A_221 = arith.maximumf %add3A_218, %max3A_220 : vector<16xf32>
        %swap3A_222 = arith.index_cast %add3A_175 : i32 to index
        %swap3A_223 = arith.constant 48 : index
        %swap3A_224 = tpu.vector_load %arg14[%swap3A_222, %swap3A_223] {strides = array<i32>} : memref<40x128xf32, #tpu.memory_space<vmem>>, vector<16xf32>,
        tpu.vector_store %arg14[%swap3A_222, %swap3A_223], %max3A_221 {strides = array<i32>} : memref<40x128xf32, #tpu.memory_space<vmem>>, vector<16xf32>,
        %get3A_225 = arith.index_cast %add3A_175 : i32 to index
        %get3A_226 = arith.constant 64 : index
        %get3A_227 = tpu.vector_load %arg12[%get3A_225, %get3A_226] {strides = array<i32>} : memref<40x128xf32, #tpu.memory_space<vmem>>, vector<16xf32>,
        %get3A_228 = arith.index_cast %add3A_175 : i32 to index
        %get3A_229 = arith.constant 64 : index
        %get3A_230 = tpu.vector_load %arg10[%get3A_228, %get3A_229] {strides = array<i32>} : memref<40x128xf32, #tpu.memory_space<vmem>>, vector<16xf32>,
        %add3A_231 = arith.addf %get3A_227, %get3A_230 : vector<16xf32>
        %max3A_232 = arith.constant 0.000000e+00 : f32
        %max3A_233 = vector.broadcast %max3A_232 : f32 to vector<16xf32>
        %max3A_234 = arith.maximumf %add3A_231, %max3A_233 : vector<16xf32>
        %swap3A_235 = arith.index_cast %add3A_175 : i32 to index
        %swap3A_236 = arith.constant 64 : index
        %swap3A_237 = tpu.vector_load %arg14[%swap3A_235, %swap3A_236] {strides = array<i32>} : memref<40x128xf32, #tpu.memory_space<vmem>>, vector<16xf32>,
        tpu.vector_store %arg14[%swap3A_235, %swap3A_236], %max3A_234 {strides = array<i32>} : memref<40x128xf32, #tpu.memory_space<vmem>>, vector<16xf32>,
        %get3A_238 = arith.index_cast %add3A_175 : i32 to index
        %get3A_239 = arith.constant 80 : index
        %get3A_240 = tpu.vector_load %arg12[%get3A_238, %get3A_239] {strides = array<i32>} : memref<40x128xf32, #tpu.memory_space<vmem>>, vector<16xf32>,
        %get3A_241 = arith.index_cast %add3A_175 : i32 to index
        %get3A_242 = arith.constant 80 : index
        %get3A_243 = tpu.vector_load %arg10[%get3A_241, %get3A_242] {strides = array<i32>} : memref<40x128xf32, #tpu.memory_space<vmem>>, vector<16xf32>,
        %add3A_244 = arith.addf %get3A_240, %get3A_243 : vector<16xf32>
        %max3A_245 = arith.constant 0.000000e+00 : f32
        %max3A_246 = vector.broadcast %max3A_245 : f32 to vector<16xf32>
        %max3A_247 = arith.maximumf %add3A_244, %max3A_246 : vector<16xf32>
        %swap3A_248 = arith.index_cast %add3A_175 : i32 to index
        %swap3A_249 = arith.constant 80 : index
        %swap3A_250 = tpu.vector_load %arg14[%swap3A_248, %swap3A_249] {strides = array<i32>} : memref<40x128xf32, #tpu.memory_space<vmem>>, vector<16xf32>,
        tpu.vector_store %arg14[%swap3A_248, %swap3A_249], %max3A_247 {strides = array<i32>} : memref<40x128xf32, #tpu.memory_space<vmem>>, vector<16xf32>,
        %get3A_251 = arith.index_cast %add3A_175 : i32 to index
        %get3A_252 = arith.constant 96 : index
        %get3A_253 = tpu.vector_load %arg12[%get3A_251, %get3A_252] {strides = array<i32>} : memref<40x128xf32, #tpu.memory_space<vmem>>, vector<16xf32>,
        %get3A_254 = arith.index_cast %add3A_175 : i32 to index
        %get3A_255 = arith.constant 96 : index
        %get3A_256 = tpu.vector_load %arg10[%get3A_254, %get3A_255] {strides = array<i32>} : memref<40x128xf32, #tpu.memory_space<vmem>>, vector<16xf32>,
        %add3A_257 = arith.addf %get3A_253, %get3A_256 : vector<16xf32>
        %max3A_258 = arith.constant 0.000000e+00 : f32
        %max3A_259 = vector.broadcast %max3A_258 : f32 to vector<16xf32>
        %max3A_260 = arith.maximumf %add3A_257, %max3A_259 : vector<16xf32>
        %swap3A_261 = arith.index_cast %add3A_175 : i32 to index
        %swap3A_262 = arith.constant 96 : index
        %swap3A_263 = tpu.vector_load %arg14[%swap3A_261, %swap3A_262] {strides = array<i32>} : memref<40x128xf32, #tpu.memory_space<vmem>>, vector<16xf32>,
        tpu.vector_store %arg14[%swap3A_261, %swap3A_262], %max3A_260 {strides = array<i32>} : memref<40x128xf32, #tpu.memory_space<vmem>>, vector<16xf32>,
        %get3A_264 = arith.index_cast %add3A_175 : i32 to index
        %get3A_265 = arith.constant 112 : index
        %get3A_266 = tpu.vector_load %arg12[%get3A_264, %get3A_265] {strides = array<i32>} : memref<40x128xf32, #tpu.memory_space<vmem>>, vector<16xf32>,
        %get3A_267 = arith.index_cast %add3A_175 : i32 to index
        %get3A_268 = arith.constant 112 : index
        %get3A_269 = tpu.vector_load %arg10[%get3A_267, %get3A_268] {strides = array<i32>} : memref<40x128xf32, #tpu.memory_space<vmem>>, vector<16xf32>,
        %add3A_270 = arith.addf %get3A_266, %get3A_269 : vector<16xf32>
        %max3A_271 = arith.constant 0.000000e+00 : f32
        %max3A_272 = vector.broadcast %max3A_271 : f32 to vector<16xf32>
        %max3A_273 = arith.maximumf %add3A_270, %max3A_272 : vector<16xf32>
        %swap3A_274 = arith.index_cast %add3A_175 : i32 to index
        %swap3A_275 = arith.constant 112 : index
        %swap3A_276 = tpu.vector_load %arg14[%swap3A_274, %swap3A_275] {strides = array<i32>} : memref<40x128xf32, #tpu.memory_space<vmem>>, vector<16xf32>,
        tpu.vector_store %arg14[%swap3A_274, %swap3A_275], %max3A_273 {strides = array<i32>} : memref<40x128xf32, #tpu.memory_space<vmem>>, vector<16xf32>,
      }
      %scan3A_91 = arith.constant 40 : i32
      %dma_start3A_92 = arith.constant 0 : i32
      %dma_start3A_93 = arith.constant 0 : i32
      %dma_start3A_94 = tpu.memref_slice %arg8[%dma_start3A_92, %dma_start3A_93] : memref<1x40xi32, #tpu.memory_space<vmem>> -> memref<1x40xi32, #tpu.memory_space<vmem>>
      %dma_start3A_95 = tpu.memref_squeeze %dma_start3A_94 : memref<1x40xi32, #tpu.memory_space<vmem>> -> memref<40xi32, #tpu.memory_space<vmem>>
      %dma_start3A_96 = arith.constant 0 : i32
      %dma_start3A_97 = arith.constant 0 : i32
      %dma_start3A_98 = tpu.memref_slice %arg16[%dma_start3A_96, %dma_start3A_97] : memref<10240x128xf32, #tpu.memory_space<vmem_shared>> -> memref<10240x128xf32, #tpu.memory_space<vmem_shared>>
      tpu.enqueue_indirect_dma source(%arg14 : memref<40x128xf32, #tpu.memory_space<vmem>>) target(%dma_start3A_98 : memref<10240x128xf32, #tpu.memory_space<vmem_shared>>) offsets(%dma_start3A_95 : memref<40xi32, #tpu.memory_space<vmem>>) semaphore(%arg21 : memref<!tpu.dma_semaphore, #tpu.memory_space<semaphore_mem>>) {add = true}
      %add3A_99 = arith.constant 2 : i32
      %add3A_100 = arith.addi %mul3A_67, %add3A_99 : i32
      %lt3A_101 = arith.constant 250 : i32
      %lt3A_102 = arith.cmpi slt, %add3A_100, %lt3A_101 : i32
      %convert_element_type3A_103 = arith.extui %lt3A_102 : i1 to i32
      %cond3A_104 = arith.constant 0 : i32
      %cond3A_105 = arith.cmpi ne, %convert_element_type3A_103, %cond3A_104 : i32
      scf.if %cond3A_105 {
        %add3A_171 = arith.constant 2 : i32
        %add3A_172 = arith.addi %mul3A_67, %add3A_171 : i32
        %mul3A_173 = arith.constant 40 : i32
        %mul3A_174 = arith.muli %add3A_172, %mul3A_173 : i32
        %multiple_of3A_175 = tpu.assume_multiple %mul3A_174, 8 : i32
        %dma_start3A_176 = tpu.memref_slice %arg7[%multiple_of3A_175] : memref<10000xi32, #tpu.memory_space<vmem>> -> memref<40xi32, #tpu.memory_space<vmem>>
        %dma_start3A_177 = arith.constant 0 : i32
        %dma_start3A_178 = arith.constant 0 : i32
        %dma_start3A_179 = tpu.memref_slice %arg2[%dma_start3A_177, %dma_start3A_178] : memref<10000x128xf32, #tpu.memory_space<hbm>> -> memref<10000x128xf32, #tpu.memory_space<hbm>>
        tpu.enqueue_indirect_dma source(%dma_start3A_179 : memref<10000x128xf32, #tpu.memory_space<hbm>>) target(%arg10 : memref<40x128xf32, #tpu.memory_space<vmem>>) offsets(%dma_start3A_176 : memref<40xi32, #tpu.memory_space<vmem>>) semaphore(%arg17 : memref<!tpu.dma_semaphore, #tpu.memory_space<semaphore_mem>>)
        %add3A_180 = arith.addi %mul3A_2, %multiple_of3A_175 : i32
        %dma_start3A_181 = arith.constant 0 : i32
        %dma_start3A_182 = tpu.memref_slice %arg3[%add3A_180, %dma_start3A_181] : memref<320000x128xf32, #tpu.memory_space<hbm>> -> memref<40x128xf32, #tpu.memory_space<hbm>>
        %dma_start3A_183 = arith.constant 0 : i32
        %dma_start3A_184 = tpu.memref_slice %arg3[%add3A_180, %dma_start3A_183] : memref<320000x128xf32, #tpu.memory_space<hbm>> -> memref<40x128xf32, #tpu.memory_space<hbm>>
        tpu.enqueue_dma source(%dma_start3A_184 : memref<40x128xf32, #tpu.memory_space<hbm>>) target(%arg12 : memref<40x128xf32, #tpu.memory_space<vmem>>) target_semaphore(%arg19 : memref<!tpu.dma_semaphore, #tpu.memory_space<semaphore_mem>>)
      } else {
      }
      %mul3A_106 = arith.constant 40 : i32
      %mul3A_107 = arith.muli %add3A_69, %mul3A_106 : i32
      %multiple_of3A_108 = tpu.assume_multiple %mul3A_107, 8 : i32
      %dma_wait3A_109 = tpu.memref_slice %arg7[%multiple_of3A_108] : memref<10000xi32, #tpu.memory_space<vmem>> -> memref<40xi32, #tpu.memory_space<vmem>>
      %dma_wait3A_110 = arith.constant 0 : i32
      %dma_wait3A_111 = arith.constant 0 : i32
      %dma_wait3A_112 = tpu.memref_slice %arg2[%dma_wait3A_110, %dma_wait3A_111] : memref<10000x128xf32, #tpu.memory_space<hbm>> -> memref<10000x128xf32, #tpu.memory_space<hbm>>
      tpu.wait_indirect_dma semaphore(%arg18 : memref<!tpu.dma_semaphore, #tpu.memory_space<semaphore_mem>>) src(%dma_wait3A_112 : memref<10000x128xf32, #tpu.memory_space<hbm>>) dst(%arg11 : memref<40x128xf32, #tpu.memory_space<vmem>>)
      %add3A_113 = arith.addi %mul3A_2, %multiple_of3A_108 : i32
      %dma_wait3A_114 = arith.constant 0 : i32
      %dma_wait3A_115 = tpu.memref_slice %arg3[%add3A_113, %dma_wait3A_114] : memref<320000x128xf32, #tpu.memory_space<hbm>> -> memref<40x128xf32, #tpu.memory_space<hbm>>
      %dma_wait3A_116 = arith.constant 0 : i32
      %dma_wait3A_117 = tpu.memref_slice %arg3[%add3A_113, %dma_wait3A_116] : memref<320000x128xf32, #tpu.memory_space<hbm>> -> memref<40x128xf32, #tpu.memory_space<hbm>>
      tpu.wait_dma2 semaphore(%arg20 : memref<!tpu.dma_semaphore, #tpu.memory_space<semaphore_mem>>) src(%dma_wait3A_117 : memref<40x128xf32, #tpu.memory_space<hbm>>) dst(%arg13 : memref<40x128xf32, #tpu.memory_space<vmem>>)
      %dma_wait3A_118 = arith.constant 0 : i32
      %dma_wait3A_119 = tpu.memref_slice %arg5[%add3A, %add3A_69, %dma_wait3A_118] : memref<32x250x40xi32, #tpu.memory_space<hbm>> -> memref<1x1x40xi32, #tpu.memory_space<hbm>>
      %dma_wait3A_120 = tpu.memref_squeeze %dma_wait3A_119 : memref<1x1x40xi32, #tpu.memory_space<hbm>> -> memref<1x40xi32, #tpu.memory_space<hbm>>
      %dma_wait3A_121 = arith.constant 0 : i32
      %dma_wait3A_122 = tpu.memref_slice %arg5[%add3A, %add3A_69, %dma_wait3A_121] : memref<32x250x40xi32, #tpu.memory_space<hbm>> -> memref<1x1x40xi32, #tpu.memory_space<hbm>>
      %dma_wait3A_123 = tpu.memref_squeeze %dma_wait3A_122 : memref<1x1x40xi32, #tpu.memory_space<hbm>> -> memref<1x40xi32, #tpu.memory_space<hbm>>
      tpu.wait_dma2 semaphore(%arg24 : memref<!tpu.dma_semaphore, #tpu.memory_space<semaphore_mem>>) src(%dma_wait3A_123 : memref<1x40xi32, #tpu.memory_space<hbm>>) dst(%arg9 : memref<1x40xi32, #tpu.memory_space<vmem>>)
      %scan3A_124 = arith.constant 0 : i32
      %scan3A_125 = arith.constant 40 : i32
      %scan3A_126 = arith.addi %scan3A_124, %scan3A_125 : i32
      %scan3A_127 = arith.constant 1 : i32
      scf.for %scan3A_171 = %scan3A_124 to %scan3A_126 step %scan3A_127  : i32 {
        %mul3A_172 = arith.constant 1 : i32
        %mul3A_173 = arith.muli %scan3A_171, %mul3A_172 : i32
        %add3A_174 = arith.constant 0 : i32
        %add3A_175 = arith.addi %add3A_174, %mul3A_173 : i32
        %get3A = arith.index_cast %add3A_175 : i32 to index
        %get3A_176 = arith.constant 0 : index
        %get3A_177 = tpu.vector_load %arg13[%get3A, %get3A_176] {strides = array<i32>} : memref<40x128xf32, #tpu.memory_space<vmem>>, vector<16xf32>,
        %get3A_178 = arith.index_cast %add3A_175 : i32 to index
        %get3A_179 = arith.constant 0 : index
        %get3A_180 = tpu.vector_load %arg11[%get3A_178, %get3A_179] {strides = array<i32>} : memref<40x128xf32, #tpu.memory_space<vmem>>, vector<16xf32>,
        %add3A_181 = arith.addf %get3A_177, %get3A_180 : vector<16xf32>
        %max3A = arith.constant 0.000000e+00 : f32
        %max3A_182 = vector.broadcast %max3A : f32 to vector<16xf32>
        %max3A_183 = arith.maximumf %add3A_181, %max3A_182 : vector<16xf32>
        %swap3A = arith.index_cast %add3A_175 : i32 to index
        %swap3A_184 = arith.constant 0 : index
        %swap3A_185 = tpu.vector_load %arg15[%swap3A, %swap3A_184] {strides = array<i32>} : memref<40x128xf32, #tpu.memory_space<vmem>>, vector<16xf32>,
        tpu.vector_store %arg15[%swap3A, %swap3A_184], %max3A_183 {strides = array<i32>} : memref<40x128xf32, #tpu.memory_space<vmem>>, vector<16xf32>,
        %get3A_186 = arith.index_cast %add3A_175 : i32 to index
        %get3A_187 = arith.constant 16 : index
        %get3A_188 = tpu.vector_load %arg13[%get3A_186, %get3A_187] {strides = array<i32>} : memref<40x128xf32, #tpu.memory_space<vmem>>, vector<16xf32>,
        %get3A_189 = arith.index_cast %add3A_175 : i32 to index
        %get3A_190 = arith.constant 16 : index
        %get3A_191 = tpu.vector_load %arg11[%get3A_189, %get3A_190] {strides = array<i32>} : memref<40x128xf32, #tpu.memory_space<vmem>>, vector<16xf32>,
        %add3A_192 = arith.addf %get3A_188, %get3A_191 : vector<16xf32>
        %max3A_193 = arith.constant 0.000000e+00 : f32
        %max3A_194 = vector.broadcast %max3A_193 : f32 to vector<16xf32>
        %max3A_195 = arith.maximumf %add3A_192, %max3A_194 : vector<16xf32>
        %swap3A_196 = arith.index_cast %add3A_175 : i32 to index
        %swap3A_197 = arith.constant 16 : index
        %swap3A_198 = tpu.vector_load %arg15[%swap3A_196, %swap3A_197] {strides = array<i32>} : memref<40x128xf32, #tpu.memory_space<vmem>>, vector<16xf32>,
        tpu.vector_store %arg15[%swap3A_196, %swap3A_197], %max3A_195 {strides = array<i32>} : memref<40x128xf32, #tpu.memory_space<vmem>>, vector<16xf32>,
        %get3A_199 = arith.index_cast %add3A_175 : i32 to index
        %get3A_200 = arith.constant 32 : index
        %get3A_201 = tpu.vector_load %arg13[%get3A_199, %get3A_200] {strides = array<i32>} : memref<40x128xf32, #tpu.memory_space<vmem>>, vector<16xf32>,
        %get3A_202 = arith.index_cast %add3A_175 : i32 to index
        %get3A_203 = arith.constant 32 : index
        %get3A_204 = tpu.vector_load %arg11[%get3A_202, %get3A_203] {strides = array<i32>} : memref<40x128xf32, #tpu.memory_space<vmem>>, vector<16xf32>,
        %add3A_205 = arith.addf %get3A_201, %get3A_204 : vector<16xf32>
        %max3A_206 = arith.constant 0.000000e+00 : f32
        %max3A_207 = vector.broadcast %max3A_206 : f32 to vector<16xf32>
        %max3A_208 = arith.maximumf %add3A_205, %max3A_207 : vector<16xf32>
        %swap3A_209 = arith.index_cast %add3A_175 : i32 to index
        %swap3A_210 = arith.constant 32 : index
        %swap3A_211 = tpu.vector_load %arg15[%swap3A_209, %swap3A_210] {strides = array<i32>} : memref<40x128xf32, #tpu.memory_space<vmem>>, vector<16xf32>,
        tpu.vector_store %arg15[%swap3A_209, %swap3A_210], %max3A_208 {strides = array<i32>} : memref<40x128xf32, #tpu.memory_space<vmem>>, vector<16xf32>,
        %get3A_212 = arith.index_cast %add3A_175 : i32 to index
        %get3A_213 = arith.constant 48 : index
        %get3A_214 = tpu.vector_load %arg13[%get3A_212, %get3A_213] {strides = array<i32>} : memref<40x128xf32, #tpu.memory_space<vmem>>, vector<16xf32>,
        %get3A_215 = arith.index_cast %add3A_175 : i32 to index
        %get3A_216 = arith.constant 48 : index
        %get3A_217 = tpu.vector_load %arg11[%get3A_215, %get3A_216] {strides = array<i32>} : memref<40x128xf32, #tpu.memory_space<vmem>>, vector<16xf32>,
        %add3A_218 = arith.addf %get3A_214, %get3A_217 : vector<16xf32>
        %max3A_219 = arith.constant 0.000000e+00 : f32
        %max3A_220 = vector.broadcast %max3A_219 : f32 to vector<16xf32>
        %max3A_221 = arith.maximumf %add3A_218, %max3A_220 : vector<16xf32>
        %swap3A_222 = arith.index_cast %add3A_175 : i32 to index
        %swap3A_223 = arith.constant 48 : index
        %swap3A_224 = tpu.vector_load %arg15[%swap3A_222, %swap3A_223] {strides = array<i32>} : memref<40x128xf32, #tpu.memory_space<vmem>>, vector<16xf32>,
        tpu.vector_store %arg15[%swap3A_222, %swap3A_223], %max3A_221 {strides = array<i32>} : memref<40x128xf32, #tpu.memory_space<vmem>>, vector<16xf32>,
        %get3A_225 = arith.index_cast %add3A_175 : i32 to index
        %get3A_226 = arith.constant 64 : index
        %get3A_227 = tpu.vector_load %arg13[%get3A_225, %get3A_226] {strides = array<i32>} : memref<40x128xf32, #tpu.memory_space<vmem>>, vector<16xf32>,
        %get3A_228 = arith.index_cast %add3A_175 : i32 to index
        %get3A_229 = arith.constant 64 : index
        %get3A_230 = tpu.vector_load %arg11[%get3A_228, %get3A_229] {strides = array<i32>} : memref<40x128xf32, #tpu.memory_space<vmem>>, vector<16xf32>,
        %add3A_231 = arith.addf %get3A_227, %get3A_230 : vector<16xf32>
        %max3A_232 = arith.constant 0.000000e+00 : f32
        %max3A_233 = vector.broadcast %max3A_232 : f32 to vector<16xf32>
        %max3A_234 = arith.maximumf %add3A_231, %max3A_233 : vector<16xf32>
        %swap3A_235 = arith.index_cast %add3A_175 : i32 to index
        %swap3A_236 = arith.constant 64 : index
        %swap3A_237 = tpu.vector_load %arg15[%swap3A_235, %swap3A_236] {strides = array<i32>} : memref<40x128xf32, #tpu.memory_space<vmem>>, vector<16xf32>,
        tpu.vector_store %arg15[%swap3A_235, %swap3A_236], %max3A_234 {strides = array<i32>} : memref<40x128xf32, #tpu.memory_space<vmem>>, vector<16xf32>,
        %get3A_238 = arith.index_cast %add3A_175 : i32 to index
        %get3A_239 = arith.constant 80 : index
        %get3A_240 = tpu.vector_load %arg13[%get3A_238, %get3A_239] {strides = array<i32>} : memref<40x128xf32, #tpu.memory_space<vmem>>, vector<16xf32>,
        %get3A_241 = arith.index_cast %add3A_175 : i32 to index
        %get3A_242 = arith.constant 80 : index
        %get3A_243 = tpu.vector_load %arg11[%get3A_241, %get3A_242] {strides = array<i32>} : memref<40x128xf32, #tpu.memory_space<vmem>>, vector<16xf32>,
        %add3A_244 = arith.addf %get3A_240, %get3A_243 : vector<16xf32>
        %max3A_245 = arith.constant 0.000000e+00 : f32
        %max3A_246 = vector.broadcast %max3A_245 : f32 to vector<16xf32>
        %max3A_247 = arith.maximumf %add3A_244, %max3A_246 : vector<16xf32>
        %swap3A_248 = arith.index_cast %add3A_175 : i32 to index
        %swap3A_249 = arith.constant 80 : index
        %swap3A_250 = tpu.vector_load %arg15[%swap3A_248, %swap3A_249] {strides = array<i32>} : memref<40x128xf32, #tpu.memory_space<vmem>>, vector<16xf32>,
        tpu.vector_store %arg15[%swap3A_248, %swap3A_249], %max3A_247 {strides = array<i32>} : memref<40x128xf32, #tpu.memory_space<vmem>>, vector<16xf32>,
        %get3A_251 = arith.index_cast %add3A_175 : i32 to index
        %get3A_252 = arith.constant 96 : index
        %get3A_253 = tpu.vector_load %arg13[%get3A_251, %get3A_252] {strides = array<i32>} : memref<40x128xf32, #tpu.memory_space<vmem>>, vector<16xf32>,
        %get3A_254 = arith.index_cast %add3A_175 : i32 to index
        %get3A_255 = arith.constant 96 : index
        %get3A_256 = tpu.vector_load %arg11[%get3A_254, %get3A_255] {strides = array<i32>} : memref<40x128xf32, #tpu.memory_space<vmem>>, vector<16xf32>,
        %add3A_257 = arith.addf %get3A_253, %get3A_256 : vector<16xf32>
        %max3A_258 = arith.constant 0.000000e+00 : f32
        %max3A_259 = vector.broadcast %max3A_258 : f32 to vector<16xf32>
        %max3A_260 = arith.maximumf %add3A_257, %max3A_259 : vector<16xf32>
        %swap3A_261 = arith.index_cast %add3A_175 : i32 to index
        %swap3A_262 = arith.constant 96 : index
        %swap3A_263 = tpu.vector_load %arg15[%swap3A_261, %swap3A_262] {strides = array<i32>} : memref<40x128xf32, #tpu.memory_space<vmem>>, vector<16xf32>,
        tpu.vector_store %arg15[%swap3A_261, %swap3A_262], %max3A_260 {strides = array<i32>} : memref<40x128xf32, #tpu.memory_space<vmem>>, vector<16xf32>,
        %get3A_264 = arith.index_cast %add3A_175 : i32 to index
        %get3A_265 = arith.constant 112 : index
        %get3A_266 = tpu.vector_load %arg13[%get3A_264, %get3A_265] {strides = array<i32>} : memref<40x128xf32, #tpu.memory_space<vmem>>, vector<16xf32>,
        %get3A_267 = arith.index_cast %add3A_175 : i32 to index
        %get3A_268 = arith.constant 112 : index
        %get3A_269 = tpu.vector_load %arg11[%get3A_267, %get3A_268] {strides = array<i32>} : memref<40x128xf32, #tpu.memory_space<vmem>>, vector<16xf32>,
        %add3A_270 = arith.addf %get3A_266, %get3A_269 : vector<16xf32>
        %max3A_271 = arith.constant 0.000000e+00 : f32
        %max3A_272 = vector.broadcast %max3A_271 : f32 to vector<16xf32>
        %max3A_273 = arith.maximumf %add3A_270, %max3A_272 : vector<16xf32>
        %swap3A_274 = arith.index_cast %add3A_175 : i32 to index
        %swap3A_275 = arith.constant 112 : index
        %swap3A_276 = tpu.vector_load %arg15[%swap3A_274, %swap3A_275] {strides = array<i32>} : memref<40x128xf32, #tpu.memory_space<vmem>>, vector<16xf32>,
        tpu.vector_store %arg15[%swap3A_274, %swap3A_275], %max3A_273 {strides = array<i32>} : memref<40x128xf32, #tpu.memory_space<vmem>>, vector<16xf32>,
      }
      %scan3A_128 = arith.constant 40 : i32
      %dma_start3A_129 = arith.constant 0 : i32
      %dma_start3A_130 = arith.constant 0 : i32
      %dma_start3A_131 = tpu.memref_slice %arg9[%dma_start3A_129, %dma_start3A_130] : memref<1x40xi32, #tpu.memory_space<vmem>> -> memref<1x40xi32, #tpu.memory_space<vmem>>
      %dma_start3A_132 = tpu.memref_squeeze %dma_start3A_131 : memref<1x40xi32, #tpu.memory_space<vmem>> -> memref<40xi32, #tpu.memory_space<vmem>>
      %dma_start3A_133 = arith.constant 0 : i32
      %dma_start3A_134 = arith.constant 0 : i32
      %dma_start3A_135 = tpu.memref_slice %arg16[%dma_start3A_133, %dma_start3A_134] : memref<10240x128xf32, #tpu.memory_space<vmem_shared>> -> memref<10240x128xf32, #tpu.memory_space<vmem_shared>>
      tpu.enqueue_indirect_dma source(%arg15 : memref<40x128xf32, #tpu.memory_space<vmem>>) target(%dma_start3A_135 : memref<10240x128xf32, #tpu.memory_space<vmem_shared>>) offsets(%dma_start3A_132 : memref<40xi32, #tpu.memory_space<vmem>>) semaphore(%arg22 : memref<!tpu.dma_semaphore, #tpu.memory_space<semaphore_mem>>) {add = true}
      %add3A_136 = arith.constant 2 : i32
      %add3A_137 = arith.addi %add3A_69, %add3A_136 : i32
      %lt3A_138 = arith.constant 250 : i32
      %lt3A_139 = arith.cmpi slt, %add3A_137, %lt3A_138 : i32
      %convert_element_type3A_140 = arith.extui %lt3A_139 : i1 to i32
      %cond3A_141 = arith.constant 0 : i32
      %cond3A_142 = arith.cmpi ne, %convert_element_type3A_140, %cond3A_141 : i32
      scf.if %cond3A_142 {
        %add3A_171 = arith.constant 2 : i32
        %add3A_172 = arith.addi %add3A_69, %add3A_171 : i32
        %mul3A_173 = arith.constant 40 : i32
        %mul3A_174 = arith.muli %add3A_172, %mul3A_173 : i32
        %multiple_of3A_175 = tpu.assume_multiple %mul3A_174, 8 : i32
        %dma_start3A_176 = tpu.memref_slice %arg7[%multiple_of3A_175] : memref<10000xi32, #tpu.memory_space<vmem>> -> memref<40xi32, #tpu.memory_space<vmem>>
        %dma_start3A_177 = arith.constant 0 : i32
        %dma_start3A_178 = arith.constant 0 : i32
        %dma_start3A_179 = tpu.memref_slice %arg2[%dma_start3A_177, %dma_start3A_178] : memref<10000x128xf32, #tpu.memory_space<hbm>> -> memref<10000x128xf32, #tpu.memory_space<hbm>>
        tpu.enqueue_indirect_dma source(%dma_start3A_179 : memref<10000x128xf32, #tpu.memory_space<hbm>>) target(%arg11 : memref<40x128xf32, #tpu.memory_space<vmem>>) offsets(%dma_start3A_176 : memref<40xi32, #tpu.memory_space<vmem>>) semaphore(%arg18 : memref<!tpu.dma_semaphore, #tpu.memory_space<semaphore_mem>>)
        %add3A_180 = arith.addi %mul3A_2, %multiple_of3A_175 : i32
        %dma_start3A_181 = arith.constant 0 : i32
        %dma_start3A_182 = tpu.memref_slice %arg3[%add3A_180, %dma_start3A_181] : memref<320000x128xf32, #tpu.memory_space<hbm>> -> memref<40x128xf32, #tpu.memory_space<hbm>>
        %dma_start3A_183 = arith.constant 0 : i32
        %dma_start3A_184 = tpu.memref_slice %arg3[%add3A_180, %dma_start3A_183] : memref<320000x128xf32, #tpu.memory_space<hbm>> -> memref<40x128xf32, #tpu.memory_space<hbm>>
        tpu.enqueue_dma source(%dma_start3A_184 : memref<40x128xf32, #tpu.memory_space<hbm>>) target(%arg13 : memref<40x128xf32, #tpu.memory_space<vmem>>) target_semaphore(%arg20 : memref<!tpu.dma_semaphore, #tpu.memory_space<semaphore_mem>>)
      } else {
      }
      %dma_wait3A_143 = arith.constant 0 : i32
      %dma_wait3A_144 = arith.constant 0 : i32
      %dma_wait3A_145 = tpu.memref_slice %arg8[%dma_wait3A_143, %dma_wait3A_144] : memref<1x40xi32, #tpu.memory_space<vmem>> -> memref<1x40xi32, #tpu.memory_space<vmem>>
      %dma_wait3A_146 = tpu.memref_squeeze %dma_wait3A_145 : memref<1x40xi32, #tpu.memory_space<vmem>> -> memref<40xi32, #tpu.memory_space<vmem>>
      %dma_wait3A_147 = arith.constant 0 : i32
      %dma_wait3A_148 = arith.constant 0 : i32
      %dma_wait3A_149 = tpu.memref_slice %arg16[%dma_wait3A_147, %dma_wait3A_148] : memref<10240x128xf32, #tpu.memory_space<vmem_shared>> -> memref<10240x128xf32, #tpu.memory_space<vmem_shared>>
      tpu.wait_indirect_dma semaphore(%arg21 : memref<!tpu.dma_semaphore, #tpu.memory_space<semaphore_mem>>) src(%arg14 : memref<40x128xf32, #tpu.memory_space<vmem>>) dst(%dma_wait3A_149 : memref<10240x128xf32, #tpu.memory_space<vmem_shared>>)
      %add3A_150 = arith.constant 2 : i32
      %add3A_151 = arith.addi %mul3A_67, %add3A_150 : i32
      %lt3A_152 = arith.constant 250 : i32
      %lt3A_153 = arith.cmpi slt, %add3A_151, %lt3A_152 : i32
      %convert_element_type3A_154 = arith.extui %lt3A_153 : i1 to i32
      %cond3A_155 = arith.constant 0 : i32
      %cond3A_156 = arith.cmpi ne, %convert_element_type3A_154, %cond3A_155 : i32
      scf.if %cond3A_156 {
        %add3A_171 = arith.constant 2 : i32
        %add3A_172 = arith.addi %mul3A_67, %add3A_171 : i32
        %dma_start3A_173 = arith.constant 0 : i32
        %dma_start3A_174 = tpu.memref_slice %arg5[%add3A, %add3A_172, %dma_start3A_173] : memref<32x250x40xi32, #tpu.memory_space<hbm>> -> memref<1x1x40xi32, #tpu.memory_space<hbm>>
        %dma_start3A_175 = tpu.memref_squeeze %dma_start3A_174 : memref<1x1x40xi32, #tpu.memory_space<hbm>> -> memref<1x40xi32, #tpu.memory_space<hbm>>
        %dma_start3A_176 = arith.constant 0 : i32
        %dma_start3A_177 = tpu.memref_slice %arg5[%add3A, %add3A_172, %dma_start3A_176] : memref<32x250x40xi32, #tpu.memory_space<hbm>> -> memref<1x1x40xi32, #tpu.memory_space<hbm>>
        %dma_start3A_178 = tpu.memref_squeeze %dma_start3A_177 : memref<1x1x40xi32, #tpu.memory_space<hbm>> -> memref<1x40xi32, #tpu.memory_space<hbm>>
        tpu.enqueue_dma source(%dma_start3A_178 : memref<1x40xi32, #tpu.memory_space<hbm>>) target(%arg8 : memref<1x40xi32, #tpu.memory_space<vmem>>) target_semaphore(%arg23 : memref<!tpu.dma_semaphore, #tpu.memory_space<semaphore_mem>>)
      } else {
      }
      %dma_wait3A_157 = arith.constant 0 : i32
      %dma_wait3A_158 = arith.constant 0 : i32
      %dma_wait3A_159 = tpu.memref_slice %arg9[%dma_wait3A_157, %dma_wait3A_158] : memref<1x40xi32, #tpu.memory_space<vmem>> -> memref<1x40xi32, #tpu.memory_space<vmem>>
      %dma_wait3A_160 = tpu.memref_squeeze %dma_wait3A_159 : memref<1x40xi32, #tpu.memory_space<vmem>> -> memref<40xi32, #tpu.memory_space<vmem>>
      %dma_wait3A_161 = arith.constant 0 : i32
      %dma_wait3A_162 = arith.constant 0 : i32
      %dma_wait3A_163 = tpu.memref_slice %arg16[%dma_wait3A_161, %dma_wait3A_162] : memref<10240x128xf32, #tpu.memory_space<vmem_shared>> -> memref<10240x128xf32, #tpu.memory_space<vmem_shared>>
      tpu.wait_indirect_dma semaphore(%arg22 : memref<!tpu.dma_semaphore, #tpu.memory_space<semaphore_mem>>) src(%arg15 : memref<40x128xf32, #tpu.memory_space<vmem>>) dst(%dma_wait3A_163 : memref<10240x128xf32, #tpu.memory_space<vmem_shared>>)
      %add3A_164 = arith.constant 2 : i32
      %add3A_165 = arith.addi %add3A_69, %add3A_164 : i32
      %lt3A_166 = arith.constant 250 : i32
      %lt3A_167 = arith.cmpi slt, %add3A_165, %lt3A_166 : i32
      %convert_element_type3A_168 = arith.extui %lt3A_167 : i1 to i32
      %cond3A_169 = arith.constant 0 : i32
      %cond3A_170 = arith.cmpi ne, %convert_element_type3A_168, %cond3A_169 : i32
      scf.if %cond3A_170 {
        %add3A_171 = arith.constant 2 : i32
        %add3A_172 = arith.addi %add3A_69, %add3A_171 : i32
        %dma_start3A_173 = arith.constant 0 : i32
        %dma_start3A_174 = tpu.memref_slice %arg5[%add3A, %add3A_172, %dma_start3A_173] : memref<32x250x40xi32, #tpu.memory_space<hbm>> -> memref<1x1x40xi32, #tpu.memory_space<hbm>>
        %dma_start3A_175 = tpu.memref_squeeze %dma_start3A_174 : memref<1x1x40xi32, #tpu.memory_space<hbm>> -> memref<1x40xi32, #tpu.memory_space<hbm>>
        %dma_start3A_176 = arith.constant 0 : i32
        %dma_start3A_177 = tpu.memref_slice %arg5[%add3A, %add3A_172, %dma_start3A_176] : memref<32x250x40xi32, #tpu.memory_space<hbm>> -> memref<1x1x40xi32, #tpu.memory_space<hbm>>
        %dma_start3A_178 = tpu.memref_squeeze %dma_start3A_177 : memref<1x1x40xi32, #tpu.memory_space<hbm>> -> memref<1x40xi32, #tpu.memory_space<hbm>>
        tpu.enqueue_dma source(%dma_start3A_178 : memref<1x40xi32, #tpu.memory_space<hbm>>) target(%arg9 : memref<1x40xi32, #tpu.memory_space<vmem>>) target_semaphore(%arg24 : memref<!tpu.dma_semaphore, #tpu.memory_space<semaphore_mem>>)
      } else {
      }
    }
    %scan3A_53 = arith.constant 125 : i32
    %barrier3A_54 = arith.constant 0 : index
    tpu.barrier barrier_id(%barrier3A_54)
    %lt3A = arith.constant 15 : i32
    %lt3A_55 = arith.cmpi slt, %arg1, %lt3A : i32
    %convert_element_type3A = arith.extui %lt3A_55 : i1 to i32
    %cond3A = arith.constant 0 : i32
    %cond3A_56 = arith.cmpi ne, %convert_element_type3A, %cond3A : i32
    scf.if %cond3A_56 {
      %mul3A_61 = arith.constant 640 : i32
      %mul3A_62 = arith.muli %arg1, %mul3A_61 : i32
      %mul3A_63 = arith.constant 640 : i32
      %mul3A_64 = arith.muli %arg1, %mul3A_63 : i32
      "tpu.region"() ({
        %run_scoped3A = tpu.sem_alloc : memref<!tpu.dma_semaphore, #tpu.memory_space<semaphore_mem>>
        %dma_start3A_65 = arith.constant 0 : i32
        %dma_start3A_66 = tpu.memref_slice %arg6[%arg0, %mul3A_64, %dma_start3A_65] : memref<2x10000x128xf32, #tpu.memory_space<hbm>> -> memref<1x640x128xf32, #tpu.memory_space<hbm>>
        %dma_start3A_67 = tpu.memref_squeeze %dma_start3A_66 : memref<1x640x128xf32, #tpu.memory_space<hbm>> -> memref<640x128xf32, #tpu.memory_space<hbm>>
        %dma_start3A_68 = arith.constant 0 : i32
        %dma_start3A_69 = tpu.memref_slice %arg16[%mul3A_62, %dma_start3A_68] : memref<10240x128xf32, #tpu.memory_space<vmem_shared>> -> memref<640x128xf32, #tpu.memory_space<vmem_shared>>
        tpu.enqueue_dma source(%dma_start3A_69 : memref<640x128xf32, #tpu.memory_space<vmem_shared>>) target(%dma_start3A_67 : memref<640x128xf32, #tpu.memory_space<hbm>>) target_semaphore(%run_scoped3A : memref<!tpu.dma_semaphore, #tpu.memory_space<semaphore_mem>>)
        %dma_wait3A = arith.constant 0 : i32
        %dma_wait3A_70 = tpu.memref_slice %arg6[%arg0, %mul3A_64, %dma_wait3A] : memref<2x10000x128xf32, #tpu.memory_space<hbm>> -> memref<1x640x128xf32, #tpu.memory_space<hbm>>
        %dma_wait3A_71 = tpu.memref_squeeze %dma_wait3A_70 : memref<1x640x128xf32, #tpu.memory_space<hbm>> -> memref<640x128xf32, #tpu.memory_space<hbm>>
        %dma_wait3A_72 = arith.constant 0 : i32
        %dma_wait3A_73 = tpu.memref_slice %arg16[%mul3A_62, %dma_wait3A_72] : memref<10240x128xf32, #tpu.memory_space<vmem_shared>> -> memref<640x128xf32, #tpu.memory_space<vmem_shared>>
        tpu.wait_dma2 semaphore(%run_scoped3A : memref<!tpu.dma_semaphore, #tpu.memory_space<semaphore_mem>>) src(%dma_wait3A_73 : memref<640x128xf32, #tpu.memory_space<vmem_shared>>) dst(%dma_wait3A_71 : memref<640x128xf32, #tpu.memory_space<hbm>>)
        tpu.yield
      }) : () -> ()
    } else {
    }
    %eq3A = arith.constant 15 : i32
    %eq3A_57 = arith.cmpi eq, %arg1, %eq3A : i32
    %convert_element_type3A_58 = arith.extui %eq3A_57 : i1 to i32
    %cond3A_59 = arith.constant 0 : i32
    %cond3A_60 = arith.cmpi ne, %convert_element_type3A_58, %cond3A_59 : i32
    scf.if %cond3A_60 {
      "tpu.region"() ({
        %run_scoped3A = tpu.sem_alloc : memref<!tpu.dma_semaphore, #tpu.memory_space<semaphore_mem>>
        %dma_start3A_61 = arith.constant 9600 : i32
        %dma_start3A_62 = arith.constant 0 : i32
        %dma_start3A_63 = tpu.memref_slice %arg6[%arg0, %dma_start3A_61, %dma_start3A_62] : memref<2x10000x128xf32, #tpu.memory_space<hbm>> -> memref<1x400x128xf32, #tpu.memory_space<hbm>>
        %dma_start3A_64 = tpu.memref_squeeze %dma_start3A_63 : memref<1x400x128xf32, #tpu.memory_space<hbm>> -> memref<400x128xf32, #tpu.memory_space<hbm>>
        %dma_start3A_65 = arith.constant 9600 : i32
        %dma_start3A_66 = arith.constant 0 : i32
        %dma_start3A_67 = tpu.memref_slice %arg16[%dma_start3A_65, %dma_start3A_66] : memref<10240x128xf32, #tpu.memory_space<vmem_shared>> -> memref<400x128xf32, #tpu.memory_space<vmem_shared>>
        tpu.enqueue_dma source(%dma_start3A_67 : memref<400x128xf32, #tpu.memory_space<vmem_shared>>) target(%dma_start3A_64 : memref<400x128xf32, #tpu.memory_space<hbm>>) target_semaphore(%run_scoped3A : memref<!tpu.dma_semaphore, #tpu.memory_space<semaphore_mem>>)
        %dma_wait3A = arith.constant 9600 : i32
        %dma_wait3A_68 = arith.constant 0 : i32
        %dma_wait3A_69 = tpu.memref_slice %arg6[%arg0, %dma_wait3A, %dma_wait3A_68] : memref<2x10000x128xf32, #tpu.memory_space<hbm>> -> memref<1x400x128xf32, #tpu.memory_space<hbm>>
        %dma_wait3A_70 = tpu.memref_squeeze %dma_wait3A_69 : memref<1x400x128xf32, #tpu.memory_space<hbm>> -> memref<400x128xf32, #tpu.memory_space<hbm>>
        %dma_wait3A_71 = arith.constant 9600 : i32
        %dma_wait3A_72 = arith.constant 0 : i32
        %dma_wait3A_73 = tpu.memref_slice %arg16[%dma_wait3A_71, %dma_wait3A_72] : memref<10240x128xf32, #tpu.memory_space<vmem_shared>> -> memref<400x128xf32, #tpu.memory_space<vmem_shared>>
        tpu.wait_dma2 semaphore(%run_scoped3A : memref<!tpu.dma_semaphore, #tpu.memory_space<semaphore_mem>>) src(%dma_wait3A_73 : memref<400x128xf32, #tpu.memory_space<vmem_shared>>) dst(%dma_wait3A_70 : memref<400x128xf32, #tpu.memory_space<hbm>>)
        tpu.yield
      }) : () -> ()
    } else {
    }
    return
  }
}

module attributes {stable_mosaic.version = 14 : i64} {
  func.func @body(%arg0: i32, %arg1: memref<4000x16xf32, #tpu.memory_space<vmem>>, %arg2: memref<16x128xf32, #tpu.memory_space<vmem>>, %arg3: memref<4000x128xf32, #tpu.memory_space<vmem>>) attributes {dimension_semantics = [#tpu.dimension_semantics<arbitrary>], iteration_bounds = array<i64: 80>, scalar_prefetch = 0 : i64, scratch_operands = 0 : i64, tpu.core_type = #tpu.core_type<tc>, window_params = [{transform_indices = @transform_0, window_bounds = array<i64: 4000, 16>}, {pipeline_mode = #tpu.pipeline_mode<synchronous>, transform_indices = @transform_1, window_bounds = array<i64: 16, 128>}, {transform_indices = @transform_2, window_bounds = array<i64: 4000, 128>}]} {
    %get3A = arith.constant 0 : index
    %get3A_0 = arith.constant 0 : index
    %get3A_1 = vector.load %arg1[%get3A, %get3A_0] : memref<4000x16xf32, #tpu.memory_space<vmem>>, vector<4000x16xf32>
    %get3A_2 = arith.constant 0 : index
    %get3A_3 = arith.constant 0 : index
    %get3A_4 = vector.load %arg2[%get3A_2, %get3A_3] : memref<16x128xf32, #tpu.memory_space<vmem>>, vector<16x128xf32>
    %dot_general3A = arith.constant dense<0.000000e+00> : vector<4000x128xf32>
    %dot_general3A_5 = tpu.matmul %get3A_1, %get3A_4, %dot_general3A {dimension_numbers = #tpu.dot_dimension_numbers<[1], [0], [0], [1], [0, 0, 1, 1], [], []>, transpose_lhs_hint = false} : vector<4000x16xf32>, vector<16x128xf32>, vector<4000x128xf32> -> vector<4000x128xf32>
    %swap3A = arith.constant 0 : index
    %swap3A_6 = arith.constant 0 : index
    %swap3A_7 = vector.load %arg3[%swap3A, %swap3A_6] : memref<4000x128xf32, #tpu.memory_space<vmem>>, vector<4000x128xf32>
    tpu.vector_store %arg3[%swap3A, %swap3A_6], %dot_general3A_5 {strides = array<i32>} : memref<4000x128xf32, #tpu.memory_space<vmem>>, vector<4000x128xf32>,
    return
  }
  func.func @transform_0(%arg0: i32) -> (i32, i32) {
    %c0_i32 = arith.constant 0 : i32
    %c0_i32_0 = arith.constant 0 : i32
    return %arg0, %c0_i32 : i32, i32
  }
  func.func @transform_1(%arg0: i32) -> (i32, i32) {
    %c0_i32 = arith.constant 0 : i32
    %c0_i32_0 = arith.constant 0 : i32
    %c0_i32_1 = arith.constant 0 : i32
    return %c0_i32, %c0_i32_0 : i32, i32
  }
  func.func @transform_2(%arg0: i32) -> (i32, i32) {
    %c0_i32 = arith.constant 0 : i32
    %c0_i32_0 = arith.constant 0 : i32
    return %arg0, %c0_i32 : i32, i32
  }
}

module attributes {stable_mosaic.version = 14 : i64} {
  func.func @body(%arg0: memref<10000x128xf32, #tpu.memory_space<vmem>>, %arg1: memref<2x10000x128xf32, #tpu.memory_space<vmem>>, %arg2: memref<128x128xf32, #tpu.memory_space<vmem>>, %arg3: memref<10000x128xf32, #tpu.memory_space<vmem>>) attributes {dimension_semantics = [], scalar_prefetch = 0 : i64, scratch_operands = 0 : i64, tpu.core_type = #tpu.core_type<tc>} {
    %get3A = arith.constant 0 : index
    %get3A_0 = arith.constant 0 : index
    %get3A_1 = vector.load %arg0[%get3A, %get3A_0] : memref<10000x128xf32, #tpu.memory_space<vmem>>, vector<10000x128xf32>
    %get3A_2 = arith.constant 0 : index
    %get3A_3 = arith.constant 0 : index
    %get3A_4 = arith.constant 0 : index
    %get3A_5 = vector.load %arg1[%get3A_2, %get3A_3, %get3A_4] : memref<2x10000x128xf32, #tpu.memory_space<vmem>>, vector<1x10000x128xf32>
    %get3A_6 = vector.shape_cast %get3A_5 : vector<1x10000x128xf32> to vector<10000x128xf32>
    %add3A = arith.addf %get3A_1, %get3A_6 : vector<10000x128xf32>
    %get3A_7 = arith.constant 1 : index
    %get3A_8 = arith.constant 0 : index
    %get3A_9 = arith.constant 0 : index
    %get3A_10 = vector.load %arg1[%get3A_7, %get3A_8, %get3A_9] : memref<2x10000x128xf32, #tpu.memory_space<vmem>>, vector<1x10000x128xf32>
    %get3A_11 = vector.shape_cast %get3A_10 : vector<1x10000x128xf32> to vector<10000x128xf32>
    %add3A_12 = arith.addf %add3A, %get3A_11 : vector<10000x128xf32>
    %get3A_13 = arith.constant 0 : index
    %get3A_14 = arith.constant 0 : index
    %get3A_15 = vector.load %arg2[%get3A_13, %get3A_14] : memref<128x128xf32, #tpu.memory_space<vmem>>, vector<128x128xf32>
    %dot_general3A = arith.constant dense<0.000000e+00> : vector<10000x128xf32>
    %dot_general3A_16 = tpu.matmul %add3A_12, %get3A_15, %dot_general3A {dimension_numbers = #tpu.dot_dimension_numbers<[1], [0], [0], [1], [0, 0, 1, 1], [], []>, transpose_lhs_hint = false} : vector<10000x128xf32>, vector<128x128xf32>, vector<10000x128xf32> -> vector<10000x128xf32>
    %reduce_sum3A = arith.constant dense<0.000000e+00> : vector<128xf32>
    %reduce_sum3A_17 = vector.multi_reduction <add>, %dot_general3A_16, %reduce_sum3A [0] : vector<10000x128xf32> to vector<128xf32>
    %broadcast_in_dim3A = vector.shape_cast %reduce_sum3A_17 : vector<128xf32> to vector<1x128xf32>
    %div3A = arith.constant 1.000000e+04 : f32
    %div3A_18 = vector.broadcast %div3A : f32 to vector<1x128xf32>
    %div3A_19 = arith.divf %broadcast_in_dim3A, %div3A_18 : vector<1x128xf32>
    %sub3A = vector.broadcast %div3A_19 : vector<1x128xf32> to vector<10000x128xf32>
    %sub3A_20 = arith.subf %dot_general3A_16, %sub3A : vector<10000x128xf32>
    %integer_pow3A = arith.mulf %sub3A_20, %sub3A_20 : vector<10000x128xf32>
    %reduce_sum3A_21 = arith.constant dense<0.000000e+00> : vector<128xf32>
    %reduce_sum3A_22 = vector.multi_reduction <add>, %integer_pow3A, %reduce_sum3A_21 [0] : vector<10000x128xf32> to vector<128xf32>
    %broadcast_in_dim3A_23 = vector.shape_cast %reduce_sum3A_22 : vector<128xf32> to vector<1x128xf32>
    %div3A_24 = arith.constant 1.000000e+04 : f32
    %div3A_25 = vector.broadcast %div3A_24 : f32 to vector<1x128xf32>
    %div3A_26 = arith.divf %broadcast_in_dim3A_23, %div3A_25 : vector<1x128xf32>
    %sub3A_27 = vector.broadcast %div3A_19 : vector<1x128xf32> to vector<10000x128xf32>
    %sub3A_28 = arith.subf %dot_general3A_16, %sub3A_27 : vector<10000x128xf32>
    %add3A_29 = arith.constant 9.99999974E-6 : f32
    %add3A_30 = vector.broadcast %add3A_29 : f32 to vector<1x128xf32>
    %add3A_31 = arith.addf %div3A_26, %add3A_30 : vector<1x128xf32>
    %rsqrt3A = math.rsqrt %add3A_31 : vector<1x128xf32>
    %mul3A = vector.broadcast %rsqrt3A : vector<1x128xf32> to vector<10000x128xf32>
    %mul3A_32 = arith.mulf %sub3A_28, %mul3A : vector<10000x128xf32>
    %max3A = arith.constant 0.000000e+00 : f32
    %max3A_33 = vector.broadcast %max3A : f32 to vector<10000x128xf32>
    %max3A_34 = arith.maximumf %mul3A_32, %max3A_33 : vector<10000x128xf32>
    %add3A_35 = arith.addf %max3A_34, %get3A_1 : vector<10000x128xf32>
    %swap3A = arith.constant 0 : index
    %swap3A_36 = arith.constant 0 : index
    %swap3A_37 = vector.load %arg3[%swap3A, %swap3A_36] : memref<10000x128xf32, #tpu.memory_space<vmem>>, vector<10000x128xf32>
    tpu.vector_store %arg3[%swap3A, %swap3A_36], %add3A_35 {strides = array<i32>} : memref<10000x128xf32, #tpu.memory_space<vmem>>, vector<10000x128xf32>,
    return
  }
}

module attributes {stable_mosaic.version = 14 : i64} {
  func.func @body(%arg0: memref<10000x128xf32, #tpu.memory_space<vmem>>, %arg1: memref<2x10000x128xf32, #tpu.memory_space<vmem>>, %arg2: memref<128x128xf32, #tpu.memory_space<vmem>>, %arg3: memref<128x128xf32, #tpu.memory_space<vmem>>, %arg4: memref<1x128xf32, #tpu.memory_space<vmem>>, %arg5: memref<10000x128xf32, #tpu.memory_space<vmem>>) attributes {dimension_semantics = [], scalar_prefetch = 0 : i64, scratch_operands = 0 : i64, tpu.core_type = #tpu.core_type<tc>} {
    %get3A = arith.constant 0 : index
    %get3A_0 = arith.constant 0 : index
    %get3A_1 = vector.load %arg0[%get3A, %get3A_0] : memref<10000x128xf32, #tpu.memory_space<vmem>>, vector<10000x128xf32>
    %get3A_2 = arith.constant 0 : index
    %get3A_3 = arith.constant 0 : index
    %get3A_4 = arith.constant 0 : index
    %get3A_5 = vector.load %arg1[%get3A_2, %get3A_3, %get3A_4] : memref<2x10000x128xf32, #tpu.memory_space<vmem>>, vector<1x10000x128xf32>
    %get3A_6 = vector.shape_cast %get3A_5 : vector<1x10000x128xf32> to vector<10000x128xf32>
    %add3A = arith.addf %get3A_1, %get3A_6 : vector<10000x128xf32>
    %get3A_7 = arith.constant 1 : index
    %get3A_8 = arith.constant 0 : index
    %get3A_9 = arith.constant 0 : index
    %get3A_10 = vector.load %arg1[%get3A_7, %get3A_8, %get3A_9] : memref<2x10000x128xf32, #tpu.memory_space<vmem>>, vector<1x10000x128xf32>
    %get3A_11 = vector.shape_cast %get3A_10 : vector<1x10000x128xf32> to vector<10000x128xf32>
    %add3A_12 = arith.addf %add3A, %get3A_11 : vector<10000x128xf32>
    %get3A_13 = arith.constant 0 : index
    %get3A_14 = arith.constant 0 : index
    %get3A_15 = vector.load %arg2[%get3A_13, %get3A_14] : memref<128x128xf32, #tpu.memory_space<vmem>>, vector<128x128xf32>
    %dot_general3A = arith.constant dense<0.000000e+00> : vector<10000x128xf32>
    %dot_general3A_16 = tpu.matmul %add3A_12, %get3A_15, %dot_general3A {dimension_numbers = #tpu.dot_dimension_numbers<[1], [0], [0], [1], [0, 0, 1, 1], [], []>, transpose_lhs_hint = false} : vector<10000x128xf32>, vector<128x128xf32>, vector<10000x128xf32> -> vector<10000x128xf32>
    %reduce_sum3A = arith.constant dense<0.000000e+00> : vector<128xf32>
    %reduce_sum3A_17 = vector.multi_reduction <add>, %dot_general3A_16, %reduce_sum3A [0] : vector<10000x128xf32> to vector<128xf32>
    %broadcast_in_dim3A = vector.shape_cast %reduce_sum3A_17 : vector<128xf32> to vector<1x128xf32>
    %div3A = arith.constant 1.000000e+04 : f32
    %div3A_18 = vector.broadcast %div3A : f32 to vector<1x128xf32>
    %div3A_19 = arith.divf %broadcast_in_dim3A, %div3A_18 : vector<1x128xf32>
    %sub3A = vector.broadcast %div3A_19 : vector<1x128xf32> to vector<10000x128xf32>
    %sub3A_20 = arith.subf %dot_general3A_16, %sub3A : vector<10000x128xf32>
    %integer_pow3A = arith.mulf %sub3A_20, %sub3A_20 : vector<10000x128xf32>
    %reduce_sum3A_21 = arith.constant dense<0.000000e+00> : vector<128xf32>
    %reduce_sum3A_22 = vector.multi_reduction <add>, %integer_pow3A, %reduce_sum3A_21 [0] : vector<10000x128xf32> to vector<128xf32>
    %broadcast_in_dim3A_23 = vector.shape_cast %reduce_sum3A_22 : vector<128xf32> to vector<1x128xf32>
    %div3A_24 = arith.constant 1.000000e+04 : f32
    %div3A_25 = vector.broadcast %div3A_24 : f32 to vector<1x128xf32>
    %div3A_26 = arith.divf %broadcast_in_dim3A_23, %div3A_25 : vector<1x128xf32>
    %sub3A_27 = vector.broadcast %div3A_19 : vector<1x128xf32> to vector<10000x128xf32>
    %sub3A_28 = arith.subf %dot_general3A_16, %sub3A_27 : vector<10000x128xf32>
    %add3A_29 = arith.constant 9.99999974E-6 : f32
    %add3A_30 = vector.broadcast %add3A_29 : f32 to vector<1x128xf32>
    %add3A_31 = arith.addf %div3A_26, %add3A_30 : vector<1x128xf32>
    %rsqrt3A = math.rsqrt %add3A_31 : vector<1x128xf32>
    %mul3A = vector.broadcast %rsqrt3A : vector<1x128xf32> to vector<10000x128xf32>
    %mul3A_32 = arith.mulf %sub3A_28, %mul3A : vector<10000x128xf32>
    %max3A = arith.constant 0.000000e+00 : f32
    %max3A_33 = vector.broadcast %max3A : f32 to vector<10000x128xf32>
    %max3A_34 = arith.maximumf %mul3A_32, %max3A_33 : vector<10000x128xf32>
    %add3A_35 = arith.addf %max3A_34, %get3A_1 : vector<10000x128xf32>
    %get3A_36 = arith.constant 0 : index
    %get3A_37 = arith.constant 0 : index
    %get3A_38 = vector.load %arg3[%get3A_36, %get3A_37] : memref<128x128xf32, #tpu.memory_space<vmem>>, vector<128x128xf32>
    %dot_general3A_39 = arith.constant dense<0.000000e+00> : vector<10000x128xf32>
    %dot_general3A_40 = tpu.matmul %add3A_35, %get3A_38, %dot_general3A_39 {dimension_numbers = #tpu.dot_dimension_numbers<[1], [0], [0], [1], [0, 0, 1, 1], [], []>, transpose_lhs_hint = false} : vector<10000x128xf32>, vector<128x128xf32>, vector<10000x128xf32> -> vector<10000x128xf32>
    %get3A_41 = arith.constant 0 : index
    %get3A_42 = arith.constant 0 : index
    %get3A_43 = vector.load %arg4[%get3A_41, %get3A_42] : memref<1x128xf32, #tpu.memory_space<vmem>>, vector<1x128xf32>
    %add3A_44 = vector.broadcast %get3A_43 : vector<1x128xf32> to vector<10000x128xf32>
    %add3A_45 = arith.addf %dot_general3A_40, %add3A_44 : vector<10000x128xf32>
    %max3A_46 = arith.constant 0.000000e+00 : f32
    %max3A_47 = vector.broadcast %max3A_46 : f32 to vector<10000x128xf32>
    %max3A_48 = arith.maximumf %add3A_45, %max3A_47 : vector<10000x128xf32>
    %swap3A = arith.constant 0 : index
    %swap3A_49 = arith.constant 0 : index
    %swap3A_50 = vector.load %arg5[%swap3A, %swap3A_49] : memref<10000x128xf32, #tpu.memory_space<vmem>>, vector<10000x128xf32>
    tpu.vector_store %arg5[%swap3A, %swap3A_49], %max3A_48 {strides = array<i32>} : memref<10000x128xf32, #tpu.memory_space<vmem>>, vector<10000x128xf32>,
    return
  }
}

</mosaic_0001>

<sc_bundles>
// kernel: kernel.11.cloned.1.call-start
scs
__scs_entry_jumppad:
0x0: {  	(pc) =	sbr.rel $0x88, $3  }
0x1: {  	(tag) =	ssettag $0x0;
	lr =	simm.s32 $0x1  }
0x2: {  	[smem:$0x3F96] =	sst lr;
	_ =	strace $0xD0000000  }
0x3: {  	_ = 	snop  }
0x4: {  	_ = 	snop  }
0x5: {  	_ = 	snop  }
0x6: {  	_ = 	snop  }
0x7: {  	_ = 	snop  }
__scs_overlays_trampoline_lowered:
0x8: {  	[smem:$0x3FA5] =	sst s0  }
0x9: {  	[smem:$0x3FA6] =	sst s1  }
0xa: {  	[smem:$0x3FA7] =	sst s2  }
0xb: {  	[smem:$0x3FA8] =	sst s3  }
0xc: {  	[smem:$0x3FA9] =	sst s4  }
0xd: {  	[smem:$0x3FAA] =	sst s5  }
0xe: {  	[smem:$0x3FAB] =	sst s6  }
0xf: {  	[smem:$0x3FAC] =	sst s7  }
0x10: {  	[smem:$0x3FAD] =	sst s8  }
0x11: {  	[smem:$0x3FAE] =	sst s9;
	s0 =	simm.s32 @!p0 $0x0  }
0x12: {  	s1 =	sld [smem:$0x3F94];
	s0 =	simm.s32 @p0 $0x1  }
0x13: {  	[smem:$0x3FAF] =	sst s0;
	s0 =	simm.s32 @!p1 $0x0  }
0x14: {  	s2 =	sld [smem:$0x3F93];
	s0 =	simm.s32 @p1 $0x1  }
0x15: {  	[smem:$0x3FB0] =	sst s0;
	s0 =	simm.s32 @!p2 $0x0  }
0x16: {  	s3 =	sld [smem:$0x3FDB];
	s0 =	simm.s32 @p2 $0x1  }
0x17: {  	s4 =	simm.s32 $0x1BF5;
	[smem:$0x3FB2] =	sst s0  }
0x18: {  	s0 =	sld [smem:$0x3F95];
	_ =	swait.ge [sflag:s4], $0x0  }
0x19: {  	s7 =	sld [smem:$0x3F96]  }
0x1a: {  	s8 =	sadd.s32 $0xFFFFE003, lr  }
0x1b: {  	s9 =	sadd.s32 $0xFFFFFEF7, lr;
	s5 =	simm.s32 $0xFFFFFFFF;
	p2 =	slt.u32 s8, $0xFFFFF086  }
0x1c: {  	p1 =	slt.u32 s9, $0xF7A;
	s5 =	simm.s32 @!p2 $0x0  }
0x1d: {  	s5 =	simm.s32 @p1 $0x1;
	p0 =	seq.s32 s7, s2  }
0x1e: {  	s7 =	smul.u32 @!p0 $0xF7A, s2;
	p2 =	seq.s32 @!p0 s5, $0x0  }
0x1f: {  	s9 =	smul.u32 $0xF7A, s1;
	s8 =	simm.s32 @!p0 $0x1BF5;
	p2 =	por !p2, p0  }
0x20: {  	[sflag:s8] =	ssyncset.s32 @!p0 $0xFFFFF086;
	s6 =	sadd.s32 @!p0 s3, s7;
	s7 =	simm.s32 @!p0 $0x108  }
0x21: {  	s3 =	sadd.s32 s3, s9;
	s6 =	sadd.s32 @!p0 $0x88, s6;
	s7 =	simm.s32 @p2 $0x1082  }
0x22: {  	[simem:s7], [sflag:s8] =	dma.local @!p0 [hbm:s6], $0xF7A  }
0x23: {  	s9 =	sor.u32 $0xD0000000, s2;
	s6 =	simm.s32 $0x108;
	_ =	swait.ge @!p0 [sflag:s8], $0x0  }
0x24: {  	s3 =	sadd.s32 $0x88, s3;
	s6 =	simm.s32 @!p1 $0x1082;
	[sflag:s4] =	ssyncset.s32 $0xFFFFF086  }
0x25: {  	[simem:s6], [sflag:s4] =	dma.local [hbm:s3], $0xF7A  }
0x26: {  	[smem:$0x3F96] =	sst s1;
	(tag) =	ssettag s2;
	_ =	strace s9  }
0x27: {  	s1 =	sld [smem:$0x3FA6]  }
0x28: {  	s2 =	sld [smem:$0x3FA7]  }
0x29: {  	s4 =	sld [smem:$0x3FA9]  }
0x2a: {  	p0 =	seq.s32 s5, $0x0;
	s5 =	sld [smem:$0x3FAA]  }
0x2b: {  	s6 =	sld [smem:$0x3FAB]  }
0x2c: {  	s7 =	sld [smem:$0x3FAC]  }
0x2d: {  	s3 =	simm.s32 $0x108;
	s8 =	sld [smem:$0x3FAD]  }
0x2e: {  	s3 =	simm.s32 @!p0 $0x1082;
	s9 =	sld [smem:$0x3FAE]  }
0x2f: {  	lr =	sadd.s32 s0, s3;
	s0 =	sld [smem:$0x3FA5]  }
0x30: {  	s3 =	sld [smem:$0x3FA8]  }
0x31: {  	[smem:$0x3FB1] =	sst s10  }
0x32: {  	s10 =	sld [smem:$0x3FAF];
	_ =	sdelay $0x3  }
0x33: {  	p0 =	seq.s32 s10, $0x1;
	s10 =	sld [smem:$0x3FB1];
	_ =	sdelay $0x3  }
0x34: {  	[smem:$0x3FB1] =	sst s10  }
0x35: {  	s10 =	sld [smem:$0x3FB0];
	_ =	sdelay $0x3  }
0x36: {  	p1 =	seq.s32 s10, $0x1;
	s10 =	sld [smem:$0x3FB1];
	_ =	sdelay $0x3  }
0x37: {  	[smem:$0x3FB1] =	sst s10  }
0x38: {  	s10 =	sld [smem:$0x3FB2]  }
0x39: {  	_ = 	snop;
	(pc) =	sbr.ind lr, $3  }
0x3a: {  	_ = 	snop  }
0x3b: {  	_ = 	snop  }
0x3c: {  	p2 =	seq.s32 s10, $0x1;
	s10 =	sld [smem:$0x3FB1]  }
0x3d: {  	_ =	shalt  }
0x3e: {  	_ =	shalt  }
0x3f: {  	_ =	shalt  }
0x40: {  	_ =	shalt  }
0x41: {  	_ =	shalt  }
0x42: {  	_ =	shalt  }
0x43: {  	_ =	shalt  }
0x44: {  	_ =	shalt  }
0x45: {  	_ =	shalt  }
0x46: {  	_ =	shalt  }
0x47: {  	_ =	shalt  }
0x48: {  	_ =	shalt  }
0x49: {  	_ =	shalt  }
0x4a: {  	_ =	shalt  }
0x4b: {  	_ =	shalt  }
0x4c: {  	_ =	shalt  }
0x4d: {  	_ =	shalt  }
0x4e: {  	_ =	shalt  }
0x4f: {  	_ =	shalt  }
0x50: {  	_ =	shalt  }
0x51: {  	_ =	shalt  }
0x52: {  	_ =	shalt  }
0x53: {  	_ =	shalt  }
0x54: {  	_ =	shalt  }
0x55: {  	_ =	shalt  }
0x56: {  	_ =	shalt  }
0x57: {  	_ =	shalt  }
0x58: {  	_ =	shalt  }
0x59: {  	_ =	shalt  }
0x5a: {  	_ =	shalt  }
0x5b: {  	_ =	shalt  }
0x5c: {  	_ =	shalt  }
0x5d: {  	_ =	shalt  }
0x5e: {  	_ =	shalt  }
0x5f: {  	_ =	shalt  }
0x60: {  	_ =	shalt  }
0x61: {  	_ =	shalt  }
0x62: {  	_ =	shalt  }
0x63: {  	_ =	shalt  }
0x64: {  	_ =	shalt  }
0x65: {  	_ =	shalt  }
0x66: {  	_ =	shalt  }
0x67: {  	_ =	shalt  }
0x68: {  	_ =	shalt  }
0x69: {  	_ =	shalt  }
0x6a: {  	_ =	shalt  }
0x6b: {  	_ =	shalt  }
0x6c: {  	_ =	shalt  }
0x6d: {  	_ =	shalt  }
0x6e: {  	_ =	shalt  }
0x6f: {  	_ =	shalt  }
0x70: {  	_ =	shalt  }
0x71: {  	_ =	shalt  }
0x72: {  	_ =	shalt  }
0x73: {  	_ =	shalt  }
0x74: {  	_ =	shalt  }
0x75: {  	_ =	shalt  }
0x76: {  	_ =	shalt  }
0x77: {  	_ =	shalt  }
0x78: {  	_ =	shalt  }
0x79: {  	_ =	shalt  }
0x7a: {  	_ =	shalt  }
0x7b: {  	_ =	shalt  }
0x7c: {  	_ =	shalt  }
0x7d: {  	_ =	shalt  }
0x7e: {  	_ =	shalt  }
0x7f: {  	_ =	shalt  }
0x80: {  	_ =	shalt  }
0x81: {  	_ =	shalt  }
0x82: {  	_ =	shalt  }
0x83: {  	_ =	shalt  }
0x84: {  	_ =	shalt  }
0x85: {  	_ =	shalt  }
0x86: {  	_ =	shalt  }
0x87: {  	_ =	shalt  }
.Lfunc_end0:
.L_simem_size_0:
called_computation_lowered:
.L_overlay_start_0:
0x88: {  	s2 =	sld [smem:$0x3FD9]  }
0x89: {  	s3 =	sld [smem:$0x3FFE];
	_ =	sdelay $0x1  }
0x8a: {  	s1 =	srdreg.scid  }
0x8b: {  	s0 =	sand.u32 $0x1, s1  }
0x8c: {  	s17 =	sshll.u32 s0, $0xA;
	s2 =	sadd.s32 s3, s2  }
0x8d: {  	s2 =	sadd.s32 s2, s17  }
0x8e: {  	[smem:$0x3FBD] =	sst s2  }
0x8f: {  	_ = 	snop  }
0x90: {  	s2 =	sld [smem:$0x3FC9];
	(tm) =	ssettm $0x1  }
0x91: {  	s18 =	sld [smem:$0x3FFB];
	_ =	sdelay $0x3  }
0x92: {  	_ =	strace s18  }
0x93: {  	s3 =	sld [smem:$0x3FFC];
	_ =	sdelay $0x3  }
0x94: {  	_ =	strace s3  }
0x95: {  	s3 =	sld [smem:$0x3FFD];
	_ =	sdelay $0x3  }
0x96: {  	_ =	strace s3  }
0x97: {  	_ =	strace $0x8FFFFFFF  }
0x98: {  	s19 =	sld [smem:$0x3FDB];
	_ =	sdelay $0x1  }
0x99: {  	s4 =	simm.s32 $_scs_section_size  }
0x9a: {  	s5 =	simm.s32 $_size__tile_overlayer_lowered;
	s6 =	simm.s32 $_tile_overlayer_lowered  }
0x9b: {  	s22 =	simm.s32 $0x1BFF;
	s21 =	sshll.u32 s6, $0x1;
	s3 =	sadd.s32 s4, s19  }
0x9c: {  	s7 =	simm.s32 $0x0;
	s20 =	sshll.u32 s5, $0x1;
	s5 =	sadd.s32 s21, s3  }
0x9d: {  	[timem:s7], [sflag:s22] =	dma.local [hbm:s5], s20  }
0x9e: {  	_ =	swait.ge [sflag:s22], s20  }
0x9f: {  	s4 =	ssub.s32 $0x0, s20;
	[sflag:s22] =	ssyncset.done $0x0  }
0xa0: {  	[sflag:s22] =	ssyncadd.s32 s4;
	_ =	sdelay $0x1  }
0xa1: {  	s23 =	simm.s32 $0x1B8B  }
0xa2: {  	_ =	swait.ge [sflag:s23], $0x1  }
0xa3: {  	[sflag:s23] =	ssyncset.done $0x0  }
0xa4: {  	s25 =	simm.s32 $0x1B8E;
	s24 =	sld [smem:$0x3FFE];
	[sflag:s23] =	ssyncadd.s32 $0xFFFFFFFF  }
0xa5: {  	s26 =	simm.s32 $execute0_lowered;
	[smem:$0x3FD2] =	sst s25  }
0xa6: {  	s5 =	sshll.u32 s26, $0x1;
	_ =	strace $0x80000046;
	[dreg:$0x1] =	wrdreg $0xFFFFFFFF  }
0xa7: {  	s28 =	simm.s32 $_size_execute0_lowered;
	s3 =	sadd.s32 s3, s5;
	[dreg:$0x0] =	wrdreg $0x0  }
0xa8: {  	s5 =	sshll.u32 s28, $0x1;
	[dreg:$0x2] =	wrdreg s3  }
0xa9: {  	[dreg:$0x3] =	wrdreg s5  }
0xaa: {  	[dreg:$0x4] =	wrdreg $0xC0  }
0xab: {  	_ =	task [dreg:s7], $0x5FFFF  }
0xac: {  	[dreg:$0x1] =	wrdreg $0xFFFFFFFF  }
0xad: {  	[dreg:$0x0] =	wrdreg $0x60  }
0xae: {  	[dreg:$0x2] =	wrdreg s2  }
0xaf: {  	[dreg:$0x3] =	wrdreg s24  }
0xb0: {  	[dreg:$0x4] =	wrdreg $0xA0800  }
0xb1: {  	[dreg:$0x5] =	wrdreg $0x9  }
0xb2: {  	_ =	task.clear_ibuf [dreg:s7], $0x6FFFF;
	_ =	strace $0x90000046  }
0xb3: {  	s29 =	simm.s32 $0x9;
	_ =	strace $0x80000048  }
0xb4: {  	_ =	swait.ge [sflag:s29], $0x1  }
0xb5: {  	[sflag:s29] =	ssyncadd.s32 $0xFFFFFFFF  }
0xb6: {  	_ =	strace $0x90000048  }
0xb7: {  	_ =	sfence  }
0xb8: {  	s30 =	sld [smem:$0x0];
	_ =	sdelay $0x2  }
0xb9: {  	s31 =	sshll.u32 s1, $0xD;
	s1 =	sshrl.u32 s1, $0x2  }
0xba: {  	s3 =	sand.u32 $0x4000, s31;
	s1 =	sadd.s32 s1, s30  }
0xbb: {  	s0 =	sor.u32 s3, s0;
	s1 =	sshll.u32 s1, $0x11  }
0xbc: {  	s0 =	sor.u32 s1, s0  }
0xbd: {  	s0 =	sadd.s32 $0x8F2B, s0  }
0xbe: {  	[sflag:s0] =	ssyncadd.remote.s32 $0x1  }
0xbf: {  	_ =	sfence.sel $0xFFFF  }
0xc0: {  	[dreg:$0x0] =	wrdreg $0xFFFFFFFF;
	(pc) =	sbr.abs _section_cstart, $3  }
0xc1: {  	[dreg:$0x1] =	wrdreg $0xFFFFFFFF  }
0xc2: {  	_ =	task.clear_ibuf [dreg:s7], $0x2FFFF;
	_ =	strace $0x9FFFFFFF  }
0xc3: {  	(tm) =	ssettm $0x7FFFFFFF  }
tec
execute0_lowered:
.L_overlay_start_1:
0x0: {  	(tag) =	ssettag $0x1  }
0x1: {  	s0 =	srdreg.scid  }
0x2: {  	s1 =	rddreg [dreg:$0x0];
	s13 =	stileid.u32  }
0x3: {  	s2 =	rddreg [dreg:$0x1];
	s0 =	sand.u32 $0x1, s0;
	s25 =	smul.u32 $0x14000, s13  }
0x4: {  	s3 =	rddreg [dreg:$0x2];
	s29 =	smul.u32 $0x50000, s13;
	s4 =	sshll.u32 s0, $0x4  }
0x5: {  	s10 =	ssub.s32 $0x2, s0;
	s0 =	smul.u32 $0x138800, s0;
	s8 =	sor.u32 s13, s4  }
0x6: {  	s6 =	sadd.s32 $0x50E200, s2;
	p0 =	seq.s32 s13, $0xF;
	s5 =	smul.u32 $0x2710, s8  }
0x7: {  	s4 =	simm.s32 $0x0;
	s11 =	sshrl.u32 s10, $0x1;
	s12 =	smul.u32 $0x27100, s8  }
0x8: {  	[smem:$0x7FF] =	sst s4;
	s11 =	ssub.s32 s10, s11;
	s23 =	smul.u32 $0x138800, s8  }
0x9: {  	s10 =	sshll.u32 s8, $0xF;
	s8 =	sshll.u32 s8, $0xC;
	s31 =	sadd.s32 s25, s0  }
0xa: {  	s0 =	sshrl.u32 s0, $0x3;
	_ =	strace $0x80000047;
	s7 =	sshrl.u32 s5, $0x3  }
0xb: {  	s24 =	sadd.s32 s6, s12;
	s12 =	smax.u32 s11, $0x1;
	s9 =	sadd.s32 s7, s2  }
0xc: {  	s7 =	sadd.s32 $0xC200, s2;
	s2 =	sadd.s32 $0x9F0200, s2;
	[dreg:$0x5] =	wrdreg s24  }
0xd: {  	[dreg:$0xb] =	wrdreg s12;
	s9 =	sadd.s32 $0x2400, s9;
	s14 =	sadd.s32 s7, s8  }
0xe: {  	s0 =	sadd.s32 s2, s0;
	[dreg:$0x4] =	wrdreg s9;
	s9 =	sshrl.u32 s23, $0x3  }
0xf: {  	[dreg:$0x6] =	wrdreg s14;
	s30 =	sadd.s32 $0x10, s14;
	s0 =	sadd.s32 $0x25800, s0  }
0x10: {  	s26 =	sadd.s32 s6, s9;
	[dreg:$0x8] =	wrdreg s30;
	s9 =	sshrl.u32 s29, $0x2  }
0x11: {  	[dreg:$0xa] =	wrdreg s0;
	s0 =	sadd.s32 $0x12C000, s3;
	s8 =	sadd.s32 $0x280, s26  }
0x12: {  	s15 =	sadd.s32 s9, s3;
	s0 =	sshrl.u32 @p0 s0, $0x3;
	[dreg:$0x7] =	wrdreg s8  }
0x13: {  	s14 =	sadd.s32 $0x1400, s15;
	[dreg:$0x13] =	wrdreg s0  }
0x14: {  	s16 =	sadd.s32 $0x2800, s15;
	[dreg:$0xc] =	wrdreg s14  }
0x15: {  	s17 =	sadd.s32 $0x3C00, s15;
	[dreg:$0xd] =	wrdreg s16  }
0x16: {  	s18 =	sadd.s32 $0x5000, s15;
	[dreg:$0xe] =	wrdreg s17  }
0x17: {  	s19 =	sadd.s32 $0x6400, s15;
	[dreg:$0xf] =	wrdreg s18  }
0x18: {  	s20 =	sadd.s32 $0x7800, s15;
	[dreg:$0x10] =	wrdreg s19  }
0x19: {  	s21 =	sadd.s32 $0x8C00, s15;
	[dreg:$0x11] =	wrdreg s20  }
0x1a: {  	s22 =	sadd.s32 $0xA000, s15;
	[dreg:$0x12] =	wrdreg s21  }
0x1b: {  	s28 =	simm.s32 $0x0;
	s23 =	sadd.s32 $0xB400, s15;
	[dreg:$0x14] =	wrdreg s22  }
0x1c: {  	s13 =	simm.s32 $0x28;
	s24 =	sadd.s32 $0xC800, s15;
	[dreg:$0x15] =	wrdreg s23  }
0x1d: {  	s11 =	simm.s32 $0x3;
	s25 =	sadd.s32 $0xDC00, s15;
	[dreg:$0x16] =	wrdreg s24  }
0x1e: {  	s12 =	simm.s32 $0x7880;
	s26 =	sadd.s32 $0xF000, s15;
	[dreg:$0x17] =	wrdreg s25  }
0x1f: {  	s9 =	simm.s32 $0x9;
	s29 =	sadd.s32 $0x10400, s15;
	[dreg:$0x18] =	wrdreg s26  }
0x20: {  	s8 =	sshrl.u32 s31, $0x3;
	s30 =	sadd.s32 $0x11800, s15;
	[dreg:$0x19] =	wrdreg s29  }
0x21: {  	s31 =	sadd.s32 $0x12C00, s15;
	s8 =	sadd.s32 s2, s8;
	[dreg:$0x1a] =	wrdreg s30  }
.Ltmp0:
0x22: {  	[dreg:$0x1b] =	wrdreg s31;
	s14 =	simm.s32 $0x2780;
	(pc) =	sbr.rel .LBB2_1-.Ltmp0, $4  }
0x23: {  	s16 =	simm.s32 $0x3C80;
	s17 =	simm.s32 $0x6480;
	s18 =	simm.s32 $0x2800  }
0x24: {  	s19 =	simm.s32 $0x1;
	s20 =	simm.s32 $0x7;
	s21 =	simm.s32 $0x2  }
0x25: {  	s22 =	simm.s32 $0x4;
	s23 =	simm.s32 $0x8;
	s24 =	simm.s32 $0x8C80  }
0x26: {  	v0 =	vimm.f32 $0.0e+00;
	s25 =	simm.s32 $0x5;
	s26 =	simm.s32 $0x6;
	[dreg:$0x9] =	wrdreg s8  }
.LBB2_10:
0x27: {  	_ =	swait.ge [sflag:s25], $0x1400  }
0x28: {  	[sflag:s25] =	ssyncset.done $0x0  }
0x29: {  	[sflag:s25] =	ssyncadd.s32 $0xFFFFEC00  }
0x2a: {  	_ =	swait.ge [sflag:s26], $0x1400  }
0x2b: {  	[sflag:s26] =	ssyncset.done $0x0  }
0x2c: {  	[sflag:s26] =	ssyncadd.s32 $0xFFFFEC00  }
0x2d: {  	[bflag:$0x0] =	sbarrier.arrive $0xFFFF  }
0x2e: {  	s2 =	rddreg [dreg:$0xa]  }
0x2f: {  	s0 =	simm.s32 @p0 $0x1FC9;
	s8 =	rddreg [dreg:$0x13]  }
0x30: {  	[hbm:s2], [sflag:s0] =	dma.local @p0 [spmem:s8], $0x1900  }
0x31: {  	s0 =	simm.s32 @p0 $0x9  }
0x32: {  	s2 =	stileid.u32;
	_ =	swait.ge @p0 [sflag:s0], $0x1900  }
0x33: {  	s2 =	sshll.u32 @!p0 s2, $0x6;
	[sflag:s0] =	ssyncset.done @p0 $0x0;
	s8 =	rddreg [dreg:$0x9]  }
0x34: {  	[sflag:s0] =	ssyncadd.s32 @p0 $0xFFFFE700;
	s0 =	sor.u32 @!p0 $0x1C09, s2;
	s2 =	sshrl.u32 @!p0 s15, $0x3  }
0x35: {  	[hbm:s8], [sflag:s0] =	dma.local @!p0 [spmem:s2], $0x2800  }
0x36: {  	s0 =	simm.s32 @!p0 $0x9  }
0x37: {  	_ =	swait.ge @!p0 [sflag:s0], $0x2800  }
0x38: {  	s28 =	sadd.s32 $0x1, s28;
	s31 =	rddreg [dreg:$0xb]  }
0x39: {  	p1 =	sne.s32 s28, s31  }
.Ltmp1:
0x3a: {  	_ = 	snop;
	(pc) =	sbr.rel @!p1 .LBB2_11-.Ltmp1, $3  }
0x3b: {  	_ =	sdelay $0x1  }
0x3c: {  	[sflag:s0] =	ssyncset.done @!p0 $0x0  }
0x3d: {  	[sflag:s0] =	ssyncadd.s32 @!p0 $0xFFFFD800  }
.LBB2_1:
0x3e: {  	s0 =	rddreg [dreg:$0x4]  }
0x3f: {  	[tilespmem:s4], [sflag:$0x9] =	stream.linear.gather [hbm4b:s0+s4], $0x2710, $0x38;
	[tilespmem:$0x1E080] =	vst v63  }
0x40: {  	_ =	swait.ge [sflag:s9], $0x2710  }
0x41: {  	[sflag:s9] =	ssyncset.done $0x0  }
0x42: {  	s2 =	simm.s32 $0x200;
	s0 =	simm.s32 $0x0;
	[sflag:s9] =	ssyncadd.s32 $0xFFFFD8F0  }
.LBB2_2:
0x43: {  	p1 =	sne.s32 s2, $0x4E00;
	[tilespmem:s0+$0x78F0] =	vst v0  }
0x44: {  	[tilespmem:s0+$0x7880] =	vst v0  }
0x45: {  	[tilespmem:s0+$0x7890] =	vst v0  }
.Ltmp2:
0x46: {  	[tilespmem:s0+$0x78A0] =	vst v0;
	(pc) =	sbr.rel @p1 .LBB2_2-.Ltmp2, $4  }
0x47: {  	[tilespmem:s0+$0x78B0] =	vst v0  }
0x48: {  	[tilespmem:s0+$0x78C0] =	vst v0  }
0x49: {  	[tilespmem:s0+$0x78D0] =	vst v0  }
0x4a: {  	[tilespmem:s0+$0x78E0] =	vst v0;
	s0 =	sshra.s32 s2, $0x2;
	s2 =	sadd.s32 $0x200, s2  }
0x4b: {  	[tilespmem:s0+$0x78F0] =	vst v0  }
0x4c: {  	[tilespmem:s0+$0x7880] =	vst v0  }
0x4d: {  	[tilespmem:s0+$0x7890] =	vst v0  }
0x4e: {  	[tilespmem:s0+$0x78A0] =	vst v0  }
0x4f: {  	[tilespmem:s0+$0x78B0] =	vst v0  }
0x50: {  	[tilespmem:s0+$0x78C0] =	vst v0  }
0x51: {  	[tilespmem:s0+$0x78D0] =	vst v0  }
0x52: {  	[tilespmem:s0+$0x78E0] =	vst v0  }
0x53: {  	[spmem:s15] =	stream.linear.scatter [tilespmem:s12], [sflag:$0x9], $0x1400, $0x38;
	[tilespmem:$0x1E080] =	vst v63  }
0x54: {  	_ =	swait.ge [sflag:s9], $0x1400  }
0x55: {  	[sflag:s9] =	ssyncset.done $0x0  }
0x56: {  	s31 =	rddreg [dreg:$0xc];
	[sflag:s9] =	ssyncadd.s32 $0xFFFFEC00  }
0x57: {  	[spmem:s31] =	stream.linear.scatter [tilespmem:s12], [sflag:$0x9], $0x1400, $0x38;
	[tilespmem:$0x1E080] =	vst v63  }
0x58: {  	_ =	swait.ge [sflag:s9], $0x1400  }
0x59: {  	[sflag:s9] =	ssyncset.done $0x0  }
0x5a: {  	s2 =	rddreg [dreg:$0xd];
	[sflag:s9] =	ssyncadd.s32 $0xFFFFEC00  }
0x5b: {  	[spmem:s2] =	stream.linear.scatter [tilespmem:s12], [sflag:$0x9], $0x1400, $0x38;
	[tilespmem:$0x1E080] =	vst v63  }
0x5c: {  	_ =	swait.ge [sflag:s9], $0x1400  }
0x5d: {  	[sflag:s9] =	ssyncset.done $0x0  }
0x5e: {  	s8 =	rddreg [dreg:$0xe];
	[sflag:s9] =	ssyncadd.s32 $0xFFFFEC00  }
0x5f: {  	[spmem:s8] =	stream.linear.scatter [tilespmem:s12], [sflag:$0x9], $0x1400, $0x38;
	[tilespmem:$0x1E080] =	vst v63  }
0x60: {  	_ =	swait.ge [sflag:s9], $0x1400  }
0x61: {  	[sflag:s9] =	ssyncset.done $0x0  }
0x62: {  	s30 =	rddreg [dreg:$0xf];
	[sflag:s9] =	ssyncadd.s32 $0xFFFFEC00  }
0x63: {  	[spmem:s30] =	stream.linear.scatter [tilespmem:s12], [sflag:$0x9], $0x1400, $0x38;
	[tilespmem:$0x1E080] =	vst v63  }
0x64: {  	_ =	swait.ge [sflag:s9], $0x1400  }
0x65: {  	[sflag:s9] =	ssyncset.done $0x0  }
0x66: {  	s31 =	rddreg [dreg:$0x10];
	[sflag:s9] =	ssyncadd.s32 $0xFFFFEC00  }
0x67: {  	[spmem:s31] =	stream.linear.scatter [tilespmem:s12], [sflag:$0x9], $0x1400, $0x38;
	[tilespmem:$0x1E080] =	vst v63  }
0x68: {  	_ =	swait.ge [sflag:s9], $0x1400  }
0x69: {  	[sflag:s9] =	ssyncset.done $0x0  }
0x6a: {  	s2 =	rddreg [dreg:$0x11];
	[sflag:s9] =	ssyncadd.s32 $0xFFFFEC00  }
0x6b: {  	[spmem:s2] =	stream.linear.scatter [tilespmem:s12], [sflag:$0x9], $0x1400, $0x38;
	[tilespmem:$0x1E080] =	vst v63  }
0x6c: {  	_ =	swait.ge [sflag:s9], $0x1400  }
0x6d: {  	[sflag:s9] =	ssyncset.done $0x0  }
0x6e: {  	s8 =	rddreg [dreg:$0x12];
	[sflag:s9] =	ssyncadd.s32 $0xFFFFEC00  }
0x6f: {  	[spmem:s8] =	stream.linear.scatter [tilespmem:s12], [sflag:$0x9], $0x1400, $0x38;
	[tilespmem:$0x1E080] =	vst v63  }
0x70: {  	_ =	swait.ge [sflag:s9], $0x1400  }
0x71: {  	[sflag:s9] =	ssyncset.done $0x0  }
0x72: {  	s30 =	rddreg [dreg:$0x14];
	[sflag:s9] =	ssyncadd.s32 $0xFFFFEC00  }
0x73: {  	[spmem:s30] =	stream.linear.scatter [tilespmem:s12], [sflag:$0x9], $0x1400, $0x38;
	[tilespmem:$0x1E080] =	vst v63  }
0x74: {  	_ =	swait.ge [sflag:s9], $0x1400  }
0x75: {  	[sflag:s9] =	ssyncset.done $0x0  }
0x76: {  	s31 =	rddreg [dreg:$0x15];
	[sflag:s9] =	ssyncadd.s32 $0xFFFFEC00  }
0x77: {  	[spmem:s31] =	stream.linear.scatter [tilespmem:s12], [sflag:$0x9], $0x1400, $0x38;
	[tilespmem:$0x1E080] =	vst v63  }
0x78: {  	_ =	swait.ge [sflag:s9], $0x1400  }
0x79: {  	[sflag:s9] =	ssyncset.done $0x0  }
0x7a: {  	s2 =	rddreg [dreg:$0x16];
	[sflag:s9] =	ssyncadd.s32 $0xFFFFEC00  }
0x7b: {  	[spmem:s2] =	stream.linear.scatter [tilespmem:s12], [sflag:$0x9], $0x1400, $0x38;
	[tilespmem:$0x1E080] =	vst v63  }
0x7c: {  	_ =	swait.ge [sflag:s9], $0x1400  }
0x7d: {  	[sflag:s9] =	ssyncset.done $0x0  }
0x7e: {  	s8 =	rddreg [dreg:$0x17];
	[sflag:s9] =	ssyncadd.s32 $0xFFFFEC00  }
0x7f: {  	[spmem:s8] =	stream.linear.scatter [tilespmem:s12], [sflag:$0x9], $0x1400, $0x38;
	[tilespmem:$0x1E080] =	vst v63  }
0x80: {  	_ =	swait.ge [sflag:s9], $0x1400  }
0x81: {  	[sflag:s9] =	ssyncset.done $0x0  }
0x82: {  	s30 =	rddreg [dreg:$0x18];
	[sflag:s9] =	ssyncadd.s32 $0xFFFFEC00  }
0x83: {  	[spmem:s30] =	stream.linear.scatter [tilespmem:s12], [sflag:$0x9], $0x1400, $0x38;
	[tilespmem:$0x1E080] =	vst v63  }
0x84: {  	_ =	swait.ge [sflag:s9], $0x1400  }
0x85: {  	[sflag:s9] =	ssyncset.done $0x0  }
0x86: {  	s31 =	rddreg [dreg:$0x19];
	[sflag:s9] =	ssyncadd.s32 $0xFFFFEC00  }
0x87: {  	[spmem:s31] =	stream.linear.scatter [tilespmem:s12], [sflag:$0x9], $0x1400, $0x38;
	[tilespmem:$0x1E080] =	vst v63  }
0x88: {  	_ =	swait.ge [sflag:s9], $0x1400  }
0x89: {  	[sflag:s9] =	ssyncset.done $0x0  }
0x8a: {  	s2 =	rddreg [dreg:$0x1a];
	[sflag:s9] =	ssyncadd.s32 $0xFFFFEC00  }
0x8b: {  	[spmem:s2] =	stream.linear.scatter [tilespmem:s12], [sflag:$0x9], $0x1400, $0x38;
	[tilespmem:$0x1E080] =	vst v63  }
0x8c: {  	_ =	swait.ge [sflag:s9], $0x1400  }
0x8d: {  	[sflag:s9] =	ssyncset.done $0x0  }
0x8e: {  	s8 =	rddreg [dreg:$0x1b];
	[sflag:s9] =	ssyncadd.s32 $0xFFFFEC00  }
0x8f: {  	[spmem:s8] =	stream.linear.scatter [tilespmem:s12], [sflag:$0x9], $0x1400, $0x38;
	[tilespmem:$0x1E080] =	vst v63  }
0x90: {  	_ =	swait.ge [sflag:s9], $0x1400  }
0x91: {  	[sflag:s9] =	ssyncset.done $0x0  }
0x92: {  	s29 =	simm.s32 $0x0;
	s30 =	simm.s32 $0x2880;
	[sflag:s9] =	ssyncadd.s32 $0xFFFFEC00  }
0x93: {  	[tilespmem:s30], [sflag:$0x1] =	stream.indirect.gather [hbm4b:s1+s13], $0x80, s29, s13, $0xb8;
	[tilespmem:$0x1E080] =	vst v63  }
0x94: {  	s2 =	simm.s32 $0x5080;
	s31 =	rddreg [dreg:$0x5]  }
0x95: {  	[tilespmem:s2], [sflag:$0x3] =	stream.linear.gather [hbm4b:s31+s29], $0x1400, $0x38;
	[tilespmem:$0x1E080] =	vst v63  }
0x96: {  	s8 =	rddreg [dreg:$0x6]  }
0x97: {  	[tilespmem:s14], [sflag:$0x7] =	stream.linear.gather [hbm4b:s8+s29], $0x80, $0x38;
	[tilespmem:$0x1E080] =	vst v63  }
0x98: {  	_ = 	snop  }
0x99: {  	[tilespmem:s16], [sflag:$0x2] =	stream.indirect.gather [hbm4b:s1+s13], $0x80, s13, s13, $0xb8;
	[tilespmem:$0x1E080] =	vst v63  }
0x9a: {  	s30 =	rddreg [dreg:$0x7]  }
0x9b: {  	[tilespmem:s17], [sflag:$0x4] =	stream.linear.gather [hbm4b:s30+s29], $0x1400, $0x38;
	[tilespmem:$0x1E080] =	vst v63  }
0x9c: {  	s31 =	rddreg [dreg:$0x8]  }
0x9d: {  	[tilespmem:s18], [sflag:$0x8] =	stream.linear.gather [hbm4b:s31+s29], $0x80, $0x38;
	[tilespmem:$0x1E080] =	vst v63  }
0x9e: {  	[bflag:$0x0] =	sbarrier.arrive $0xFFFF  }
.LBB2_4:
0x9f: {  	_ =	swait.ge [sflag:s19], $0x1400  }
0xa0: {  	[sflag:s19] =	ssyncset.done $0x0  }
0xa1: {  	[sflag:s19] =	ssyncadd.s32 $0xFFFFEC00  }
0xa2: {  	_ =	swait.ge [sflag:s11], $0x1400  }
0xa3: {  	[sflag:s11] =	ssyncset.done $0x0  }
0xa4: {  	[sflag:s11] =	ssyncadd.s32 $0xFFFFEC00  }
0xa5: {  	_ =	swait.ge [sflag:s20], $0x80  }
0xa6: {  	[sflag:s20] =	ssyncset.done $0x0  }
0xa7: {  	s30 =	simm.s32 $0x0;
	[sflag:s20] =	ssyncadd.s32 $0xFFFFFF80  }
0xa8: {  	v1 =	vld [tilespmem:s30+$0x50F0]  }
0xa9: {  	v2 =	vld [tilespmem:s30+$0x28F0]  }
0xaa: {  	v3 =	vld [tilespmem:s30+$0x5080]  }
0xab: {  	v4 =	vld [tilespmem:s30+$0x2880]  }
0xac: {  	v5 =	vld [tilespmem:s30+$0x5090]  }
0xad: {  	v6 =	vld [tilespmem:s30+$0x2890]  }
0xae: {  	v7 =	vld [tilespmem:s30+$0x50A0]  }
0xaf: {  	v1 =	vadd.f32 v2, v1;
	v2 =	vld [tilespmem:s30+$0x28A0]  }
0xb0: {  	v8 =	vld [tilespmem:s30+$0x50B0]  }
0xb1: {  	v9 =	vld [tilespmem:s30+$0x28B0];
	v3 =	vadd.f32 v4, v3  }
0xb2: {  	v10 =	vld [tilespmem:s30+$0x50C0];
	v1 =	vmax.f32 v1, $0.0e+00  }
0xb3: {  	[tilespmem:s30+$0x78F0] =	vst v1;
	v1 =	vmax.f32 v3, $0.0e+00;
	v3 =	vadd.f32 v6, v5;
	v6 =	vld [tilespmem:s30+$0x28C0]  }
0xb4: {  	v4 =	vld [tilespmem:s30+$0x28D0];
	v2 =	vadd.f32 v2, v7  }
0xb5: {  	[tilespmem:s30+$0x7880] =	vst v1;
	v1 =	vld [tilespmem:s30+$0x50D0];
	v3 =	vmax.f32 v3, $0.0e+00  }
0xb6: {  	v5 =	vld [tilespmem:s30+$0x28E0];
	v7 =	vadd.f32 v9, v8;
	[tilespmem:s30+$0x7890] =	vst v3;
	v3 =	vmax.f32 v2, $0.0e+00  }
0xb7: {  	s2 =	simm.s32 $0x80;
	v2 =	vld [tilespmem:s30+$0x50E0];
	[tilespmem:s30+$0x78A0] =	vst v3  }
0xb8: {  	s0 =	simm.s32 $0x400;
	v7 =	vmax.f32 v7, $0.0e+00;
	v6 =	vadd.f32 v6, v10;
	v3 =	vld [tilespmem:s2+$0x50F0]  }
.LBB2_5:
0xb9: {  	p1 =	sne.s32 s0, $0x4E00;
	v8 =	vld [tilespmem:s2+$0x28F0];
	[tilespmem:s30+$0x78B0] =	vst v7  }
0xba: {  	v7 =	vld [tilespmem:s2+$0x5080];
	v6 =	vmax.f32 v6, $0.0e+00;
	v1 =	vadd.f32 v4, v1  }
0xbb: {  	v4 =	vld [tilespmem:s2+$0x2880];
	[tilespmem:s30+$0x78C0] =	vst v6  }
0xbc: {  	v6 =	vld [tilespmem:s2+$0x5090];
	v1 =	vmax.f32 v1, $0.0e+00;
	v2 =	vadd.f32 v5, v2  }
0xbd: {  	v5 =	vld [tilespmem:s2+$0x2890];
	[tilespmem:s30+$0x78D0] =	vst v1  }
0xbe: {  	v1 =	vld [tilespmem:s2+$0x50A0];
	v3 =	vadd.f32 v8, v3;
	v2 =	vmax.f32 v2, $0.0e+00  }
0xbf: {  	v8 =	vld [tilespmem:s2+$0x28A0];
	[tilespmem:s30+$0x78E0] =	vst v2;
	s30 =	smov.u32 s2  }
0xc0: {  	v2 =	vadd.f32 v4, v7;
	v7 =	vld [tilespmem:s30+$0x50B0];
	v3 =	vmax.f32 v3, $0.0e+00  }
0xc1: {  	v9 =	vld [tilespmem:s30+$0x28B0];
	[tilespmem:s30+$0x78F0] =	vst v3  }
0xc2: {  	v2 =	vmax.f32 v2, $0.0e+00;
	v3 =	vadd.f32 v5, v6;
	v6 =	vld [tilespmem:s30+$0x50C0]  }
0xc3: {  	[tilespmem:s30+$0x7880] =	vst v2;
	v10 =	vld [tilespmem:s30+$0x28C0]  }
.Ltmp3:
0xc4: {  	v2 =	vmax.f32 v3, $0.0e+00;
	v3 =	vadd.f32 v8, v1;
	v1 =	vld [tilespmem:s30+$0x50D0];
	(pc) =	sbr.rel @p1 .LBB2_5-.Ltmp3, $4  }
0xc5: {  	[tilespmem:s30+$0x7890] =	vst v2;
	v4 =	vld [tilespmem:s30+$0x28D0]  }
0xc6: {  	v3 =	vmax.f32 v3, $0.0e+00;
	v7 =	vadd.f32 v9, v7;
	v2 =	vld [tilespmem:s30+$0x50E0]  }
0xc7: {  	s2 =	sshra.s32 s0, $0x2;
	[tilespmem:s30+$0x78A0] =	vst v3;
	v5 =	vld [tilespmem:s30+$0x28E0]  }
0xc8: {  	s0 =	sadd.s32 $0x200, s0;
	v3 =	vld [tilespmem:s2+$0x50F0];
	v7 =	vmax.f32 v7, $0.0e+00;
	v6 =	vadd.f32 v10, v6  }
0xc9: {  	v8 =	vld [tilespmem:s2+$0x28F0];
	[tilespmem:s30+$0x78B0] =	vst v7  }
0xca: {  	v7 =	vld [tilespmem:s2+$0x5080];
	v6 =	vmax.f32 v6, $0.0e+00;
	v1 =	vadd.f32 v4, v1  }
0xcb: {  	v9 =	vld [tilespmem:s2+$0x2880];
	[tilespmem:s30+$0x78C0] =	vst v6  }
0xcc: {  	v4 =	vld [tilespmem:s2+$0x5090];
	v1 =	vmax.f32 v1, $0.0e+00;
	v2 =	vadd.f32 v5, v2  }
0xcd: {  	v6 =	vld [tilespmem:s2+$0x2890];
	[tilespmem:s30+$0x78D0] =	vst v1  }
0xce: {  	v1 =	vld [tilespmem:s2+$0x50A0];
	v2 =	vmax.f32 v2, $0.0e+00  }
0xcf: {  	v5 =	vld [tilespmem:s2+$0x28A0];
	v3 =	vadd.f32 v8, v3;
	[tilespmem:s30+$0x78E0] =	vst v2  }
0xd0: {  	v7 =	vadd.f32 v9, v7;
	v2 =	vld [tilespmem:s2+$0x50B0]  }
0xd1: {  	v3 =	vmax.f32 v3, $0.0e+00;
	v8 =	vld [tilespmem:s2+$0x28B0]  }
0xd2: {  	[tilespmem:s2+$0x78F0] =	vst v3;
	v3 =	vmax.f32 v7, $0.0e+00;
	v7 =	vld [tilespmem:s2+$0x50C0]  }
0xd3: {  	v4 =	vadd.f32 v6, v4;
	v6 =	vld [tilespmem:s2+$0x50D0]  }
0xd4: {  	[tilespmem:s2+$0x7880] =	vst v3;
	v3 =	vld [tilespmem:s2+$0x28C0];
	v1 =	vadd.f32 v5, v1  }
0xd5: {  	v4 =	vmax.f32 v4, $0.0e+00;
	v5 =	vld [tilespmem:s2+$0x50E0]  }
0xd6: {  	[tilespmem:s2+$0x7890] =	vst v4;
	v4 =	vld [tilespmem:s2+$0x28D0];
	v1 =	vmax.f32 v1, $0.0e+00  }
0xd7: {  	[tilespmem:s2+$0x78A0] =	vst v1;
	v1 =	vld [tilespmem:s2+$0x28E0];
	_ =	sdelay $0x1  }
0xd8: {  	v2 =	vadd.f32 v8, v2  }
0xd9: {  	v3 =	vadd.f32 v3, v7  }
0xda: {  	v2 =	vmax.f32 v2, $0.0e+00;
	v4 =	vadd.f32 v4, v6  }
0xdb: {  	[tilespmem:s2+$0x78B0] =	vst v2;
	v2 =	vmax.f32 v3, $0.0e+00;
	v1 =	vadd.f32 v1, v5  }
0xdc: {  	s31 =	sshll.u32 s29, $0x1;
	[tilespmem:s2+$0x78C0] =	vst v2;
	v2 =	vmax.f32 v4, $0.0e+00  }
0xdd: {  	p1 =	seq.s32 s29, $0x7C;
	s30 =	sadd.s32 $0x2, s31;
	[tilespmem:s2+$0x78D0] =	vst v2;
	v1 =	vmax.f32 v1, $0.0e+00  }
0xde: {  	s0 =	smul.u32 @!p1 $0x28, s30;
	[tilespmem:s2+$0x78E0] =	vst v1  }
0xdf: {  	[spmem:s3] =	stream.indirect.scatter.add.f32 [tilespmem:s12], [sflag:$0x5], $0x80, s14, s13, $0xb8;
	[tilespmem:$0x1E080] =	vst v63  }
0xe0: {  	s8 =	simm.s32 @!p1 $0x2880;
	s2 =	simm.s32 @!p1 $0x28  }
0xe1: {  	[tilespmem:s8], [sflag:$0x1] =	stream.indirect.gather @!p1 [hbm4b:s1+s2], $0x80, s0, s2, $0xb8;
	[tilespmem:$0x1E080] =	vst v63  }
0xe2: {  	s0 =	sadd.s32 @!p1 s5, s0  }
0xe3: {  	s0 =	sshll.u32 @!p1 s0, $0x4  }
0xe4: {  	s2 =	simm.s32 @!p1 $0x0;
	s8 =	simm.s32 @!p1 $0x5080;
	s0 =	sadd.s32 @!p1 s6, s0  }
0xe5: {  	[tilespmem:s8], [sflag:$0x3] =	stream.linear.gather @!p1 [hbm4b:s0+s2], $0x1400, $0x38;
	[tilespmem:$0x1E080] =	vst v63  }
0xe6: {  	_ =	swait.ge [sflag:s21], $0x1400  }
0xe7: {  	[sflag:s21] =	ssyncset.done $0x0  }
0xe8: {  	[sflag:s21] =	ssyncadd.s32 $0xFFFFEC00  }
0xe9: {  	_ =	swait.ge [sflag:s22], $0x1400  }
0xea: {  	[sflag:s22] =	ssyncset.done $0x0  }
0xeb: {  	[sflag:s22] =	ssyncadd.s32 $0xFFFFEC00  }
0xec: {  	_ =	swait.ge [sflag:s23], $0x80  }
0xed: {  	[sflag:s23] =	ssyncset.done $0x0  }
0xee: {  	s2 =	simm.s32 $0x0;
	[sflag:s23] =	ssyncadd.s32 $0xFFFFFF80  }
0xef: {  	v1 =	vld [tilespmem:s2+$0x64F0]  }
0xf0: {  	v2 =	vld [tilespmem:s2+$0x3CF0]  }
0xf1: {  	v3 =	vld [tilespmem:s2+$0x6480]  }
0xf2: {  	v4 =	vld [tilespmem:s2+$0x3C80]  }
0xf3: {  	v5 =	vld [tilespmem:s2+$0x6490]  }
0xf4: {  	v6 =	vld [tilespmem:s2+$0x3C90]  }
0xf5: {  	v7 =	vld [tilespmem:s2+$0x64A0]  }
0xf6: {  	v1 =	vadd.f32 v2, v1;
	v2 =	vld [tilespmem:s2+$0x3CA0]  }
0xf7: {  	v8 =	vld [tilespmem:s2+$0x64B0]  }
0xf8: {  	v63 =	vld [tilespmem:s2+$0x3CB0];
	v3 =	vadd.f32 v4, v3  }
0xf9: {  	v10 =	vld [tilespmem:s2+$0x64C0];
	v1 =	vmax.f32 v1, $0.0e+00  }
0xfa: {  	[tilespmem:s2+$0x8CF0] =	vst v1;
	v1 =	vmax.f32 v3, $0.0e+00;
	v3 =	vadd.f32 v6, v5;
	v6 =	vld [tilespmem:s2+$0x3CC0]  }
0xfb: {  	v4 =	vld [tilespmem:s2+$0x3CD0];
	v2 =	vadd.f32 v2, v7  }
0xfc: {  	[tilespmem:s2+$0x8C80] =	vst v1;
	v1 =	vld [tilespmem:s2+$0x64D0];
	v3 =	vmax.f32 v3, $0.0e+00  }
0xfd: {  	v5 =	vld [tilespmem:s2+$0x3CE0];
	v7 =	vadd.f32 v63, v8;
	[tilespmem:s2+$0x8C90] =	vst v3;
	v3 =	vmax.f32 v2, $0.0e+00  }
0xfe: {  	s0 =	simm.s32 $0x80;
	v2 =	vld [tilespmem:s2+$0x64E0];
	[tilespmem:s2+$0x8CA0] =	vst v3  }
0xff: {  	s8 =	simm.s32 $0x400;
	v7 =	vmax.f32 v7, $0.0e+00;
	v6 =	vadd.f32 v6, v10;
	v3 =	vld [tilespmem:s0+$0x64F0]  }
.LBB2_7:
0x100: {  	p2 =	sne.s32 s8, $0x4E00;
	v8 =	vld [tilespmem:s0+$0x3CF0];
	[tilespmem:s2+$0x8CB0] =	vst v7  }
0x101: {  	v7 =	vld [tilespmem:s0+$0x6480];
	v6 =	vmax.f32 v6, $0.0e+00;
	v1 =	vadd.f32 v4, v1  }
0x102: {  	v4 =	vld [tilespmem:s0+$0x3C80];
	[tilespmem:s2+$0x8CC0] =	vst v6  }
0x103: {  	v6 =	vld [tilespmem:s0+$0x6490];
	v1 =	vmax.f32 v1, $0.0e+00;
	v2 =	vadd.f32 v5, v2  }
0x104: {  	v5 =	vld [tilespmem:s0+$0x3C90];
	[tilespmem:s2+$0x8CD0] =	vst v1  }
0x105: {  	v1 =	vld [tilespmem:s0+$0x64A0];
	v3 =	vadd.f32 v8, v3;
	v2 =	vmax.f32 v2, $0.0e+00  }
0x106: {  	v8 =	vld [tilespmem:s0+$0x3CA0];
	[tilespmem:s2+$0x8CE0] =	vst v2;
	s2 =	smov.u32 s0  }
0x107: {  	v2 =	vadd.f32 v4, v7;
	v7 =	vld [tilespmem:s2+$0x64B0];
	v3 =	vmax.f32 v3, $0.0e+00  }
0x108: {  	v9 =	vld [tilespmem:s2+$0x3CB0];
	[tilespmem:s2+$0x8CF0] =	vst v3  }
0x109: {  	v2 =	vmax.f32 v2, $0.0e+00;
	v3 =	vadd.f32 v5, v6;
	v6 =	vld [tilespmem:s2+$0x64C0]  }
0x10a: {  	[tilespmem:s2+$0x8C80] =	vst v2;
	v10 =	vld [tilespmem:s2+$0x3CC0]  }
.Ltmp4:
0x10b: {  	v2 =	vmax.f32 v3, $0.0e+00;
	v3 =	vadd.f32 v8, v1;
	v1 =	vld [tilespmem:s2+$0x64D0];
	(pc) =	sbr.rel @p2 .LBB2_7-.Ltmp4, $4  }
0x10c: {  	[tilespmem:s2+$0x8C90] =	vst v2;
	v4 =	vld [tilespmem:s2+$0x3CD0]  }
0x10d: {  	v3 =	vmax.f32 v3, $0.0e+00;
	v7 =	vadd.f32 v9, v7;
	v2 =	vld [tilespmem:s2+$0x64E0]  }
0x10e: {  	s0 =	sshra.s32 s8, $0x2;
	[tilespmem:s2+$0x8CA0] =	vst v3;
	v5 =	vld [tilespmem:s2+$0x3CE0]  }
0x10f: {  	s8 =	sadd.s32 $0x200, s8;
	v3 =	vld [tilespmem:s0+$0x64F0];
	v7 =	vmax.f32 v7, $0.0e+00;
	v6 =	vadd.f32 v10, v6  }
0x110: {  	v8 =	vld [tilespmem:s0+$0x3CF0];
	[tilespmem:s2+$0x8CB0] =	vst v7  }
0x111: {  	v7 =	vld [tilespmem:s0+$0x6480];
	v6 =	vmax.f32 v6, $0.0e+00;
	v1 =	vadd.f32 v4, v1  }
0x112: {  	v9 =	vld [tilespmem:s0+$0x3C80];
	[tilespmem:s2+$0x8CC0] =	vst v6  }
0x113: {  	v57 =	vld [tilespmem:s0+$0x6490];
	v1 =	vmax.f32 v1, $0.0e+00;
	v2 =	vadd.f32 v5, v2  }
0x114: {  	v6 =	vld [tilespmem:s0+$0x3C90];
	[tilespmem:s2+$0x8CD0] =	vst v1  }
0x115: {  	v1 =	vld [tilespmem:s0+$0x64A0];
	v2 =	vmax.f32 v2, $0.0e+00  }
0x116: {  	v58 =	vld [tilespmem:s0+$0x3CA0];
	[tilespmem:s2+$0x8CE0] =	vst v2  }
0x117: {  	v2 =	vld [tilespmem:s0+$0x64B0]  }
0x118: {  	v3 =	vadd.f32 v8, v3;
	v59 =	vld [tilespmem:s0+$0x3CB0]  }
0x119: {  	v7 =	vadd.f32 v9, v7;
	v60 =	vld [tilespmem:s0+$0x64C0]  }
0x11a: {  	v3 =	vmax.f32 v3, $0.0e+00;
	v61 =	vld [tilespmem:s0+$0x64D0]  }
0x11b: {  	v62 =	vld [tilespmem:s0+$0x3CD0];
	[tilespmem:s0+$0x8CF0] =	vst v3;
	v3 =	vmax.f32 v7, $0.0e+00;
	v1 =	vadd.f32 v58, v1  }
0x11c: {  	[tilespmem:s0+$0x8C80] =	vst v3;
	v3 =	vld [tilespmem:s0+$0x3CC0]  }
0x11d: {  	v63 =	vld [tilespmem:s0+$0x64E0];
	v1 =	vmax.f32 v1, $0.0e+00  }
0x11e: {  	[tilespmem:s0+$0x8CA0] =	vst v1;
	v1 =	vld [tilespmem:s0+$0x3CE0]  }
0x11f: {  	v4 =	vadd.f32 v6, v57  }
0x120: {  	v2 =	vadd.f32 v59, v2  }
0x121: {  	v4 =	vmax.f32 v4, $0.0e+00;
	v3 =	vadd.f32 v3, v60  }
0x122: {  	[tilespmem:s0+$0x8C90] =	vst v4;
	v4 =	vadd.f32 v62, v61;
	v2 =	vmax.f32 v2, $0.0e+00  }
.Ltmp5:
0x123: {  	[tilespmem:s0+$0x8CB0] =	vst v2;
	v2 =	vmax.f32 v3, $0.0e+00;
	v1 =	vadd.f32 v1, v63;
	(pc) =	sbr.rel @p1 .LBB2_10-.Ltmp5, $4  }
0x124: {  	[tilespmem:s0+$0x8CC0] =	vst v2;
	v2 =	vmax.f32 v4, $0.0e+00  }
0x125: {  	[tilespmem:s0+$0x8CD0] =	vst v2;
	v1 =	vmax.f32 v1, $0.0e+00  }
0x126: {  	[tilespmem:s0+$0x8CE0] =	vst v1  }
0x127: {  	[spmem:s3] =	stream.indirect.scatter.add.f32 [tilespmem:s24], [sflag:$0x6], $0x80, s18, s13, $0xb8;
	[tilespmem:$0x1E080] =	vst v63  }
0x128: {  	s0 =	sadd.s32 $0x3, s31  }
0x129: {  	s2 =	smul.u32 $0x28, s0;
	_ =	sdelay $0x1  }
0x12a: {  	[tilespmem:s16], [sflag:$0x2] =	stream.indirect.gather [hbm4b:s1+s13], $0x80, s2, s13, $0xb8;
	[tilespmem:$0x1E080] =	vst v63  }
0x12b: {  	s2 =	sadd.s32 s5, s2  }
0x12c: {  	s30 =	sshll.u32 s30, $0x7;
	s2 =	sshll.u32 s2, $0x4  }
0x12d: {  	s8 =	sand.u32 $0xFC00, s30;
	s2 =	sadd.s32 s6, s2  }
0x12e: {  	[tilespmem:s17], [sflag:$0x4] =	stream.linear.gather [hbm4b:s2+s4], $0x1400, $0x38;
	[tilespmem:$0x1E080] =	vst v63  }
0x12f: {  	s8 =	sadd.s32 s10, s8;
	s2 =	sand.u32 $0x300, s30  }
0x130: {  	_ =	swait.ge [sflag:s25], $0x1400;
	s2 =	sor.u32 s2, s8  }
0x131: {  	s0 =	sshll.u32 s0, $0x7;
	[sflag:s25] =	ssyncset.done $0x0;
	s2 =	sshrl.u32 s2, $0x3  }
0x132: {  	s31 =	sand.u32 $0xFC00, s0;
	[sflag:s25] =	ssyncadd.s32 $0xFFFFEC00;
	s2 =	sadd.s32 s7, s2  }
0x133: {  	[tilespmem:s14], [sflag:$0x7] =	stream.linear.gather [hbm4b:s2+s4], $0x80, $0x38;
	[tilespmem:$0x1E080] =	vst v63  }
.Ltmp6:
0x134: {  	s0 =	sand.u32 $0x380, s0;
	s2 =	sadd.s32 s10, s31;
	(pc) =	sbr.rel .LBB2_4-.Ltmp6, $4  }
0x135: {  	_ =	swait.ge [sflag:s26], $0x1400;
	s0 =	sor.u32 s0, s2  }
0x136: {  	[sflag:s26] =	ssyncset.done $0x0;
	s0 =	sshrl.u32 s0, $0x3  }
0x137: {  	s29 =	sadd.s32 $0x1, s29;
	[sflag:s26] =	ssyncadd.s32 $0xFFFFEC00;
	s0 =	sadd.s32 s7, s0  }
0x138: {  	[tilespmem:s18], [sflag:$0x8] =	stream.linear.gather [hbm4b:s0+s4], $0x80, $0x38;
	[tilespmem:$0x1E080] =	vst v63  }
.LBB2_11:
0x139: {  	_ =	sfence.sel $0x180000  }
0x13a: {  	[bflag:$0x0] =	sbarrier.arrive $0xFFFF  }
0x13b: {  	_ =	strace $0x90000047  }
0x13c: {  	s0 =	stileid.u32;
	[bflag:$0x2] =	sbarrier.arrive $0xFFFF  }
0x13d: {  	p0 =	sne.s32 s0, $0x0;
	s0 =	rddreg [dreg:$0x3]  }
0x13e: {  	s0 =	sadd.s32 @!p0 $0x100000, s0  }
0x13f: {  	[sflag:s0] =	ssyncadd.tile.s32 @!p0 $0x1;
	_ =	shalt  }
.Lfunc_end2:
_tile_overlayer_lowered:
.L_overlay_start_2:
0x140: {  	(tag) =	ssettag $0x2  }
0x141: {  	s0 =	rddreg [dreg:$0x0];
	s2 =	stileid.u32  }
0x142: {  	s1 =	rddreg [dreg:$0x1];
	p0 =	sne.s32 s2, $0x0  }
0x143: {  	s3 =	rddreg [dreg:$0x2];
	[bflag:$0x3] =	sbarrier.arrive $0xFFFF;
	s2 =	simm.s32 @!p0 $0x1C09  }
0x144: {  	[timem:s3], [sflag:s2] =	dma.local @!p0 [hbm:s0], s1  }
0x145: {  	s0 =	simm.s32 @!p0 $0x9  }
0x146: {  	_ =	swait.ge @!p0 [sflag:s0], s1  }
0x147: {  	s1 =	ssub.s32 @!p0 $0x0, s1;
	[sflag:s0] =	ssyncset.done @!p0 $0x0  }
0x148: {  	[sflag:s0] =	ssyncadd.s32 @!p0 s1  }
0x149: {  	[bflag:$0x3] =	sbarrier.arrive $0xFFFF  }
0x14a: {  	_ =	shalt  }

// kernel: kernel.14.cloned.1.call-start
scs
__scs_entry_jumppad:
0x0: {  	(pc) =	sbr.rel $0x88, $3  }
0x1: {  	(tag) =	ssettag $0x0;
	lr =	simm.s32 $0x1  }
0x2: {  	[smem:$0x3F96] =	sst lr;
	_ =	strace $0xD0000000  }
0x3: {  	_ = 	snop  }
0x4: {  	_ = 	snop  }
0x5: {  	_ = 	snop  }
0x6: {  	_ = 	snop  }
0x7: {  	_ = 	snop  }
__scs_overlays_trampoline_lowered:
0x8: {  	[smem:$0x3FA5] =	sst s0  }
0x9: {  	[smem:$0x3FA6] =	sst s1  }
0xa: {  	[smem:$0x3FA7] =	sst s2  }
0xb: {  	[smem:$0x3FA8] =	sst s3  }
0xc: {  	[smem:$0x3FA9] =	sst s4  }
0xd: {  	[smem:$0x3FAA] =	sst s5  }
0xe: {  	[smem:$0x3FAB] =	sst s6  }
0xf: {  	[smem:$0x3FAC] =	sst s7  }
0x10: {  	[smem:$0x3FAD] =	sst s8  }
0x11: {  	[smem:$0x3FAE] =	sst s9;
	s0 =	simm.s32 @!p0 $0x0  }
0x12: {  	s1 =	sld [smem:$0x3F94];
	s0 =	simm.s32 @p0 $0x1  }
0x13: {  	[smem:$0x3FAF] =	sst s0;
	s0 =	simm.s32 @!p1 $0x0  }
0x14: {  	s2 =	sld [smem:$0x3F93];
	s0 =	simm.s32 @p1 $0x1  }
0x15: {  	[smem:$0x3FB0] =	sst s0;
	s0 =	simm.s32 @!p2 $0x0  }
0x16: {  	s3 =	sld [smem:$0x3FDB];
	s0 =	simm.s32 @p2 $0x1  }
0x17: {  	s4 =	simm.s32 $0x1BF5;
	[smem:$0x3FB2] =	sst s0  }
0x18: {  	s0 =	sld [smem:$0x3F95];
	_ =	swait.ge [sflag:s4], $0x0  }
0x19: {  	s7 =	sld [smem:$0x3F96]  }
0x1a: {  	s8 =	sadd.s32 $0xFFFFE003, lr  }
0x1b: {  	s9 =	sadd.s32 $0xFFFFFEF7, lr;
	s5 =	simm.s32 $0xFFFFFFFF;
	p2 =	slt.u32 s8, $0xFFFFF086  }
0x1c: {  	p1 =	slt.u32 s9, $0xF7A;
	s5 =	simm.s32 @!p2 $0x0  }
0x1d: {  	s5 =	simm.s32 @p1 $0x1;
	p0 =	seq.s32 s7, s2  }
0x1e: {  	s7 =	smul.u32 @!p0 $0xF7A, s2;
	p2 =	seq.s32 @!p0 s5, $0x0  }
0x1f: {  	s9 =	smul.u32 $0xF7A, s1;
	s8 =	simm.s32 @!p0 $0x1BF5;
	p2 =	por !p2, p0  }
0x20: {  	[sflag:s8] =	ssyncset.s32 @!p0 $0xFFFFF086;
	s6 =	sadd.s32 @!p0 s3, s7;
	s7 =	simm.s32 @!p0 $0x108  }
0x21: {  	s3 =	sadd.s32 s3, s9;
	s6 =	sadd.s32 @!p0 $0x88, s6;
	s7 =	simm.s32 @p2 $0x1082  }
0x22: {  	[simem:s7], [sflag:s8] =	dma.local @!p0 [hbm:s6], $0xF7A  }
0x23: {  	s9 =	sor.u32 $0xD0000000, s2;
	s6 =	simm.s32 $0x108;
	_ =	swait.ge @!p0 [sflag:s8], $0x0  }
0x24: {  	s3 =	sadd.s32 $0x88, s3;
	s6 =	simm.s32 @!p1 $0x1082;
	[sflag:s4] =	ssyncset.s32 $0xFFFFF086  }
0x25: {  	[simem:s6], [sflag:s4] =	dma.local [hbm:s3], $0xF7A  }
0x26: {  	[smem:$0x3F96] =	sst s1;
	(tag) =	ssettag s2;
	_ =	strace s9  }
0x27: {  	s1 =	sld [smem:$0x3FA6]  }
0x28: {  	s2 =	sld [smem:$0x3FA7]  }
0x29: {  	s4 =	sld [smem:$0x3FA9]  }
0x2a: {  	p0 =	seq.s32 s5, $0x0;
	s5 =	sld [smem:$0x3FAA]  }
0x2b: {  	s6 =	sld [smem:$0x3FAB]  }
0x2c: {  	s7 =	sld [smem:$0x3FAC]  }
0x2d: {  	s3 =	simm.s32 $0x108;
	s8 =	sld [smem:$0x3FAD]  }
0x2e: {  	s3 =	simm.s32 @!p0 $0x1082;
	s9 =	sld [smem:$0x3FAE]  }
0x2f: {  	lr =	sadd.s32 s0, s3;
	s0 =	sld [smem:$0x3FA5]  }
0x30: {  	s3 =	sld [smem:$0x3FA8]  }
0x31: {  	[smem:$0x3FB1] =	sst s10  }
0x32: {  	s10 =	sld [smem:$0x3FAF];
	_ =	sdelay $0x3  }
0x33: {  	p0 =	seq.s32 s10, $0x1;
	s10 =	sld [smem:$0x3FB1];
	_ =	sdelay $0x3  }
0x34: {  	[smem:$0x3FB1] =	sst s10  }
0x35: {  	s10 =	sld [smem:$0x3FB0];
	_ =	sdelay $0x3  }
0x36: {  	p1 =	seq.s32 s10, $0x1;
	s10 =	sld [smem:$0x3FB1];
	_ =	sdelay $0x3  }
0x37: {  	[smem:$0x3FB1] =	sst s10  }
0x38: {  	s10 =	sld [smem:$0x3FB2]  }
0x39: {  	_ = 	snop;
	(pc) =	sbr.ind lr, $3  }
0x3a: {  	_ = 	snop  }
0x3b: {  	_ = 	snop  }
0x3c: {  	p2 =	seq.s32 s10, $0x1;
	s10 =	sld [smem:$0x3FB1]  }
0x3d: {  	_ =	shalt  }
0x3e: {  	_ =	shalt  }
0x3f: {  	_ =	shalt  }
0x40: {  	_ =	shalt  }
0x41: {  	_ =	shalt  }
0x42: {  	_ =	shalt  }
0x43: {  	_ =	shalt  }
0x44: {  	_ =	shalt  }
0x45: {  	_ =	shalt  }
0x46: {  	_ =	shalt  }
0x47: {  	_ =	shalt  }
0x48: {  	_ =	shalt  }
0x49: {  	_ =	shalt  }
0x4a: {  	_ =	shalt  }
0x4b: {  	_ =	shalt  }
0x4c: {  	_ =	shalt  }
0x4d: {  	_ =	shalt  }
0x4e: {  	_ =	shalt  }
0x4f: {  	_ =	shalt  }
0x50: {  	_ =	shalt  }
0x51: {  	_ =	shalt  }
0x52: {  	_ =	shalt  }
0x53: {  	_ =	shalt  }
0x54: {  	_ =	shalt  }
0x55: {  	_ =	shalt  }
0x56: {  	_ =	shalt  }
0x57: {  	_ =	shalt  }
0x58: {  	_ =	shalt  }
0x59: {  	_ =	shalt  }
0x5a: {  	_ =	shalt  }
0x5b: {  	_ =	shalt  }
0x5c: {  	_ =	shalt  }
0x5d: {  	_ =	shalt  }
0x5e: {  	_ =	shalt  }
0x5f: {  	_ =	shalt  }
0x60: {  	_ =	shalt  }
0x61: {  	_ =	shalt  }
0x62: {  	_ =	shalt  }
0x63: {  	_ =	shalt  }
0x64: {  	_ =	shalt  }
0x65: {  	_ =	shalt  }
0x66: {  	_ =	shalt  }
0x67: {  	_ =	shalt  }
0x68: {  	_ =	shalt  }
0x69: {  	_ =	shalt  }
0x6a: {  	_ =	shalt  }
0x6b: {  	_ =	shalt  }
0x6c: {  	_ =	shalt  }
0x6d: {  	_ =	shalt  }
0x6e: {  	_ =	shalt  }
0x6f: {  	_ =	shalt  }
0x70: {  	_ =	shalt  }
0x71: {  	_ =	shalt  }
0x72: {  	_ =	shalt  }
0x73: {  	_ =	shalt  }
0x74: {  	_ =	shalt  }
0x75: {  	_ =	shalt  }
0x76: {  	_ =	shalt  }
0x77: {  	_ =	shalt  }
0x78: {  	_ =	shalt  }
0x79: {  	_ =	shalt  }
0x7a: {  	_ =	shalt  }
0x7b: {  	_ =	shalt  }
0x7c: {  	_ =	shalt  }
0x7d: {  	_ =	shalt  }
0x7e: {  	_ =	shalt  }
0x7f: {  	_ =	shalt  }
0x80: {  	_ =	shalt  }
0x81: {  	_ =	shalt  }
0x82: {  	_ =	shalt  }
0x83: {  	_ =	shalt  }
0x84: {  	_ =	shalt  }
0x85: {  	_ =	shalt  }
0x86: {  	_ =	shalt  }
0x87: {  	_ =	shalt  }
.Lfunc_end0:
.L_simem_size_0:
called_computation.1_lowered:
.L_overlay_start_0:
0x88: {  	s2 =	sld [smem:$0x3FD9]  }
0x89: {  	s3 =	sld [smem:$0x3FFE];
	_ =	sdelay $0x1  }
0x8a: {  	s1 =	srdreg.scid  }
0x8b: {  	s0 =	sand.u32 $0x1, s1  }
0x8c: {  	s17 =	sshll.u32 s0, $0xA;
	s2 =	sadd.s32 s3, s2  }
0x8d: {  	s2 =	sadd.s32 s2, s17  }
0x8e: {  	[smem:$0x3FBD] =	sst s2  }
0x8f: {  	_ = 	snop  }
0x90: {  	s2 =	sld [smem:$0x3FD0];
	(tm) =	ssettm $0x1  }
0x91: {  	s18 =	sld [smem:$0x3FFB];
	_ =	sdelay $0x3  }
0x92: {  	_ =	strace s18  }
0x93: {  	s3 =	sld [smem:$0x3FFC];
	_ =	sdelay $0x3  }
0x94: {  	_ =	strace s3  }
0x95: {  	s3 =	sld [smem:$0x3FFD];
	_ =	sdelay $0x3  }
0x96: {  	_ =	strace s3  }
0x97: {  	_ =	strace $0x8FFFFFFF  }
0x98: {  	s19 =	sld [smem:$0x3FDB];
	_ =	sdelay $0x1  }
0x99: {  	s4 =	simm.s32 $_scs_section_size  }
0x9a: {  	s5 =	simm.s32 $_size__tile_overlayer_lowered;
	s6 =	simm.s32 $_tile_overlayer_lowered  }
0x9b: {  	s22 =	simm.s32 $0x1BFF;
	s21 =	sshll.u32 s6, $0x1;
	s3 =	sadd.s32 s4, s19  }
0x9c: {  	s7 =	simm.s32 $0x0;
	s20 =	sshll.u32 s5, $0x1;
	s5 =	sadd.s32 s21, s3  }
0x9d: {  	[timem:s7], [sflag:s22] =	dma.local [hbm:s5], s20  }
0x9e: {  	_ =	swait.ge [sflag:s22], s20  }
0x9f: {  	s4 =	ssub.s32 $0x0, s20;
	[sflag:s22] =	ssyncset.done $0x0  }
0xa0: {  	[sflag:s22] =	ssyncadd.s32 s4;
	_ =	sdelay $0x1  }
0xa1: {  	s23 =	simm.s32 $0x1B8B  }
0xa2: {  	_ =	swait.ge [sflag:s23], $0x1  }
0xa3: {  	[sflag:s23] =	ssyncset.done $0x0  }
0xa4: {  	s25 =	simm.s32 $0x1B8E;
	s24 =	sld [smem:$0x3FFE];
	[sflag:s23] =	ssyncadd.s32 $0xFFFFFFFF  }
0xa5: {  	s26 =	simm.s32 $execute0_lowered;
	[smem:$0x3FD2] =	sst s25  }
0xa6: {  	s5 =	sshll.u32 s26, $0x1;
	_ =	strace $0x80000049;
	[dreg:$0x1] =	wrdreg $0xFFFFFFFF  }
0xa7: {  	s28 =	simm.s32 $_size_execute0_lowered;
	s3 =	sadd.s32 s3, s5;
	[dreg:$0x0] =	wrdreg $0x0  }
0xa8: {  	s5 =	sshll.u32 s28, $0x1;
	[dreg:$0x2] =	wrdreg s3  }
0xa9: {  	[dreg:$0x3] =	wrdreg s5  }
0xaa: {  	[dreg:$0x4] =	wrdreg $0xC0  }
0xab: {  	_ =	task [dreg:s7], $0x5FFFF  }
0xac: {  	[dreg:$0x1] =	wrdreg $0xFFFFFFFF  }
0xad: {  	[dreg:$0x0] =	wrdreg $0x60  }
0xae: {  	[dreg:$0x2] =	wrdreg s2  }
0xaf: {  	[dreg:$0x3] =	wrdreg s24  }
0xb0: {  	[dreg:$0x4] =	wrdreg $0xA0800  }
0xb1: {  	[dreg:$0x5] =	wrdreg $0x9  }
0xb2: {  	_ =	task.clear_ibuf [dreg:s7], $0x6FFFF;
	_ =	strace $0x90000049  }
0xb3: {  	s29 =	simm.s32 $0x9;
	_ =	strace $0x8000004B  }
0xb4: {  	_ =	swait.ge [sflag:s29], $0x1  }
0xb5: {  	[sflag:s29] =	ssyncadd.s32 $0xFFFFFFFF  }
0xb6: {  	_ =	strace $0x9000004B  }
0xb7: {  	_ =	sfence  }
0xb8: {  	s30 =	sld [smem:$0x0];
	_ =	sdelay $0x2  }
0xb9: {  	s31 =	sshll.u32 s1, $0xD;
	s1 =	sshrl.u32 s1, $0x2  }
0xba: {  	s3 =	sand.u32 $0x4000, s31;
	s1 =	sadd.s32 s1, s30  }
0xbb: {  	s0 =	sor.u32 s3, s0;
	s1 =	sshll.u32 s1, $0x11  }
0xbc: {  	s0 =	sor.u32 s1, s0  }
0xbd: {  	s0 =	sadd.s32 $0x8F2B, s0  }
0xbe: {  	[sflag:s0] =	ssyncadd.remote.s32 $0x1  }
0xbf: {  	_ =	sfence.sel $0xFFFF  }
0xc0: {  	[dreg:$0x0] =	wrdreg $0xFFFFFFFF;
	(pc) =	sbr.abs _section_cstart, $3  }
0xc1: {  	[dreg:$0x1] =	wrdreg $0xFFFFFFFF  }
0xc2: {  	_ =	task.clear_ibuf [dreg:s7], $0x2FFFF;
	_ =	strace $0x9FFFFFFF  }
0xc3: {  	(tm) =	ssettm $0x7FFFFFFF  }
tec
execute0_lowered:
.L_overlay_start_1:
0x0: {  	(tag) =	ssettag $0x1  }
0x1: {  	s0 =	srdreg.scid  }
0x2: {  	s1 =	rddreg [dreg:$0x0];
	s13 =	stileid.u32  }
0x3: {  	s2 =	rddreg [dreg:$0x1];
	s0 =	sand.u32 $0x1, s0;
	s25 =	smul.u32 $0x14000, s13  }
0x4: {  	s3 =	rddreg [dreg:$0x2];
	s29 =	smul.u32 $0x50000, s13;
	s4 =	sshll.u32 s0, $0x4  }
0x5: {  	s10 =	ssub.s32 $0x2, s0;
	s0 =	smul.u32 $0x138800, s0;
	s8 =	sor.u32 s13, s4  }
0x6: {  	s6 =	sadd.s32 $0xA3E400, s2;
	p0 =	seq.s32 s13, $0xF;
	s5 =	smul.u32 $0x2710, s8  }
0x7: {  	s4 =	simm.s32 $0x0;
	s11 =	sshrl.u32 s10, $0x1;
	s12 =	smul.u32 $0x27100, s8  }
0x8: {  	[smem:$0x7FF] =	sst s4;
	s11 =	ssub.s32 s10, s11;
	s23 =	smul.u32 $0x138800, s8  }
0x9: {  	s10 =	sshll.u32 s8, $0xF;
	s8 =	sshll.u32 s8, $0xC;
	s31 =	sadd.s32 s25, s0  }
0xa: {  	s0 =	sshrl.u32 s0, $0x3;
	_ =	strace $0x8000004A;
	s7 =	sshrl.u32 s5, $0x3  }
0xb: {  	s24 =	sadd.s32 s6, s12;
	s12 =	smax.u32 s11, $0x1;
	s9 =	sadd.s32 s7, s2  }
0xc: {  	s7 =	sadd.s32 $0xC200, s2;
	s2 =	sadd.s32 $0x50E200, s2;
	[dreg:$0x5] =	wrdreg s24  }
0xd: {  	[dreg:$0xb] =	wrdreg s12;
	s9 =	sadd.s32 $0x2400, s9;
	s14 =	sadd.s32 s7, s8  }
0xe: {  	s0 =	sadd.s32 s2, s0;
	[dreg:$0x4] =	wrdreg s9;
	s9 =	sshrl.u32 s23, $0x3  }
0xf: {  	[dreg:$0x6] =	wrdreg s14;
	s30 =	sadd.s32 $0x10, s14;
	s0 =	sadd.s32 $0x25800, s0  }
0x10: {  	s26 =	sadd.s32 s6, s9;
	[dreg:$0x8] =	wrdreg s30;
	s9 =	sshrl.u32 s29, $0x2  }
0x11: {  	[dreg:$0xa] =	wrdreg s0;
	s0 =	sadd.s32 $0x12C000, s3;
	s8 =	sadd.s32 $0x280, s26  }
0x12: {  	s15 =	sadd.s32 s9, s3;
	s0 =	sshrl.u32 @p0 s0, $0x3;
	[dreg:$0x7] =	wrdreg s8  }
0x13: {  	s14 =	sadd.s32 $0x1400, s15;
	[dreg:$0x13] =	wrdreg s0  }
0x14: {  	s16 =	sadd.s32 $0x2800, s15;
	[dreg:$0xc] =	wrdreg s14  }
0x15: {  	s17 =	sadd.s32 $0x3C00, s15;
	[dreg:$0xd] =	wrdreg s16  }
0x16: {  	s18 =	sadd.s32 $0x5000, s15;
	[dreg:$0xe] =	wrdreg s17  }
0x17: {  	s19 =	sadd.s32 $0x6400, s15;
	[dreg:$0xf] =	wrdreg s18  }
0x18: {  	s20 =	sadd.s32 $0x7800, s15;
	[dreg:$0x10] =	wrdreg s19  }
0x19: {  	s21 =	sadd.s32 $0x8C00, s15;
	[dreg:$0x11] =	wrdreg s20  }
0x1a: {  	s22 =	sadd.s32 $0xA000, s15;
	[dreg:$0x12] =	wrdreg s21  }
0x1b: {  	s28 =	simm.s32 $0x0;
	s23 =	sadd.s32 $0xB400, s15;
	[dreg:$0x14] =	wrdreg s22  }
0x1c: {  	s13 =	simm.s32 $0x28;
	s24 =	sadd.s32 $0xC800, s15;
	[dreg:$0x15] =	wrdreg s23  }
0x1d: {  	s11 =	simm.s32 $0x3;
	s25 =	sadd.s32 $0xDC00, s15;
	[dreg:$0x16] =	wrdreg s24  }
0x1e: {  	s12 =	simm.s32 $0x7880;
	s26 =	sadd.s32 $0xF000, s15;
	[dreg:$0x17] =	wrdreg s25  }
0x1f: {  	s9 =	simm.s32 $0x9;
	s29 =	sadd.s32 $0x10400, s15;
	[dreg:$0x18] =	wrdreg s26  }
0x20: {  	s8 =	sshrl.u32 s31, $0x3;
	s30 =	sadd.s32 $0x11800, s15;
	[dreg:$0x19] =	wrdreg s29  }
0x21: {  	s31 =	sadd.s32 $0x12C00, s15;
	s8 =	sadd.s32 s2, s8;
	[dreg:$0x1a] =	wrdreg s30  }
.Ltmp0:
0x22: {  	[dreg:$0x1b] =	wrdreg s31;
	s14 =	simm.s32 $0x2780;
	(pc) =	sbr.rel .LBB2_1-.Ltmp0, $4  }
0x23: {  	s16 =	simm.s32 $0x3C80;
	s17 =	simm.s32 $0x6480;
	s18 =	simm.s32 $0x2800  }
0x24: {  	s19 =	simm.s32 $0x1;
	s20 =	simm.s32 $0x7;
	s21 =	simm.s32 $0x2  }
0x25: {  	s22 =	simm.s32 $0x4;
	s23 =	simm.s32 $0x8;
	s24 =	simm.s32 $0x8C80  }
0x26: {  	v0 =	vimm.f32 $0.0e+00;
	s25 =	simm.s32 $0x5;
	s26 =	simm.s32 $0x6;
	[dreg:$0x9] =	wrdreg s8  }
.LBB2_10:
0x27: {  	_ =	swait.ge [sflag:s25], $0x1400  }
0x28: {  	[sflag:s25] =	ssyncset.done $0x0  }
0x29: {  	[sflag:s25] =	ssyncadd.s32 $0xFFFFEC00  }
0x2a: {  	_ =	swait.ge [sflag:s26], $0x1400  }
0x2b: {  	[sflag:s26] =	ssyncset.done $0x0  }
0x2c: {  	[sflag:s26] =	ssyncadd.s32 $0xFFFFEC00  }
0x2d: {  	[bflag:$0x0] =	sbarrier.arrive $0xFFFF  }
0x2e: {  	s2 =	rddreg [dreg:$0xa]  }
0x2f: {  	s0 =	simm.s32 @p0 $0x1FC9;
	s8 =	rddreg [dreg:$0x13]  }
0x30: {  	[hbm:s2], [sflag:s0] =	dma.local @p0 [spmem:s8], $0x1900  }
0x31: {  	s0 =	simm.s32 @p0 $0x9  }
0x32: {  	s2 =	stileid.u32;
	_ =	swait.ge @p0 [sflag:s0], $0x1900  }
0x33: {  	s2 =	sshll.u32 @!p0 s2, $0x6;
	[sflag:s0] =	ssyncset.done @p0 $0x0;
	s8 =	rddreg [dreg:$0x9]  }
0x34: {  	[sflag:s0] =	ssyncadd.s32 @p0 $0xFFFFE700;
	s0 =	sor.u32 @!p0 $0x1C09, s2;
	s2 =	sshrl.u32 @!p0 s15, $0x3  }
0x35: {  	[hbm:s8], [sflag:s0] =	dma.local @!p0 [spmem:s2], $0x2800  }
0x36: {  	s0 =	simm.s32 @!p0 $0x9  }
0x37: {  	_ =	swait.ge @!p0 [sflag:s0], $0x2800  }
0x38: {  	s28 =	sadd.s32 $0x1, s28;
	s31 =	rddreg [dreg:$0xb]  }
0x39: {  	p1 =	sne.s32 s28, s31  }
.Ltmp1:
0x3a: {  	_ = 	snop;
	(pc) =	sbr.rel @!p1 .LBB2_11-.Ltmp1, $3  }
0x3b: {  	_ =	sdelay $0x1  }
0x3c: {  	[sflag:s0] =	ssyncset.done @!p0 $0x0  }
0x3d: {  	[sflag:s0] =	ssyncadd.s32 @!p0 $0xFFFFD800  }
.LBB2_1:
0x3e: {  	s0 =	rddreg [dreg:$0x4]  }
0x3f: {  	[tilespmem:s4], [sflag:$0x9] =	stream.linear.gather [hbm4b:s0+s4], $0x2710, $0x38;
	[tilespmem:$0x1E080] =	vst v63  }
0x40: {  	_ =	swait.ge [sflag:s9], $0x2710  }
0x41: {  	[sflag:s9] =	ssyncset.done $0x0  }
0x42: {  	s2 =	simm.s32 $0x200;
	s0 =	simm.s32 $0x0;
	[sflag:s9] =	ssyncadd.s32 $0xFFFFD8F0  }
.LBB2_2:
0x43: {  	p1 =	sne.s32 s2, $0x4E00;
	[tilespmem:s0+$0x78F0] =	vst v0  }
0x44: {  	[tilespmem:s0+$0x7880] =	vst v0  }
0x45: {  	[tilespmem:s0+$0x7890] =	vst v0  }
.Ltmp2:
0x46: {  	[tilespmem:s0+$0x78A0] =	vst v0;
	(pc) =	sbr.rel @p1 .LBB2_2-.Ltmp2, $4  }
0x47: {  	[tilespmem:s0+$0x78B0] =	vst v0  }
0x48: {  	[tilespmem:s0+$0x78C0] =	vst v0  }
0x49: {  	[tilespmem:s0+$0x78D0] =	vst v0  }
0x4a: {  	[tilespmem:s0+$0x78E0] =	vst v0;
	s0 =	sshra.s32 s2, $0x2;
	s2 =	sadd.s32 $0x200, s2  }
0x4b: {  	[tilespmem:s0+$0x78F0] =	vst v0  }
0x4c: {  	[tilespmem:s0+$0x7880] =	vst v0  }
0x4d: {  	[tilespmem:s0+$0x7890] =	vst v0  }
0x4e: {  	[tilespmem:s0+$0x78A0] =	vst v0  }
0x4f: {  	[tilespmem:s0+$0x78B0] =	vst v0  }
0x50: {  	[tilespmem:s0+$0x78C0] =	vst v0  }
0x51: {  	[tilespmem:s0+$0x78D0] =	vst v0  }
0x52: {  	[tilespmem:s0+$0x78E0] =	vst v0  }
0x53: {  	[spmem:s15] =	stream.linear.scatter [tilespmem:s12], [sflag:$0x9], $0x1400, $0x38;
	[tilespmem:$0x1E080] =	vst v63  }
0x54: {  	_ =	swait.ge [sflag:s9], $0x1400  }
0x55: {  	[sflag:s9] =	ssyncset.done $0x0  }
0x56: {  	s31 =	rddreg [dreg:$0xc];
	[sflag:s9] =	ssyncadd.s32 $0xFFFFEC00  }
0x57: {  	[spmem:s31] =	stream.linear.scatter [tilespmem:s12], [sflag:$0x9], $0x1400, $0x38;
	[tilespmem:$0x1E080] =	vst v63  }
0x58: {  	_ =	swait.ge [sflag:s9], $0x1400  }
0x59: {  	[sflag:s9] =	ssyncset.done $0x0  }
0x5a: {  	s2 =	rddreg [dreg:$0xd];
	[sflag:s9] =	ssyncadd.s32 $0xFFFFEC00  }
0x5b: {  	[spmem:s2] =	stream.linear.scatter [tilespmem:s12], [sflag:$0x9], $0x1400, $0x38;
	[tilespmem:$0x1E080] =	vst v63  }
0x5c: {  	_ =	swait.ge [sflag:s9], $0x1400  }
0x5d: {  	[sflag:s9] =	ssyncset.done $0x0  }
0x5e: {  	s8 =	rddreg [dreg:$0xe];
	[sflag:s9] =	ssyncadd.s32 $0xFFFFEC00  }
0x5f: {  	[spmem:s8] =	stream.linear.scatter [tilespmem:s12], [sflag:$0x9], $0x1400, $0x38;
	[tilespmem:$0x1E080] =	vst v63  }
0x60: {  	_ =	swait.ge [sflag:s9], $0x1400  }
0x61: {  	[sflag:s9] =	ssyncset.done $0x0  }
0x62: {  	s30 =	rddreg [dreg:$0xf];
	[sflag:s9] =	ssyncadd.s32 $0xFFFFEC00  }
0x63: {  	[spmem:s30] =	stream.linear.scatter [tilespmem:s12], [sflag:$0x9], $0x1400, $0x38;
	[tilespmem:$0x1E080] =	vst v63  }
0x64: {  	_ =	swait.ge [sflag:s9], $0x1400  }
0x65: {  	[sflag:s9] =	ssyncset.done $0x0  }
0x66: {  	s31 =	rddreg [dreg:$0x10];
	[sflag:s9] =	ssyncadd.s32 $0xFFFFEC00  }
0x67: {  	[spmem:s31] =	stream.linear.scatter [tilespmem:s12], [sflag:$0x9], $0x1400, $0x38;
	[tilespmem:$0x1E080] =	vst v63  }
0x68: {  	_ =	swait.ge [sflag:s9], $0x1400  }
0x69: {  	[sflag:s9] =	ssyncset.done $0x0  }
0x6a: {  	s2 =	rddreg [dreg:$0x11];
	[sflag:s9] =	ssyncadd.s32 $0xFFFFEC00  }
0x6b: {  	[spmem:s2] =	stream.linear.scatter [tilespmem:s12], [sflag:$0x9], $0x1400, $0x38;
	[tilespmem:$0x1E080] =	vst v63  }
0x6c: {  	_ =	swait.ge [sflag:s9], $0x1400  }
0x6d: {  	[sflag:s9] =	ssyncset.done $0x0  }
0x6e: {  	s8 =	rddreg [dreg:$0x12];
	[sflag:s9] =	ssyncadd.s32 $0xFFFFEC00  }
0x6f: {  	[spmem:s8] =	stream.linear.scatter [tilespmem:s12], [sflag:$0x9], $0x1400, $0x38;
	[tilespmem:$0x1E080] =	vst v63  }
0x70: {  	_ =	swait.ge [sflag:s9], $0x1400  }
0x71: {  	[sflag:s9] =	ssyncset.done $0x0  }
0x72: {  	s30 =	rddreg [dreg:$0x14];
	[sflag:s9] =	ssyncadd.s32 $0xFFFFEC00  }
0x73: {  	[spmem:s30] =	stream.linear.scatter [tilespmem:s12], [sflag:$0x9], $0x1400, $0x38;
	[tilespmem:$0x1E080] =	vst v63  }
0x74: {  	_ =	swait.ge [sflag:s9], $0x1400  }
0x75: {  	[sflag:s9] =	ssyncset.done $0x0  }
0x76: {  	s31 =	rddreg [dreg:$0x15];
	[sflag:s9] =	ssyncadd.s32 $0xFFFFEC00  }
0x77: {  	[spmem:s31] =	stream.linear.scatter [tilespmem:s12], [sflag:$0x9], $0x1400, $0x38;
	[tilespmem:$0x1E080] =	vst v63  }
0x78: {  	_ =	swait.ge [sflag:s9], $0x1400  }
0x79: {  	[sflag:s9] =	ssyncset.done $0x0  }
0x7a: {  	s2 =	rddreg [dreg:$0x16];
	[sflag:s9] =	ssyncadd.s32 $0xFFFFEC00  }
0x7b: {  	[spmem:s2] =	stream.linear.scatter [tilespmem:s12], [sflag:$0x9], $0x1400, $0x38;
	[tilespmem:$0x1E080] =	vst v63  }
0x7c: {  	_ =	swait.ge [sflag:s9], $0x1400  }
0x7d: {  	[sflag:s9] =	ssyncset.done $0x0  }
0x7e: {  	s8 =	rddreg [dreg:$0x17];
	[sflag:s9] =	ssyncadd.s32 $0xFFFFEC00  }
0x7f: {  	[spmem:s8] =	stream.linear.scatter [tilespmem:s12], [sflag:$0x9], $0x1400, $0x38;
	[tilespmem:$0x1E080] =	vst v63  }
0x80: {  	_ =	swait.ge [sflag:s9], $0x1400  }
0x81: {  	[sflag:s9] =	ssyncset.done $0x0  }
0x82: {  	s30 =	rddreg [dreg:$0x18];
	[sflag:s9] =	ssyncadd.s32 $0xFFFFEC00  }
0x83: {  	[spmem:s30] =	stream.linear.scatter [tilespmem:s12], [sflag:$0x9], $0x1400, $0x38;
	[tilespmem:$0x1E080] =	vst v63  }
0x84: {  	_ =	swait.ge [sflag:s9], $0x1400  }
0x85: {  	[sflag:s9] =	ssyncset.done $0x0  }
0x86: {  	s31 =	rddreg [dreg:$0x19];
	[sflag:s9] =	ssyncadd.s32 $0xFFFFEC00  }
0x87: {  	[spmem:s31] =	stream.linear.scatter [tilespmem:s12], [sflag:$0x9], $0x1400, $0x38;
	[tilespmem:$0x1E080] =	vst v63  }
0x88: {  	_ =	swait.ge [sflag:s9], $0x1400  }
0x89: {  	[sflag:s9] =	ssyncset.done $0x0  }
0x8a: {  	s2 =	rddreg [dreg:$0x1a];
	[sflag:s9] =	ssyncadd.s32 $0xFFFFEC00  }
0x8b: {  	[spmem:s2] =	stream.linear.scatter [tilespmem:s12], [sflag:$0x9], $0x1400, $0x38;
	[tilespmem:$0x1E080] =	vst v63  }
0x8c: {  	_ =	swait.ge [sflag:s9], $0x1400  }
0x8d: {  	[sflag:s9] =	ssyncset.done $0x0  }
0x8e: {  	s8 =	rddreg [dreg:$0x1b];
	[sflag:s9] =	ssyncadd.s32 $0xFFFFEC00  }
0x8f: {  	[spmem:s8] =	stream.linear.scatter [tilespmem:s12], [sflag:$0x9], $0x1400, $0x38;
	[tilespmem:$0x1E080] =	vst v63  }
0x90: {  	_ =	swait.ge [sflag:s9], $0x1400  }
0x91: {  	[sflag:s9] =	ssyncset.done $0x0  }
0x92: {  	s29 =	simm.s32 $0x0;
	s30 =	simm.s32 $0x2880;
	[sflag:s9] =	ssyncadd.s32 $0xFFFFEC00  }
0x93: {  	[tilespmem:s30], [sflag:$0x1] =	stream.indirect.gather [hbm4b:s1+s13], $0x80, s29, s13, $0xb8;
	[tilespmem:$0x1E080] =	vst v63  }
0x94: {  	s2 =	simm.s32 $0x5080;
	s31 =	rddreg [dreg:$0x5]  }
0x95: {  	[tilespmem:s2], [sflag:$0x3] =	stream.linear.gather [hbm4b:s31+s29], $0x1400, $0x38;
	[tilespmem:$0x1E080] =	vst v63  }
0x96: {  	s8 =	rddreg [dreg:$0x6]  }
0x97: {  	[tilespmem:s14], [sflag:$0x7] =	stream.linear.gather [hbm4b:s8+s29], $0x80, $0x38;
	[tilespmem:$0x1E080] =	vst v63  }
0x98: {  	_ = 	snop  }
0x99: {  	[tilespmem:s16], [sflag:$0x2] =	stream.indirect.gather [hbm4b:s1+s13], $0x80, s13, s13, $0xb8;
	[tilespmem:$0x1E080] =	vst v63  }
0x9a: {  	s30 =	rddreg [dreg:$0x7]  }
0x9b: {  	[tilespmem:s17], [sflag:$0x4] =	stream.linear.gather [hbm4b:s30+s29], $0x1400, $0x38;
	[tilespmem:$0x1E080] =	vst v63  }
0x9c: {  	s31 =	rddreg [dreg:$0x8]  }
0x9d: {  	[tilespmem:s18], [sflag:$0x8] =	stream.linear.gather [hbm4b:s31+s29], $0x80, $0x38;
	[tilespmem:$0x1E080] =	vst v63  }
0x9e: {  	[bflag:$0x0] =	sbarrier.arrive $0xFFFF  }
.LBB2_4:
0x9f: {  	_ =	swait.ge [sflag:s19], $0x1400  }
0xa0: {  	[sflag:s19] =	ssyncset.done $0x0  }
0xa1: {  	[sflag:s19] =	ssyncadd.s32 $0xFFFFEC00  }
0xa2: {  	_ =	swait.ge [sflag:s11], $0x1400  }
0xa3: {  	[sflag:s11] =	ssyncset.done $0x0  }
0xa4: {  	[sflag:s11] =	ssyncadd.s32 $0xFFFFEC00  }
0xa5: {  	_ =	swait.ge [sflag:s20], $0x80  }
0xa6: {  	[sflag:s20] =	ssyncset.done $0x0  }
0xa7: {  	s30 =	simm.s32 $0x0;
	[sflag:s20] =	ssyncadd.s32 $0xFFFFFF80  }
0xa8: {  	v1 =	vld [tilespmem:s30+$0x50F0]  }
0xa9: {  	v2 =	vld [tilespmem:s30+$0x28F0]  }
0xaa: {  	v3 =	vld [tilespmem:s30+$0x5080]  }
0xab: {  	v4 =	vld [tilespmem:s30+$0x2880]  }
0xac: {  	v5 =	vld [tilespmem:s30+$0x5090]  }
0xad: {  	v6 =	vld [tilespmem:s30+$0x2890]  }
0xae: {  	v7 =	vld [tilespmem:s30+$0x50A0]  }
0xaf: {  	v1 =	vadd.f32 v2, v1;
	v2 =	vld [tilespmem:s30+$0x28A0]  }
0xb0: {  	v8 =	vld [tilespmem:s30+$0x50B0]  }
0xb1: {  	v9 =	vld [tilespmem:s30+$0x28B0];
	v3 =	vadd.f32 v4, v3  }
0xb2: {  	v10 =	vld [tilespmem:s30+$0x50C0];
	v1 =	vmax.f32 v1, $0.0e+00  }
0xb3: {  	[tilespmem:s30+$0x78F0] =	vst v1;
	v1 =	vmax.f32 v3, $0.0e+00;
	v3 =	vadd.f32 v6, v5;
	v6 =	vld [tilespmem:s30+$0x28C0]  }
0xb4: {  	v4 =	vld [tilespmem:s30+$0x28D0];
	v2 =	vadd.f32 v2, v7  }
0xb5: {  	[tilespmem:s30+$0x7880] =	vst v1;
	v1 =	vld [tilespmem:s30+$0x50D0];
	v3 =	vmax.f32 v3, $0.0e+00  }
0xb6: {  	v5 =	vld [tilespmem:s30+$0x28E0];
	v7 =	vadd.f32 v9, v8;
	[tilespmem:s30+$0x7890] =	vst v3;
	v3 =	vmax.f32 v2, $0.0e+00  }
0xb7: {  	s2 =	simm.s32 $0x80;
	v2 =	vld [tilespmem:s30+$0x50E0];
	[tilespmem:s30+$0x78A0] =	vst v3  }
0xb8: {  	s0 =	simm.s32 $0x400;
	v7 =	vmax.f32 v7, $0.0e+00;
	v6 =	vadd.f32 v6, v10;
	v3 =	vld [tilespmem:s2+$0x50F0]  }
.LBB2_5:
0xb9: {  	p1 =	sne.s32 s0, $0x4E00;
	v8 =	vld [tilespmem:s2+$0x28F0];
	[tilespmem:s30+$0x78B0] =	vst v7  }
0xba: {  	v7 =	vld [tilespmem:s2+$0x5080];
	v6 =	vmax.f32 v6, $0.0e+00;
	v1 =	vadd.f32 v4, v1  }
0xbb: {  	v4 =	vld [tilespmem:s2+$0x2880];
	[tilespmem:s30+$0x78C0] =	vst v6  }
0xbc: {  	v6 =	vld [tilespmem:s2+$0x5090];
	v1 =	vmax.f32 v1, $0.0e+00;
	v2 =	vadd.f32 v5, v2  }
0xbd: {  	v5 =	vld [tilespmem:s2+$0x2890];
	[tilespmem:s30+$0x78D0] =	vst v1  }
0xbe: {  	v1 =	vld [tilespmem:s2+$0x50A0];
	v3 =	vadd.f32 v8, v3;
	v2 =	vmax.f32 v2, $0.0e+00  }
0xbf: {  	v8 =	vld [tilespmem:s2+$0x28A0];
	[tilespmem:s30+$0x78E0] =	vst v2;
	s30 =	smov.u32 s2  }
0xc0: {  	v2 =	vadd.f32 v4, v7;
	v7 =	vld [tilespmem:s30+$0x50B0];
	v3 =	vmax.f32 v3, $0.0e+00  }
0xc1: {  	v9 =	vld [tilespmem:s30+$0x28B0];
	[tilespmem:s30+$0x78F0] =	vst v3  }
0xc2: {  	v2 =	vmax.f32 v2, $0.0e+00;
	v3 =	vadd.f32 v5, v6;
	v6 =	vld [tilespmem:s30+$0x50C0]  }
0xc3: {  	[tilespmem:s30+$0x7880] =	vst v2;
	v10 =	vld [tilespmem:s30+$0x28C0]  }
.Ltmp3:
0xc4: {  	v2 =	vmax.f32 v3, $0.0e+00;
	v3 =	vadd.f32 v8, v1;
	v1 =	vld [tilespmem:s30+$0x50D0];
	(pc) =	sbr.rel @p1 .LBB2_5-.Ltmp3, $4  }
0xc5: {  	[tilespmem:s30+$0x7890] =	vst v2;
	v4 =	vld [tilespmem:s30+$0x28D0]  }
0xc6: {  	v3 =	vmax.f32 v3, $0.0e+00;
	v7 =	vadd.f32 v9, v7;
	v2 =	vld [tilespmem:s30+$0x50E0]  }
0xc7: {  	s2 =	sshra.s32 s0, $0x2;
	[tilespmem:s30+$0x78A0] =	vst v3;
	v5 =	vld [tilespmem:s30+$0x28E0]  }
0xc8: {  	s0 =	sadd.s32 $0x200, s0;
	v3 =	vld [tilespmem:s2+$0x50F0];
	v7 =	vmax.f32 v7, $0.0e+00;
	v6 =	vadd.f32 v10, v6  }
0xc9: {  	v8 =	vld [tilespmem:s2+$0x28F0];
	[tilespmem:s30+$0x78B0] =	vst v7  }
0xca: {  	v7 =	vld [tilespmem:s2+$0x5080];
	v6 =	vmax.f32 v6, $0.0e+00;
	v1 =	vadd.f32 v4, v1  }
0xcb: {  	v9 =	vld [tilespmem:s2+$0x2880];
	[tilespmem:s30+$0x78C0] =	vst v6  }
0xcc: {  	v4 =	vld [tilespmem:s2+$0x5090];
	v1 =	vmax.f32 v1, $0.0e+00;
	v2 =	vadd.f32 v5, v2  }
0xcd: {  	v6 =	vld [tilespmem:s2+$0x2890];
	[tilespmem:s30+$0x78D0] =	vst v1  }
0xce: {  	v1 =	vld [tilespmem:s2+$0x50A0];
	v2 =	vmax.f32 v2, $0.0e+00  }
0xcf: {  	v5 =	vld [tilespmem:s2+$0x28A0];
	v3 =	vadd.f32 v8, v3;
	[tilespmem:s30+$0x78E0] =	vst v2  }
0xd0: {  	v7 =	vadd.f32 v9, v7;
	v2 =	vld [tilespmem:s2+$0x50B0]  }
0xd1: {  	v3 =	vmax.f32 v3, $0.0e+00;
	v8 =	vld [tilespmem:s2+$0x28B0]  }
0xd2: {  	[tilespmem:s2+$0x78F0] =	vst v3;
	v3 =	vmax.f32 v7, $0.0e+00;
	v7 =	vld [tilespmem:s2+$0x50C0]  }
0xd3: {  	v4 =	vadd.f32 v6, v4;
	v6 =	vld [tilespmem:s2+$0x50D0]  }
0xd4: {  	[tilespmem:s2+$0x7880] =	vst v3;
	v3 =	vld [tilespmem:s2+$0x28C0];
	v1 =	vadd.f32 v5, v1  }
0xd5: {  	v4 =	vmax.f32 v4, $0.0e+00;
	v5 =	vld [tilespmem:s2+$0x50E0]  }
0xd6: {  	[tilespmem:s2+$0x7890] =	vst v4;
	v4 =	vld [tilespmem:s2+$0x28D0];
	v1 =	vmax.f32 v1, $0.0e+00  }
0xd7: {  	[tilespmem:s2+$0x78A0] =	vst v1;
	v1 =	vld [tilespmem:s2+$0x28E0];
	_ =	sdelay $0x1  }
0xd8: {  	v2 =	vadd.f32 v8, v2  }
0xd9: {  	v3 =	vadd.f32 v3, v7  }
0xda: {  	v2 =	vmax.f32 v2, $0.0e+00;
	v4 =	vadd.f32 v4, v6  }
0xdb: {  	[tilespmem:s2+$0x78B0] =	vst v2;
	v2 =	vmax.f32 v3, $0.0e+00;
	v1 =	vadd.f32 v1, v5  }
0xdc: {  	s31 =	sshll.u32 s29, $0x1;
	[tilespmem:s2+$0x78C0] =	vst v2;
	v2 =	vmax.f32 v4, $0.0e+00  }
0xdd: {  	p1 =	seq.s32 s29, $0x7C;
	s30 =	sadd.s32 $0x2, s31;
	[tilespmem:s2+$0x78D0] =	vst v2;
	v1 =	vmax.f32 v1, $0.0e+00  }
0xde: {  	s0 =	smul.u32 @!p1 $0x28, s30;
	[tilespmem:s2+$0x78E0] =	vst v1  }
0xdf: {  	[spmem:s3] =	stream.indirect.scatter.add.f32 [tilespmem:s12], [sflag:$0x5], $0x80, s14, s13, $0xb8;
	[tilespmem:$0x1E080] =	vst v63  }
0xe0: {  	s8 =	simm.s32 @!p1 $0x2880;
	s2 =	simm.s32 @!p1 $0x28  }
0xe1: {  	[tilespmem:s8], [sflag:$0x1] =	stream.indirect.gather @!p1 [hbm4b:s1+s2], $0x80, s0, s2, $0xb8;
	[tilespmem:$0x1E080] =	vst v63  }
0xe2: {  	s0 =	sadd.s32 @!p1 s5, s0  }
0xe3: {  	s0 =	sshll.u32 @!p1 s0, $0x4  }
0xe4: {  	s2 =	simm.s32 @!p1 $0x0;
	s8 =	simm.s32 @!p1 $0x5080;
	s0 =	sadd.s32 @!p1 s6, s0  }
0xe5: {  	[tilespmem:s8], [sflag:$0x3] =	stream.linear.gather @!p1 [hbm4b:s0+s2], $0x1400, $0x38;
	[tilespmem:$0x1E080] =	vst v63  }
0xe6: {  	_ =	swait.ge [sflag:s21], $0x1400  }
0xe7: {  	[sflag:s21] =	ssyncset.done $0x0  }
0xe8: {  	[sflag:s21] =	ssyncadd.s32 $0xFFFFEC00  }
0xe9: {  	_ =	swait.ge [sflag:s22], $0x1400  }
0xea: {  	[sflag:s22] =	ssyncset.done $0x0  }
0xeb: {  	[sflag:s22] =	ssyncadd.s32 $0xFFFFEC00  }
0xec: {  	_ =	swait.ge [sflag:s23], $0x80  }
0xed: {  	[sflag:s23] =	ssyncset.done $0x0  }
0xee: {  	s2 =	simm.s32 $0x0;
	[sflag:s23] =	ssyncadd.s32 $0xFFFFFF80  }
0xef: {  	v1 =	vld [tilespmem:s2+$0x64F0]  }
0xf0: {  	v2 =	vld [tilespmem:s2+$0x3CF0]  }
0xf1: {  	v3 =	vld [tilespmem:s2+$0x6480]  }
0xf2: {  	v4 =	vld [tilespmem:s2+$0x3C80]  }
0xf3: {  	v5 =	vld [tilespmem:s2+$0x6490]  }
0xf4: {  	v6 =	vld [tilespmem:s2+$0x3C90]  }
0xf5: {  	v7 =	vld [tilespmem:s2+$0x64A0]  }
0xf6: {  	v1 =	vadd.f32 v2, v1;
	v2 =	vld [tilespmem:s2+$0x3CA0]  }
0xf7: {  	v8 =	vld [tilespmem:s2+$0x64B0]  }
0xf8: {  	v63 =	vld [tilespmem:s2+$0x3CB0];
	v3 =	vadd.f32 v4, v3  }
0xf9: {  	v10 =	vld [tilespmem:s2+$0x64C0];
	v1 =	vmax.f32 v1, $0.0e+00  }
0xfa: {  	[tilespmem:s2+$0x8CF0] =	vst v1;
	v1 =	vmax.f32 v3, $0.0e+00;
	v3 =	vadd.f32 v6, v5;
	v6 =	vld [tilespmem:s2+$0x3CC0]  }
0xfb: {  	v4 =	vld [tilespmem:s2+$0x3CD0];
	v2 =	vadd.f32 v2, v7  }
0xfc: {  	[tilespmem:s2+$0x8C80] =	vst v1;
	v1 =	vld [tilespmem:s2+$0x64D0];
	v3 =	vmax.f32 v3, $0.0e+00  }
0xfd: {  	v5 =	vld [tilespmem:s2+$0x3CE0];
	v7 =	vadd.f32 v63, v8;
	[tilespmem:s2+$0x8C90] =	vst v3;
	v3 =	vmax.f32 v2, $0.0e+00  }
0xfe: {  	s0 =	simm.s32 $0x80;
	v2 =	vld [tilespmem:s2+$0x64E0];
	[tilespmem:s2+$0x8CA0] =	vst v3  }
0xff: {  	s8 =	simm.s32 $0x400;
	v7 =	vmax.f32 v7, $0.0e+00;
	v6 =	vadd.f32 v6, v10;
	v3 =	vld [tilespmem:s0+$0x64F0]  }
.LBB2_7:
0x100: {  	p2 =	sne.s32 s8, $0x4E00;
	v8 =	vld [tilespmem:s0+$0x3CF0];
	[tilespmem:s2+$0x8CB0] =	vst v7  }
0x101: {  	v7 =	vld [tilespmem:s0+$0x6480];
	v6 =	vmax.f32 v6, $0.0e+00;
	v1 =	vadd.f32 v4, v1  }
0x102: {  	v4 =	vld [tilespmem:s0+$0x3C80];
	[tilespmem:s2+$0x8CC0] =	vst v6  }
0x103: {  	v6 =	vld [tilespmem:s0+$0x6490];
	v1 =	vmax.f32 v1, $0.0e+00;
	v2 =	vadd.f32 v5, v2  }
0x104: {  	v5 =	vld [tilespmem:s0+$0x3C90];
	[tilespmem:s2+$0x8CD0] =	vst v1  }
0x105: {  	v1 =	vld [tilespmem:s0+$0x64A0];
	v3 =	vadd.f32 v8, v3;
	v2 =	vmax.f32 v2, $0.0e+00  }
0x106: {  	v8 =	vld [tilespmem:s0+$0x3CA0];
	[tilespmem:s2+$0x8CE0] =	vst v2;
	s2 =	smov.u32 s0  }
0x107: {  	v2 =	vadd.f32 v4, v7;
	v7 =	vld [tilespmem:s2+$0x64B0];
	v3 =	vmax.f32 v3, $0.0e+00  }
0x108: {  	v9 =	vld [tilespmem:s2+$0x3CB0];
	[tilespmem:s2+$0x8CF0] =	vst v3  }
0x109: {  	v2 =	vmax.f32 v2, $0.0e+00;
	v3 =	vadd.f32 v5, v6;
	v6 =	vld [tilespmem:s2+$0x64C0]  }
0x10a: {  	[tilespmem:s2+$0x8C80] =	vst v2;
	v10 =	vld [tilespmem:s2+$0x3CC0]  }
.Ltmp4:
0x10b: {  	v2 =	vmax.f32 v3, $0.0e+00;
	v3 =	vadd.f32 v8, v1;
	v1 =	vld [tilespmem:s2+$0x64D0];
	(pc) =	sbr.rel @p2 .LBB2_7-.Ltmp4, $4  }
0x10c: {  	[tilespmem:s2+$0x8C90] =	vst v2;
	v4 =	vld [tilespmem:s2+$0x3CD0]  }
0x10d: {  	v3 =	vmax.f32 v3, $0.0e+00;
	v7 =	vadd.f32 v9, v7;
	v2 =	vld [tilespmem:s2+$0x64E0]  }
0x10e: {  	s0 =	sshra.s32 s8, $0x2;
	[tilespmem:s2+$0x8CA0] =	vst v3;
	v5 =	vld [tilespmem:s2+$0x3CE0]  }
0x10f: {  	s8 =	sadd.s32 $0x200, s8;
	v3 =	vld [tilespmem:s0+$0x64F0];
	v7 =	vmax.f32 v7, $0.0e+00;
	v6 =	vadd.f32 v10, v6  }
0x110: {  	v8 =	vld [tilespmem:s0+$0x3CF0];
	[tilespmem:s2+$0x8CB0] =	vst v7  }
0x111: {  	v7 =	vld [tilespmem:s0+$0x6480];
	v6 =	vmax.f32 v6, $0.0e+00;
	v1 =	vadd.f32 v4, v1  }
0x112: {  	v9 =	vld [tilespmem:s0+$0x3C80];
	[tilespmem:s2+$0x8CC0] =	vst v6  }
0x113: {  	v57 =	vld [tilespmem:s0+$0x6490];
	v1 =	vmax.f32 v1, $0.0e+00;
	v2 =	vadd.f32 v5, v2  }
0x114: {  	v6 =	vld [tilespmem:s0+$0x3C90];
	[tilespmem:s2+$0x8CD0] =	vst v1  }
0x115: {  	v1 =	vld [tilespmem:s0+$0x64A0];
	v2 =	vmax.f32 v2, $0.0e+00  }
0x116: {  	v58 =	vld [tilespmem:s0+$0x3CA0];
	[tilespmem:s2+$0x8CE0] =	vst v2  }
0x117: {  	v2 =	vld [tilespmem:s0+$0x64B0]  }
0x118: {  	v3 =	vadd.f32 v8, v3;
	v59 =	vld [tilespmem:s0+$0x3CB0]  }
0x119: {  	v7 =	vadd.f32 v9, v7;
	v60 =	vld [tilespmem:s0+$0x64C0]  }
0x11a: {  	v3 =	vmax.f32 v3, $0.0e+00;
	v61 =	vld [tilespmem:s0+$0x64D0]  }
0x11b: {  	v62 =	vld [tilespmem:s0+$0x3CD0];
	[tilespmem:s0+$0x8CF0] =	vst v3;
	v3 =	vmax.f32 v7, $0.0e+00;
	v1 =	vadd.f32 v58, v1  }
0x11c: {  	[tilespmem:s0+$0x8C80] =	vst v3;
	v3 =	vld [tilespmem:s0+$0x3CC0]  }
0x11d: {  	v63 =	vld [tilespmem:s0+$0x64E0];
	v1 =	vmax.f32 v1, $0.0e+00  }
0x11e: {  	[tilespmem:s0+$0x8CA0] =	vst v1;
	v1 =	vld [tilespmem:s0+$0x3CE0]  }
0x11f: {  	v4 =	vadd.f32 v6, v57  }
0x120: {  	v2 =	vadd.f32 v59, v2  }
0x121: {  	v4 =	vmax.f32 v4, $0.0e+00;
	v3 =	vadd.f32 v3, v60  }
0x122: {  	[tilespmem:s0+$0x8C90] =	vst v4;
	v4 =	vadd.f32 v62, v61;
	v2 =	vmax.f32 v2, $0.0e+00  }
.Ltmp5:
0x123: {  	[tilespmem:s0+$0x8CB0] =	vst v2;
	v2 =	vmax.f32 v3, $0.0e+00;
	v1 =	vadd.f32 v1, v63;
	(pc) =	sbr.rel @p1 .LBB2_10-.Ltmp5, $4  }
0x124: {  	[tilespmem:s0+$0x8CC0] =	vst v2;
	v2 =	vmax.f32 v4, $0.0e+00  }
0x125: {  	[tilespmem:s0+$0x8CD0] =	vst v2;
	v1 =	vmax.f32 v1, $0.0e+00  }
0x126: {  	[tilespmem:s0+$0x8CE0] =	vst v1  }
0x127: {  	[spmem:s3] =	stream.indirect.scatter.add.f32 [tilespmem:s24], [sflag:$0x6], $0x80, s18, s13, $0xb8;
	[tilespmem:$0x1E080] =	vst v63  }
0x128: {  	s0 =	sadd.s32 $0x3, s31  }
0x129: {  	s2 =	smul.u32 $0x28, s0;
	_ =	sdelay $0x1  }
0x12a: {  	[tilespmem:s16], [sflag:$0x2] =	stream.indirect.gather [hbm4b:s1+s13], $0x80, s2, s13, $0xb8;
	[tilespmem:$0x1E080] =	vst v63  }
0x12b: {  	s2 =	sadd.s32 s5, s2  }
0x12c: {  	s30 =	sshll.u32 s30, $0x7;
	s2 =	sshll.u32 s2, $0x4  }
0x12d: {  	s8 =	sand.u32 $0xFC00, s30;
	s2 =	sadd.s32 s6, s2  }
0x12e: {  	[tilespmem:s17], [sflag:$0x4] =	stream.linear.gather [hbm4b:s2+s4], $0x1400, $0x38;
	[tilespmem:$0x1E080] =	vst v63  }
0x12f: {  	s8 =	sadd.s32 s10, s8;
	s2 =	sand.u32 $0x300, s30  }
0x130: {  	_ =	swait.ge [sflag:s25], $0x1400;
	s2 =	sor.u32 s2, s8  }
0x131: {  	s0 =	sshll.u32 s0, $0x7;
	[sflag:s25] =	ssyncset.done $0x0;
	s2 =	sshrl.u32 s2, $0x3  }
0x132: {  	s31 =	sand.u32 $0xFC00, s0;
	[sflag:s25] =	ssyncadd.s32 $0xFFFFEC00;
	s2 =	sadd.s32 s7, s2  }
0x133: {  	[tilespmem:s14], [sflag:$0x7] =	stream.linear.gather [hbm4b:s2+s4], $0x80, $0x38;
	[tilespmem:$0x1E080] =	vst v63  }
.Ltmp6:
0x134: {  	s0 =	sand.u32 $0x380, s0;
	s2 =	sadd.s32 s10, s31;
	(pc) =	sbr.rel .LBB2_4-.Ltmp6, $4  }
0x135: {  	_ =	swait.ge [sflag:s26], $0x1400;
	s0 =	sor.u32 s0, s2  }
0x136: {  	[sflag:s26] =	ssyncset.done $0x0;
	s0 =	sshrl.u32 s0, $0x3  }
0x137: {  	s29 =	sadd.s32 $0x1, s29;
	[sflag:s26] =	ssyncadd.s32 $0xFFFFEC00;
	s0 =	sadd.s32 s7, s0  }
0x138: {  	[tilespmem:s18], [sflag:$0x8] =	stream.linear.gather [hbm4b:s0+s4], $0x80, $0x38;
	[tilespmem:$0x1E080] =	vst v63  }
.LBB2_11:
0x139: {  	_ =	sfence.sel $0x180000  }
0x13a: {  	[bflag:$0x0] =	sbarrier.arrive $0xFFFF  }
0x13b: {  	_ =	strace $0x9000004A  }
0x13c: {  	s0 =	stileid.u32;
	[bflag:$0x2] =	sbarrier.arrive $0xFFFF  }
0x13d: {  	p0 =	sne.s32 s0, $0x0;
	s0 =	rddreg [dreg:$0x3]  }
0x13e: {  	s0 =	sadd.s32 @!p0 $0x100000, s0  }
0x13f: {  	[sflag:s0] =	ssyncadd.tile.s32 @!p0 $0x1;
	_ =	shalt  }
.Lfunc_end2:
_tile_overlayer_lowered:
.L_overlay_start_2:
0x140: {  	(tag) =	ssettag $0x2  }
0x141: {  	s0 =	rddreg [dreg:$0x0];
	s2 =	stileid.u32  }
0x142: {  	s1 =	rddreg [dreg:$0x1];
	p0 =	sne.s32 s2, $0x0  }
0x143: {  	s3 =	rddreg [dreg:$0x2];
	[bflag:$0x3] =	sbarrier.arrive $0xFFFF;
	s2 =	simm.s32 @!p0 $0x1C09  }
0x144: {  	[timem:s3], [sflag:s2] =	dma.local @!p0 [hbm:s0], s1  }
0x145: {  	s0 =	simm.s32 @!p0 $0x9  }
0x146: {  	_ =	swait.ge @!p0 [sflag:s0], s1  }
0x147: {  	s1 =	ssub.s32 @!p0 $0x0, s1;
	[sflag:s0] =	ssyncset.done @!p0 $0x0  }
0x148: {  	[sflag:s0] =	ssyncadd.s32 @!p0 s1  }
0x149: {  	[bflag:$0x3] =	sbarrier.arrive $0xFFFF  }
0x14a: {  	_ =	shalt  }

// kernel: kernel.17.cloned.1.call-start
scs
__scs_entry_jumppad:
0x0: {  	(pc) =	sbr.rel $0x88, $3  }
0x1: {  	(tag) =	ssettag $0x0;
	lr =	simm.s32 $0x1  }
0x2: {  	[smem:$0x3F96] =	sst lr;
	_ =	strace $0xD0000000  }
0x3: {  	_ = 	snop  }
0x4: {  	_ = 	snop  }
0x5: {  	_ = 	snop  }
0x6: {  	_ = 	snop  }
0x7: {  	_ = 	snop  }
__scs_overlays_trampoline_lowered:
0x8: {  	[smem:$0x3FA5] =	sst s0  }
0x9: {  	[smem:$0x3FA6] =	sst s1  }
0xa: {  	[smem:$0x3FA7] =	sst s2  }
0xb: {  	[smem:$0x3FA8] =	sst s3  }
0xc: {  	[smem:$0x3FA9] =	sst s4  }
0xd: {  	[smem:$0x3FAA] =	sst s5  }
0xe: {  	[smem:$0x3FAB] =	sst s6  }
0xf: {  	[smem:$0x3FAC] =	sst s7  }
0x10: {  	[smem:$0x3FAD] =	sst s8  }
0x11: {  	[smem:$0x3FAE] =	sst s9;
	s0 =	simm.s32 @!p0 $0x0  }
0x12: {  	s1 =	sld [smem:$0x3F94];
	s0 =	simm.s32 @p0 $0x1  }
0x13: {  	[smem:$0x3FAF] =	sst s0;
	s0 =	simm.s32 @!p1 $0x0  }
0x14: {  	s2 =	sld [smem:$0x3F93];
	s0 =	simm.s32 @p1 $0x1  }
0x15: {  	[smem:$0x3FB0] =	sst s0;
	s0 =	simm.s32 @!p2 $0x0  }
0x16: {  	s3 =	sld [smem:$0x3FDB];
	s0 =	simm.s32 @p2 $0x1  }
0x17: {  	s4 =	simm.s32 $0x1BF5;
	[smem:$0x3FB2] =	sst s0  }
0x18: {  	s0 =	sld [smem:$0x3F95];
	_ =	swait.ge [sflag:s4], $0x0  }
0x19: {  	s7 =	sld [smem:$0x3F96]  }
0x1a: {  	s8 =	sadd.s32 $0xFFFFE003, lr  }
0x1b: {  	s9 =	sadd.s32 $0xFFFFFEF7, lr;
	s5 =	simm.s32 $0xFFFFFFFF;
	p2 =	slt.u32 s8, $0xFFFFF086  }
0x1c: {  	p1 =	slt.u32 s9, $0xF7A;
	s5 =	simm.s32 @!p2 $0x0  }
0x1d: {  	s5 =	simm.s32 @p1 $0x1;
	p0 =	seq.s32 s7, s2  }
0x1e: {  	s7 =	smul.u32 @!p0 $0xF7A, s2;
	p2 =	seq.s32 @!p0 s5, $0x0  }
0x1f: {  	s9 =	smul.u32 $0xF7A, s1;
	s8 =	simm.s32 @!p0 $0x1BF5;
	p2 =	por !p2, p0  }
0x20: {  	[sflag:s8] =	ssyncset.s32 @!p0 $0xFFFFF086;
	s6 =	sadd.s32 @!p0 s3, s7;
	s7 =	simm.s32 @!p0 $0x108  }
0x21: {  	s3 =	sadd.s32 s3, s9;
	s6 =	sadd.s32 @!p0 $0x88, s6;
	s7 =	simm.s32 @p2 $0x1082  }
0x22: {  	[simem:s7], [sflag:s8] =	dma.local @!p0 [hbm:s6], $0xF7A  }
0x23: {  	s9 =	sor.u32 $0xD0000000, s2;
	s6 =	simm.s32 $0x108;
	_ =	swait.ge @!p0 [sflag:s8], $0x0  }
0x24: {  	s3 =	sadd.s32 $0x88, s3;
	s6 =	simm.s32 @!p1 $0x1082;
	[sflag:s4] =	ssyncset.s32 $0xFFFFF086  }
0x25: {  	[simem:s6], [sflag:s4] =	dma.local [hbm:s3], $0xF7A  }
0x26: {  	[smem:$0x3F96] =	sst s1;
	(tag) =	ssettag s2;
	_ =	strace s9  }
0x27: {  	s1 =	sld [smem:$0x3FA6]  }
0x28: {  	s2 =	sld [smem:$0x3FA7]  }
0x29: {  	s4 =	sld [smem:$0x3FA9]  }
0x2a: {  	p0 =	seq.s32 s5, $0x0;
	s5 =	sld [smem:$0x3FAA]  }
0x2b: {  	s6 =	sld [smem:$0x3FAB]  }
0x2c: {  	s7 =	sld [smem:$0x3FAC]  }
0x2d: {  	s3 =	simm.s32 $0x108;
	s8 =	sld [smem:$0x3FAD]  }
0x2e: {  	s3 =	simm.s32 @!p0 $0x1082;
	s9 =	sld [smem:$0x3FAE]  }
0x2f: {  	lr =	sadd.s32 s0, s3;
	s0 =	sld [smem:$0x3FA5]  }
0x30: {  	s3 =	sld [smem:$0x3FA8]  }
0x31: {  	[smem:$0x3FB1] =	sst s10  }
0x32: {  	s10 =	sld [smem:$0x3FAF];
	_ =	sdelay $0x3  }
0x33: {  	p0 =	seq.s32 s10, $0x1;
	s10 =	sld [smem:$0x3FB1];
	_ =	sdelay $0x3  }
0x34: {  	[smem:$0x3FB1] =	sst s10  }
0x35: {  	s10 =	sld [smem:$0x3FB0];
	_ =	sdelay $0x3  }
0x36: {  	p1 =	seq.s32 s10, $0x1;
	s10 =	sld [smem:$0x3FB1];
	_ =	sdelay $0x3  }
0x37: {  	[smem:$0x3FB1] =	sst s10  }
0x38: {  	s10 =	sld [smem:$0x3FB2]  }
0x39: {  	_ = 	snop;
	(pc) =	sbr.ind lr, $3  }
0x3a: {  	_ = 	snop  }
0x3b: {  	_ = 	snop  }
0x3c: {  	p2 =	seq.s32 s10, $0x1;
	s10 =	sld [smem:$0x3FB1]  }
0x3d: {  	_ =	shalt  }
0x3e: {  	_ =	shalt  }
0x3f: {  	_ =	shalt  }
0x40: {  	_ =	shalt  }
0x41: {  	_ =	shalt  }
0x42: {  	_ =	shalt  }
0x43: {  	_ =	shalt  }
0x44: {  	_ =	shalt  }
0x45: {  	_ =	shalt  }
0x46: {  	_ =	shalt  }
0x47: {  	_ =	shalt  }
0x48: {  	_ =	shalt  }
0x49: {  	_ =	shalt  }
0x4a: {  	_ =	shalt  }
0x4b: {  	_ =	shalt  }
0x4c: {  	_ =	shalt  }
0x4d: {  	_ =	shalt  }
0x4e: {  	_ =	shalt  }
0x4f: {  	_ =	shalt  }
0x50: {  	_ =	shalt  }
0x51: {  	_ =	shalt  }
0x52: {  	_ =	shalt  }
0x53: {  	_ =	shalt  }
0x54: {  	_ =	shalt  }
0x55: {  	_ =	shalt  }
0x56: {  	_ =	shalt  }
0x57: {  	_ =	shalt  }
0x58: {  	_ =	shalt  }
0x59: {  	_ =	shalt  }
0x5a: {  	_ =	shalt  }
0x5b: {  	_ =	shalt  }
0x5c: {  	_ =	shalt  }
0x5d: {  	_ =	shalt  }
0x5e: {  	_ =	shalt  }
0x5f: {  	_ =	shalt  }
0x60: {  	_ =	shalt  }
0x61: {  	_ =	shalt  }
0x62: {  	_ =	shalt  }
0x63: {  	_ =	shalt  }
0x64: {  	_ =	shalt  }
0x65: {  	_ =	shalt  }
0x66: {  	_ =	shalt  }
0x67: {  	_ =	shalt  }
0x68: {  	_ =	shalt  }
0x69: {  	_ =	shalt  }
0x6a: {  	_ =	shalt  }
0x6b: {  	_ =	shalt  }
0x6c: {  	_ =	shalt  }
0x6d: {  	_ =	shalt  }
0x6e: {  	_ =	shalt  }
0x6f: {  	_ =	shalt  }
0x70: {  	_ =	shalt  }
0x71: {  	_ =	shalt  }
0x72: {  	_ =	shalt  }
0x73: {  	_ =	shalt  }
0x74: {  	_ =	shalt  }
0x75: {  	_ =	shalt  }
0x76: {  	_ =	shalt  }
0x77: {  	_ =	shalt  }
0x78: {  	_ =	shalt  }
0x79: {  	_ =	shalt  }
0x7a: {  	_ =	shalt  }
0x7b: {  	_ =	shalt  }
0x7c: {  	_ =	shalt  }
0x7d: {  	_ =	shalt  }
0x7e: {  	_ =	shalt  }
0x7f: {  	_ =	shalt  }
0x80: {  	_ =	shalt  }
0x81: {  	_ =	shalt  }
0x82: {  	_ =	shalt  }
0x83: {  	_ =	shalt  }
0x84: {  	_ =	shalt  }
0x85: {  	_ =	shalt  }
0x86: {  	_ =	shalt  }
0x87: {  	_ =	shalt  }
.Lfunc_end0:
.L_simem_size_0:
called_computation.2_lowered:
.L_overlay_start_0:
0x88: {  	s2 =	sld [smem:$0x3FD9]  }
0x89: {  	s3 =	sld [smem:$0x3FFE];
	_ =	sdelay $0x1  }
0x8a: {  	s1 =	srdreg.scid  }
0x8b: {  	s0 =	sand.u32 $0x1, s1  }
0x8c: {  	s17 =	sshll.u32 s0, $0xA;
	s2 =	sadd.s32 s3, s2  }
0x8d: {  	s2 =	sadd.s32 s2, s17  }
0x8e: {  	[smem:$0x3FBD] =	sst s2  }
0x8f: {  	_ = 	snop  }
0x90: {  	s2 =	sld [smem:$0x3FD0];
	(tm) =	ssettm $0x1  }
0x91: {  	s18 =	sld [smem:$0x3FFB];
	_ =	sdelay $0x3  }
0x92: {  	_ =	strace s18  }
0x93: {  	s3 =	sld [smem:$0x3FFC];
	_ =	sdelay $0x3  }
0x94: {  	_ =	strace s3  }
0x95: {  	s3 =	sld [smem:$0x3FFD];
	_ =	sdelay $0x3  }
0x96: {  	_ =	strace s3  }
0x97: {  	_ =	strace $0x8FFFFFFF  }
0x98: {  	s19 =	sld [smem:$0x3FDB];
	_ =	sdelay $0x1  }
0x99: {  	s4 =	simm.s32 $_scs_section_size  }
0x9a: {  	s5 =	simm.s32 $_size__tile_overlayer_lowered;
	s6 =	simm.s32 $_tile_overlayer_lowered  }
0x9b: {  	s22 =	simm.s32 $0x1BFF;
	s21 =	sshll.u32 s6, $0x1;
	s3 =	sadd.s32 s4, s19  }
0x9c: {  	s7 =	simm.s32 $0x0;
	s20 =	sshll.u32 s5, $0x1;
	s5 =	sadd.s32 s21, s3  }
0x9d: {  	[timem:s7], [sflag:s22] =	dma.local [hbm:s5], s20  }
0x9e: {  	_ =	swait.ge [sflag:s22], s20  }
0x9f: {  	s4 =	ssub.s32 $0x0, s20;
	[sflag:s22] =	ssyncset.done $0x0  }
0xa0: {  	[sflag:s22] =	ssyncadd.s32 s4;
	_ =	sdelay $0x1  }
0xa1: {  	s23 =	simm.s32 $0x1B8B  }
0xa2: {  	_ =	swait.ge [sflag:s23], $0x1  }
0xa3: {  	[sflag:s23] =	ssyncset.done $0x0  }
0xa4: {  	s25 =	simm.s32 $0x1B8E;
	s24 =	sld [smem:$0x3FFE];
	[sflag:s23] =	ssyncadd.s32 $0xFFFFFFFF  }
0xa5: {  	s26 =	simm.s32 $execute0_lowered;
	[smem:$0x3FD2] =	sst s25  }
0xa6: {  	s5 =	sshll.u32 s26, $0x1;
	_ =	strace $0x8000004C;
	[dreg:$0x1] =	wrdreg $0xFFFFFFFF  }
0xa7: {  	s28 =	simm.s32 $_size_execute0_lowered;
	s3 =	sadd.s32 s3, s5;
	[dreg:$0x0] =	wrdreg $0x0  }
0xa8: {  	s5 =	sshll.u32 s28, $0x1;
	[dreg:$0x2] =	wrdreg s3  }
0xa9: {  	[dreg:$0x3] =	wrdreg s5  }
0xaa: {  	[dreg:$0x4] =	wrdreg $0xC0  }
0xab: {  	_ =	task [dreg:s7], $0x5FFFF  }
0xac: {  	[dreg:$0x1] =	wrdreg $0xFFFFFFFF  }
0xad: {  	[dreg:$0x0] =	wrdreg $0x60  }
0xae: {  	[dreg:$0x2] =	wrdreg s2  }
0xaf: {  	[dreg:$0x3] =	wrdreg s24  }
0xb0: {  	[dreg:$0x4] =	wrdreg $0xA0800  }
0xb1: {  	[dreg:$0x5] =	wrdreg $0x9  }
0xb2: {  	_ =	task.clear_ibuf [dreg:s7], $0x6FFFF;
	_ =	strace $0x9000004C  }
0xb3: {  	s29 =	simm.s32 $0x9;
	_ =	strace $0x8000004E  }
0xb4: {  	_ =	swait.ge [sflag:s29], $0x1  }
0xb5: {  	[sflag:s29] =	ssyncadd.s32 $0xFFFFFFFF  }
0xb6: {  	_ =	strace $0x9000004E  }
0xb7: {  	_ =	sfence  }
0xb8: {  	s30 =	sld [smem:$0x0];
	_ =	sdelay $0x2  }
0xb9: {  	s31 =	sshll.u32 s1, $0xD;
	s1 =	sshrl.u32 s1, $0x2  }
0xba: {  	s3 =	sand.u32 $0x4000, s31;
	s1 =	sadd.s32 s1, s30  }
0xbb: {  	s0 =	sor.u32 s3, s0;
	s1 =	sshll.u32 s1, $0x11  }
0xbc: {  	s0 =	sor.u32 s1, s0  }
0xbd: {  	s0 =	sadd.s32 $0x8F2B, s0  }
0xbe: {  	[sflag:s0] =	ssyncadd.remote.s32 $0x1  }
0xbf: {  	_ =	sfence.sel $0xFFFF  }
0xc0: {  	[dreg:$0x0] =	wrdreg $0xFFFFFFFF;
	(pc) =	sbr.abs _section_cstart, $3  }
0xc1: {  	[dreg:$0x1] =	wrdreg $0xFFFFFFFF  }
0xc2: {  	_ =	task.clear_ibuf [dreg:s7], $0x2FFFF;
	_ =	strace $0x9FFFFFFF  }
0xc3: {  	(tm) =	ssettm $0x7FFFFFFF  }
tec
execute0_lowered:
.L_overlay_start_1:
0x0: {  	(tag) =	ssettag $0x1  }
0x1: {  	s0 =	srdreg.scid  }
0x2: {  	s1 =	rddreg [dreg:$0x0];
	s13 =	stileid.u32  }
0x3: {  	s2 =	rddreg [dreg:$0x1];
	s0 =	sand.u32 $0x1, s0;
	s25 =	smul.u32 $0x14000, s13  }
0x4: {  	s3 =	rddreg [dreg:$0x2];
	s29 =	smul.u32 $0x50000, s13;
	s4 =	sshll.u32 s0, $0x4  }
0x5: {  	s10 =	ssub.s32 $0x2, s0;
	s0 =	smul.u32 $0x138800, s0;
	s8 =	sor.u32 s13, s4  }
0x6: {  	s6 =	sadd.s32 $0x55C400, s2;
	p0 =	seq.s32 s13, $0xF;
	s5 =	smul.u32 $0x2710, s8  }
0x7: {  	s4 =	simm.s32 $0x0;
	s11 =	sshrl.u32 s10, $0x1;
	s12 =	smul.u32 $0x27100, s8  }
0x8: {  	[smem:$0x7FF] =	sst s4;
	s11 =	ssub.s32 s10, s11;
	s23 =	smul.u32 $0x138800, s8  }
0x9: {  	s10 =	sshll.u32 s8, $0xF;
	s8 =	sshll.u32 s8, $0xC;
	s31 =	sadd.s32 s25, s0  }
0xa: {  	s0 =	sshrl.u32 s0, $0x3;
	_ =	strace $0x8000004D;
	s7 =	sshrl.u32 s5, $0x3  }
0xb: {  	s24 =	sadd.s32 s6, s12;
	s12 =	smax.u32 s11, $0x1;
	s9 =	sadd.s32 s7, s2  }
0xc: {  	s7 =	sadd.s32 $0xC200, s2;
	s2 =	sadd.s32 $0x2C200, s2;
	[dreg:$0x5] =	wrdreg s24  }
0xd: {  	[dreg:$0xb] =	wrdreg s12;
	s9 =	sadd.s32 $0x2400, s9;
	s14 =	sadd.s32 s7, s8  }
0xe: {  	s0 =	sadd.s32 s2, s0;
	[dreg:$0x4] =	wrdreg s9;
	s9 =	sshrl.u32 s23, $0x3  }
0xf: {  	[dreg:$0x6] =	wrdreg s14;
	s30 =	sadd.s32 $0x10, s14;
	s0 =	sadd.s32 $0x25800, s0  }
0x10: {  	s26 =	sadd.s32 s6, s9;
	[dreg:$0x8] =	wrdreg s30;
	s9 =	sshrl.u32 s29, $0x2  }
0x11: {  	[dreg:$0xa] =	wrdreg s0;
	s0 =	sadd.s32 $0x12C000, s3;
	s8 =	sadd.s32 $0x280, s26  }
0x12: {  	s15 =	sadd.s32 s9, s3;
	s0 =	sshrl.u32 @p0 s0, $0x3;
	[dreg:$0x7] =	wrdreg s8  }
0x13: {  	s14 =	sadd.s32 $0x1400, s15;
	[dreg:$0x13] =	wrdreg s0  }
0x14: {  	s16 =	sadd.s32 $0x2800, s15;
	[dreg:$0xc] =	wrdreg s14  }
0x15: {  	s17 =	sadd.s32 $0x3C00, s15;
	[dreg:$0xd] =	wrdreg s16  }
0x16: {  	s18 =	sadd.s32 $0x5000, s15;
	[dreg:$0xe] =	wrdreg s17  }
0x17: {  	s19 =	sadd.s32 $0x6400, s15;
	[dreg:$0xf] =	wrdreg s18  }
0x18: {  	s20 =	sadd.s32 $0x7800, s15;
	[dreg:$0x10] =	wrdreg s19  }
0x19: {  	s21 =	sadd.s32 $0x8C00, s15;
	[dreg:$0x11] =	wrdreg s20  }
0x1a: {  	s22 =	sadd.s32 $0xA000, s15;
	[dreg:$0x12] =	wrdreg s21  }
0x1b: {  	s28 =	simm.s32 $0x0;
	s23 =	sadd.s32 $0xB400, s15;
	[dreg:$0x14] =	wrdreg s22  }
0x1c: {  	s13 =	simm.s32 $0x28;
	s24 =	sadd.s32 $0xC800, s15;
	[dreg:$0x15] =	wrdreg s23  }
0x1d: {  	s11 =	simm.s32 $0x3;
	s25 =	sadd.s32 $0xDC00, s15;
	[dreg:$0x16] =	wrdreg s24  }
0x1e: {  	s12 =	simm.s32 $0x7880;
	s26 =	sadd.s32 $0xF000, s15;
	[dreg:$0x17] =	wrdreg s25  }
0x1f: {  	s9 =	simm.s32 $0x9;
	s29 =	sadd.s32 $0x10400, s15;
	[dreg:$0x18] =	wrdreg s26  }
0x20: {  	s8 =	sshrl.u32 s31, $0x3;
	s30 =	sadd.s32 $0x11800, s15;
	[dreg:$0x19] =	wrdreg s29  }
0x21: {  	s31 =	sadd.s32 $0x12C00, s15;
	s8 =	sadd.s32 s2, s8;
	[dreg:$0x1a] =	wrdreg s30  }
.Ltmp0:
0x22: {  	[dreg:$0x1b] =	wrdreg s31;
	s14 =	simm.s32 $0x2780;
	(pc) =	sbr.rel .LBB2_1-.Ltmp0, $4  }
0x23: {  	s16 =	simm.s32 $0x3C80;
	s17 =	simm.s32 $0x6480;
	s18 =	simm.s32 $0x2800  }
0x24: {  	s19 =	simm.s32 $0x1;
	s20 =	simm.s32 $0x7;
	s21 =	simm.s32 $0x2  }
0x25: {  	s22 =	simm.s32 $0x4;
	s23 =	simm.s32 $0x8;
	s24 =	simm.s32 $0x8C80  }
0x26: {  	v0 =	vimm.f32 $0.0e+00;
	s25 =	simm.s32 $0x5;
	s26 =	simm.s32 $0x6;
	[dreg:$0x9] =	wrdreg s8  }
.LBB2_10:
0x27: {  	_ =	swait.ge [sflag:s25], $0x1400  }
0x28: {  	[sflag:s25] =	ssyncset.done $0x0  }
0x29: {  	[sflag:s25] =	ssyncadd.s32 $0xFFFFEC00  }
0x2a: {  	_ =	swait.ge [sflag:s26], $0x1400  }
0x2b: {  	[sflag:s26] =	ssyncset.done $0x0  }
0x2c: {  	[sflag:s26] =	ssyncadd.s32 $0xFFFFEC00  }
0x2d: {  	[bflag:$0x0] =	sbarrier.arrive $0xFFFF  }
0x2e: {  	s2 =	rddreg [dreg:$0xa]  }
0x2f: {  	s0 =	simm.s32 @p0 $0x1FC9;
	s8 =	rddreg [dreg:$0x13]  }
0x30: {  	[hbm:s2], [sflag:s0] =	dma.local @p0 [spmem:s8], $0x1900  }
0x31: {  	s0 =	simm.s32 @p0 $0x9  }
0x32: {  	s2 =	stileid.u32;
	_ =	swait.ge @p0 [sflag:s0], $0x1900  }
0x33: {  	s2 =	sshll.u32 @!p0 s2, $0x6;
	[sflag:s0] =	ssyncset.done @p0 $0x0;
	s8 =	rddreg [dreg:$0x9]  }
0x34: {  	[sflag:s0] =	ssyncadd.s32 @p0 $0xFFFFE700;
	s0 =	sor.u32 @!p0 $0x1C09, s2;
	s2 =	sshrl.u32 @!p0 s15, $0x3  }
0x35: {  	[hbm:s8], [sflag:s0] =	dma.local @!p0 [spmem:s2], $0x2800  }
0x36: {  	s0 =	simm.s32 @!p0 $0x9  }
0x37: {  	_ =	swait.ge @!p0 [sflag:s0], $0x2800  }
0x38: {  	s28 =	sadd.s32 $0x1, s28;
	s31 =	rddreg [dreg:$0xb]  }
0x39: {  	p1 =	sne.s32 s28, s31  }
.Ltmp1:
0x3a: {  	_ = 	snop;
	(pc) =	sbr.rel @!p1 .LBB2_11-.Ltmp1, $3  }
0x3b: {  	_ =	sdelay $0x1  }
0x3c: {  	[sflag:s0] =	ssyncset.done @!p0 $0x0  }
0x3d: {  	[sflag:s0] =	ssyncadd.s32 @!p0 $0xFFFFD800  }
.LBB2_1:
0x3e: {  	s0 =	rddreg [dreg:$0x4]  }
0x3f: {  	[tilespmem:s4], [sflag:$0x9] =	stream.linear.gather [hbm4b:s0+s4], $0x2710, $0x38;
	[tilespmem:$0x1E080] =	vst v63  }
0x40: {  	_ =	swait.ge [sflag:s9], $0x2710  }
0x41: {  	[sflag:s9] =	ssyncset.done $0x0  }
0x42: {  	s2 =	simm.s32 $0x200;
	s0 =	simm.s32 $0x0;
	[sflag:s9] =	ssyncadd.s32 $0xFFFFD8F0  }
.LBB2_2:
0x43: {  	p1 =	sne.s32 s2, $0x4E00;
	[tilespmem:s0+$0x78F0] =	vst v0  }
0x44: {  	[tilespmem:s0+$0x7880] =	vst v0  }
0x45: {  	[tilespmem:s0+$0x7890] =	vst v0  }
.Ltmp2:
0x46: {  	[tilespmem:s0+$0x78A0] =	vst v0;
	(pc) =	sbr.rel @p1 .LBB2_2-.Ltmp2, $4  }
0x47: {  	[tilespmem:s0+$0x78B0] =	vst v0  }
0x48: {  	[tilespmem:s0+$0x78C0] =	vst v0  }
0x49: {  	[tilespmem:s0+$0x78D0] =	vst v0  }
0x4a: {  	[tilespmem:s0+$0x78E0] =	vst v0;
	s0 =	sshra.s32 s2, $0x2;
	s2 =	sadd.s32 $0x200, s2  }
0x4b: {  	[tilespmem:s0+$0x78F0] =	vst v0  }
0x4c: {  	[tilespmem:s0+$0x7880] =	vst v0  }
0x4d: {  	[tilespmem:s0+$0x7890] =	vst v0  }
0x4e: {  	[tilespmem:s0+$0x78A0] =	vst v0  }
0x4f: {  	[tilespmem:s0+$0x78B0] =	vst v0  }
0x50: {  	[tilespmem:s0+$0x78C0] =	vst v0  }
0x51: {  	[tilespmem:s0+$0x78D0] =	vst v0  }
0x52: {  	[tilespmem:s0+$0x78E0] =	vst v0  }
0x53: {  	[spmem:s15] =	stream.linear.scatter [tilespmem:s12], [sflag:$0x9], $0x1400, $0x38;
	[tilespmem:$0x1E080] =	vst v63  }
0x54: {  	_ =	swait.ge [sflag:s9], $0x1400  }
0x55: {  	[sflag:s9] =	ssyncset.done $0x0  }
0x56: {  	s31 =	rddreg [dreg:$0xc];
	[sflag:s9] =	ssyncadd.s32 $0xFFFFEC00  }
0x57: {  	[spmem:s31] =	stream.linear.scatter [tilespmem:s12], [sflag:$0x9], $0x1400, $0x38;
	[tilespmem:$0x1E080] =	vst v63  }
0x58: {  	_ =	swait.ge [sflag:s9], $0x1400  }
0x59: {  	[sflag:s9] =	ssyncset.done $0x0  }
0x5a: {  	s2 =	rddreg [dreg:$0xd];
	[sflag:s9] =	ssyncadd.s32 $0xFFFFEC00  }
0x5b: {  	[spmem:s2] =	stream.linear.scatter [tilespmem:s12], [sflag:$0x9], $0x1400, $0x38;
	[tilespmem:$0x1E080] =	vst v63  }
0x5c: {  	_ =	swait.ge [sflag:s9], $0x1400  }
0x5d: {  	[sflag:s9] =	ssyncset.done $0x0  }
0x5e: {  	s8 =	rddreg [dreg:$0xe];
	[sflag:s9] =	ssyncadd.s32 $0xFFFFEC00  }
0x5f: {  	[spmem:s8] =	stream.linear.scatter [tilespmem:s12], [sflag:$0x9], $0x1400, $0x38;
	[tilespmem:$0x1E080] =	vst v63  }
0x60: {  	_ =	swait.ge [sflag:s9], $0x1400  }
0x61: {  	[sflag:s9] =	ssyncset.done $0x0  }
0x62: {  	s30 =	rddreg [dreg:$0xf];
	[sflag:s9] =	ssyncadd.s32 $0xFFFFEC00  }
0x63: {  	[spmem:s30] =	stream.linear.scatter [tilespmem:s12], [sflag:$0x9], $0x1400, $0x38;
	[tilespmem:$0x1E080] =	vst v63  }
0x64: {  	_ =	swait.ge [sflag:s9], $0x1400  }
0x65: {  	[sflag:s9] =	ssyncset.done $0x0  }
0x66: {  	s31 =	rddreg [dreg:$0x10];
	[sflag:s9] =	ssyncadd.s32 $0xFFFFEC00  }
0x67: {  	[spmem:s31] =	stream.linear.scatter [tilespmem:s12], [sflag:$0x9], $0x1400, $0x38;
	[tilespmem:$0x1E080] =	vst v63  }
0x68: {  	_ =	swait.ge [sflag:s9], $0x1400  }
0x69: {  	[sflag:s9] =	ssyncset.done $0x0  }
0x6a: {  	s2 =	rddreg [dreg:$0x11];
	[sflag:s9] =	ssyncadd.s32 $0xFFFFEC00  }
0x6b: {  	[spmem:s2] =	stream.linear.scatter [tilespmem:s12], [sflag:$0x9], $0x1400, $0x38;
	[tilespmem:$0x1E080] =	vst v63  }
0x6c: {  	_ =	swait.ge [sflag:s9], $0x1400  }
0x6d: {  	[sflag:s9] =	ssyncset.done $0x0  }
0x6e: {  	s8 =	rddreg [dreg:$0x12];
	[sflag:s9] =	ssyncadd.s32 $0xFFFFEC00  }
0x6f: {  	[spmem:s8] =	stream.linear.scatter [tilespmem:s12], [sflag:$0x9], $0x1400, $0x38;
	[tilespmem:$0x1E080] =	vst v63  }
0x70: {  	_ =	swait.ge [sflag:s9], $0x1400  }
0x71: {  	[sflag:s9] =	ssyncset.done $0x0  }
0x72: {  	s30 =	rddreg [dreg:$0x14];
	[sflag:s9] =	ssyncadd.s32 $0xFFFFEC00  }
0x73: {  	[spmem:s30] =	stream.linear.scatter [tilespmem:s12], [sflag:$0x9], $0x1400, $0x38;
	[tilespmem:$0x1E080] =	vst v63  }
0x74: {  	_ =	swait.ge [sflag:s9], $0x1400  }
0x75: {  	[sflag:s9] =	ssyncset.done $0x0  }
0x76: {  	s31 =	rddreg [dreg:$0x15];
	[sflag:s9] =	ssyncadd.s32 $0xFFFFEC00  }
0x77: {  	[spmem:s31] =	stream.linear.scatter [tilespmem:s12], [sflag:$0x9], $0x1400, $0x38;
	[tilespmem:$0x1E080] =	vst v63  }
0x78: {  	_ =	swait.ge [sflag:s9], $0x1400  }
0x79: {  	[sflag:s9] =	ssyncset.done $0x0  }
0x7a: {  	s2 =	rddreg [dreg:$0x16];
	[sflag:s9] =	ssyncadd.s32 $0xFFFFEC00  }
0x7b: {  	[spmem:s2] =	stream.linear.scatter [tilespmem:s12], [sflag:$0x9], $0x1400, $0x38;
	[tilespmem:$0x1E080] =	vst v63  }
0x7c: {  	_ =	swait.ge [sflag:s9], $0x1400  }
0x7d: {  	[sflag:s9] =	ssyncset.done $0x0  }
0x7e: {  	s8 =	rddreg [dreg:$0x17];
	[sflag:s9] =	ssyncadd.s32 $0xFFFFEC00  }
0x7f: {  	[spmem:s8] =	stream.linear.scatter [tilespmem:s12], [sflag:$0x9], $0x1400, $0x38;
	[tilespmem:$0x1E080] =	vst v63  }
0x80: {  	_ =	swait.ge [sflag:s9], $0x1400  }
0x81: {  	[sflag:s9] =	ssyncset.done $0x0  }
0x82: {  	s30 =	rddreg [dreg:$0x18];
	[sflag:s9] =	ssyncadd.s32 $0xFFFFEC00  }
0x83: {  	[spmem:s30] =	stream.linear.scatter [tilespmem:s12], [sflag:$0x9], $0x1400, $0x38;
	[tilespmem:$0x1E080] =	vst v63  }
0x84: {  	_ =	swait.ge [sflag:s9], $0x1400  }
0x85: {  	[sflag:s9] =	ssyncset.done $0x0  }
0x86: {  	s31 =	rddreg [dreg:$0x19];
	[sflag:s9] =	ssyncadd.s32 $0xFFFFEC00  }
0x87: {  	[spmem:s31] =	stream.linear.scatter [tilespmem:s12], [sflag:$0x9], $0x1400, $0x38;
	[tilespmem:$0x1E080] =	vst v63  }
0x88: {  	_ =	swait.ge [sflag:s9], $0x1400  }
0x89: {  	[sflag:s9] =	ssyncset.done $0x0  }
0x8a: {  	s2 =	rddreg [dreg:$0x1a];
	[sflag:s9] =	ssyncadd.s32 $0xFFFFEC00  }
0x8b: {  	[spmem:s2] =	stream.linear.scatter [tilespmem:s12], [sflag:$0x9], $0x1400, $0x38;
	[tilespmem:$0x1E080] =	vst v63  }
0x8c: {  	_ =	swait.ge [sflag:s9], $0x1400  }
0x8d: {  	[sflag:s9] =	ssyncset.done $0x0  }
0x8e: {  	s8 =	rddreg [dreg:$0x1b];
	[sflag:s9] =	ssyncadd.s32 $0xFFFFEC00  }
0x8f: {  	[spmem:s8] =	stream.linear.scatter [tilespmem:s12], [sflag:$0x9], $0x1400, $0x38;
	[tilespmem:$0x1E080] =	vst v63  }
0x90: {  	_ =	swait.ge [sflag:s9], $0x1400  }
0x91: {  	[sflag:s9] =	ssyncset.done $0x0  }
0x92: {  	s29 =	simm.s32 $0x0;
	s30 =	simm.s32 $0x2880;
	[sflag:s9] =	ssyncadd.s32 $0xFFFFEC00  }
0x93: {  	[tilespmem:s30], [sflag:$0x1] =	stream.indirect.gather [hbm4b:s1+s13], $0x80, s29, s13, $0xb8;
	[tilespmem:$0x1E080] =	vst v63  }
0x94: {  	s2 =	simm.s32 $0x5080;
	s31 =	rddreg [dreg:$0x5]  }
0x95: {  	[tilespmem:s2], [sflag:$0x3] =	stream.linear.gather [hbm4b:s31+s29], $0x1400, $0x38;
	[tilespmem:$0x1E080] =	vst v63  }
0x96: {  	s8 =	rddreg [dreg:$0x6]  }
0x97: {  	[tilespmem:s14], [sflag:$0x7] =	stream.linear.gather [hbm4b:s8+s29], $0x80, $0x38;
	[tilespmem:$0x1E080] =	vst v63  }
0x98: {  	_ = 	snop  }
0x99: {  	[tilespmem:s16], [sflag:$0x2] =	stream.indirect.gather [hbm4b:s1+s13], $0x80, s13, s13, $0xb8;
	[tilespmem:$0x1E080] =	vst v63  }
0x9a: {  	s30 =	rddreg [dreg:$0x7]  }
0x9b: {  	[tilespmem:s17], [sflag:$0x4] =	stream.linear.gather [hbm4b:s30+s29], $0x1400, $0x38;
	[tilespmem:$0x1E080] =	vst v63  }
0x9c: {  	s31 =	rddreg [dreg:$0x8]  }
0x9d: {  	[tilespmem:s18], [sflag:$0x8] =	stream.linear.gather [hbm4b:s31+s29], $0x80, $0x38;
	[tilespmem:$0x1E080] =	vst v63  }
0x9e: {  	[bflag:$0x0] =	sbarrier.arrive $0xFFFF  }
.LBB2_4:
0x9f: {  	_ =	swait.ge [sflag:s19], $0x1400  }
0xa0: {  	[sflag:s19] =	ssyncset.done $0x0  }
0xa1: {  	[sflag:s19] =	ssyncadd.s32 $0xFFFFEC00  }
0xa2: {  	_ =	swait.ge [sflag:s11], $0x1400  }
0xa3: {  	[sflag:s11] =	ssyncset.done $0x0  }
0xa4: {  	[sflag:s11] =	ssyncadd.s32 $0xFFFFEC00  }
0xa5: {  	_ =	swait.ge [sflag:s20], $0x80  }
0xa6: {  	[sflag:s20] =	ssyncset.done $0x0  }
0xa7: {  	s30 =	simm.s32 $0x0;
	[sflag:s20] =	ssyncadd.s32 $0xFFFFFF80  }
0xa8: {  	v1 =	vld [tilespmem:s30+$0x50F0]  }
0xa9: {  	v2 =	vld [tilespmem:s30+$0x28F0]  }
0xaa: {  	v3 =	vld [tilespmem:s30+$0x5080]  }
0xab: {  	v4 =	vld [tilespmem:s30+$0x2880]  }
0xac: {  	v5 =	vld [tilespmem:s30+$0x5090]  }
0xad: {  	v6 =	vld [tilespmem:s30+$0x2890]  }
0xae: {  	v7 =	vld [tilespmem:s30+$0x50A0]  }
0xaf: {  	v1 =	vadd.f32 v2, v1;
	v2 =	vld [tilespmem:s30+$0x28A0]  }
0xb0: {  	v8 =	vld [tilespmem:s30+$0x50B0]  }
0xb1: {  	v9 =	vld [tilespmem:s30+$0x28B0];
	v3 =	vadd.f32 v4, v3  }
0xb2: {  	v10 =	vld [tilespmem:s30+$0x50C0];
	v1 =	vmax.f32 v1, $0.0e+00  }
0xb3: {  	[tilespmem:s30+$0x78F0] =	vst v1;
	v1 =	vmax.f32 v3, $0.0e+00;
	v3 =	vadd.f32 v6, v5;
	v6 =	vld [tilespmem:s30+$0x28C0]  }
0xb4: {  	v4 =	vld [tilespmem:s30+$0x28D0];
	v2 =	vadd.f32 v2, v7  }
0xb5: {  	[tilespmem:s30+$0x7880] =	vst v1;
	v1 =	vld [tilespmem:s30+$0x50D0];
	v3 =	vmax.f32 v3, $0.0e+00  }
0xb6: {  	v5 =	vld [tilespmem:s30+$0x28E0];
	v7 =	vadd.f32 v9, v8;
	[tilespmem:s30+$0x7890] =	vst v3;
	v3 =	vmax.f32 v2, $0.0e+00  }
0xb7: {  	s2 =	simm.s32 $0x80;
	v2 =	vld [tilespmem:s30+$0x50E0];
	[tilespmem:s30+$0x78A0] =	vst v3  }
0xb8: {  	s0 =	simm.s32 $0x400;
	v7 =	vmax.f32 v7, $0.0e+00;
	v6 =	vadd.f32 v6, v10;
	v3 =	vld [tilespmem:s2+$0x50F0]  }
.LBB2_5:
0xb9: {  	p1 =	sne.s32 s0, $0x4E00;
	v8 =	vld [tilespmem:s2+$0x28F0];
	[tilespmem:s30+$0x78B0] =	vst v7  }
0xba: {  	v7 =	vld [tilespmem:s2+$0x5080];
	v6 =	vmax.f32 v6, $0.0e+00;
	v1 =	vadd.f32 v4, v1  }
0xbb: {  	v4 =	vld [tilespmem:s2+$0x2880];
	[tilespmem:s30+$0x78C0] =	vst v6  }
0xbc: {  	v6 =	vld [tilespmem:s2+$0x5090];
	v1 =	vmax.f32 v1, $0.0e+00;
	v2 =	vadd.f32 v5, v2  }
0xbd: {  	v5 =	vld [tilespmem:s2+$0x2890];
	[tilespmem:s30+$0x78D0] =	vst v1  }
0xbe: {  	v1 =	vld [tilespmem:s2+$0x50A0];
	v3 =	vadd.f32 v8, v3;
	v2 =	vmax.f32 v2, $0.0e+00  }
0xbf: {  	v8 =	vld [tilespmem:s2+$0x28A0];
	[tilespmem:s30+$0x78E0] =	vst v2;
	s30 =	smov.u32 s2  }
0xc0: {  	v2 =	vadd.f32 v4, v7;
	v7 =	vld [tilespmem:s30+$0x50B0];
	v3 =	vmax.f32 v3, $0.0e+00  }
0xc1: {  	v9 =	vld [tilespmem:s30+$0x28B0];
	[tilespmem:s30+$0x78F0] =	vst v3  }
0xc2: {  	v2 =	vmax.f32 v2, $0.0e+00;
	v3 =	vadd.f32 v5, v6;
	v6 =	vld [tilespmem:s30+$0x50C0]  }
0xc3: {  	[tilespmem:s30+$0x7880] =	vst v2;
	v10 =	vld [tilespmem:s30+$0x28C0]  }
.Ltmp3:
0xc4: {  	v2 =	vmax.f32 v3, $0.0e+00;
	v3 =	vadd.f32 v8, v1;
	v1 =	vld [tilespmem:s30+$0x50D0];
	(pc) =	sbr.rel @p1 .LBB2_5-.Ltmp3, $4  }
0xc5: {  	[tilespmem:s30+$0x7890] =	vst v2;
	v4 =	vld [tilespmem:s30+$0x28D0]  }
0xc6: {  	v3 =	vmax.f32 v3, $0.0e+00;
	v7 =	vadd.f32 v9, v7;
	v2 =	vld [tilespmem:s30+$0x50E0]  }
0xc7: {  	s2 =	sshra.s32 s0, $0x2;
	[tilespmem:s30+$0x78A0] =	vst v3;
	v5 =	vld [tilespmem:s30+$0x28E0]  }
0xc8: {  	s0 =	sadd.s32 $0x200, s0;
	v3 =	vld [tilespmem:s2+$0x50F0];
	v7 =	vmax.f32 v7, $0.0e+00;
	v6 =	vadd.f32 v10, v6  }
0xc9: {  	v8 =	vld [tilespmem:s2+$0x28F0];
	[tilespmem:s30+$0x78B0] =	vst v7  }
0xca: {  	v7 =	vld [tilespmem:s2+$0x5080];
	v6 =	vmax.f32 v6, $0.0e+00;
	v1 =	vadd.f32 v4, v1  }
0xcb: {  	v9 =	vld [tilespmem:s2+$0x2880];
	[tilespmem:s30+$0x78C0] =	vst v6  }
0xcc: {  	v4 =	vld [tilespmem:s2+$0x5090];
	v1 =	vmax.f32 v1, $0.0e+00;
	v2 =	vadd.f32 v5, v2  }
0xcd: {  	v6 =	vld [tilespmem:s2+$0x2890];
	[tilespmem:s30+$0x78D0] =	vst v1  }
0xce: {  	v1 =	vld [tilespmem:s2+$0x50A0];
	v2 =	vmax.f32 v2, $0.0e+00  }
0xcf: {  	v5 =	vld [tilespmem:s2+$0x28A0];
	v3 =	vadd.f32 v8, v3;
	[tilespmem:s30+$0x78E0] =	vst v2  }
0xd0: {  	v7 =	vadd.f32 v9, v7;
	v2 =	vld [tilespmem:s2+$0x50B0]  }
0xd1: {  	v3 =	vmax.f32 v3, $0.0e+00;
	v8 =	vld [tilespmem:s2+$0x28B0]  }
0xd2: {  	[tilespmem:s2+$0x78F0] =	vst v3;
	v3 =	vmax.f32 v7, $0.0e+00;
	v7 =	vld [tilespmem:s2+$0x50C0]  }
0xd3: {  	v4 =	vadd.f32 v6, v4;
	v6 =	vld [tilespmem:s2+$0x50D0]  }
0xd4: {  	[tilespmem:s2+$0x7880] =	vst v3;
	v3 =	vld [tilespmem:s2+$0x28C0];
	v1 =	vadd.f32 v5, v1  }
0xd5: {  	v4 =	vmax.f32 v4, $0.0e+00;
	v5 =	vld [tilespmem:s2+$0x50E0]  }
0xd6: {  	[tilespmem:s2+$0x7890] =	vst v4;
	v4 =	vld [tilespmem:s2+$0x28D0];
	v1 =	vmax.f32 v1, $0.0e+00  }
0xd7: {  	[tilespmem:s2+$0x78A0] =	vst v1;
	v1 =	vld [tilespmem:s2+$0x28E0];
	_ =	sdelay $0x1  }
0xd8: {  	v2 =	vadd.f32 v8, v2  }
0xd9: {  	v3 =	vadd.f32 v3, v7  }
0xda: {  	v2 =	vmax.f32 v2, $0.0e+00;
	v4 =	vadd.f32 v4, v6  }
0xdb: {  	[tilespmem:s2+$0x78B0] =	vst v2;
	v2 =	vmax.f32 v3, $0.0e+00;
	v1 =	vadd.f32 v1, v5  }
0xdc: {  	s31 =	sshll.u32 s29, $0x1;
	[tilespmem:s2+$0x78C0] =	vst v2;
	v2 =	vmax.f32 v4, $0.0e+00  }
0xdd: {  	p1 =	seq.s32 s29, $0x7C;
	s30 =	sadd.s32 $0x2, s31;
	[tilespmem:s2+$0x78D0] =	vst v2;
	v1 =	vmax.f32 v1, $0.0e+00  }
0xde: {  	s0 =	smul.u32 @!p1 $0x28, s30;
	[tilespmem:s2+$0x78E0] =	vst v1  }
0xdf: {  	[spmem:s3] =	stream.indirect.scatter.add.f32 [tilespmem:s12], [sflag:$0x5], $0x80, s14, s13, $0xb8;
	[tilespmem:$0x1E080] =	vst v63  }
0xe0: {  	s8 =	simm.s32 @!p1 $0x2880;
	s2 =	simm.s32 @!p1 $0x28  }
0xe1: {  	[tilespmem:s8], [sflag:$0x1] =	stream.indirect.gather @!p1 [hbm4b:s1+s2], $0x80, s0, s2, $0xb8;
	[tilespmem:$0x1E080] =	vst v63  }
0xe2: {  	s0 =	sadd.s32 @!p1 s5, s0  }
0xe3: {  	s0 =	sshll.u32 @!p1 s0, $0x4  }
0xe4: {  	s2 =	simm.s32 @!p1 $0x0;
	s8 =	simm.s32 @!p1 $0x5080;
	s0 =	sadd.s32 @!p1 s6, s0  }
0xe5: {  	[tilespmem:s8], [sflag:$0x3] =	stream.linear.gather @!p1 [hbm4b:s0+s2], $0x1400, $0x38;
	[tilespmem:$0x1E080] =	vst v63  }
0xe6: {  	_ =	swait.ge [sflag:s21], $0x1400  }
0xe7: {  	[sflag:s21] =	ssyncset.done $0x0  }
0xe8: {  	[sflag:s21] =	ssyncadd.s32 $0xFFFFEC00  }
0xe9: {  	_ =	swait.ge [sflag:s22], $0x1400  }
0xea: {  	[sflag:s22] =	ssyncset.done $0x0  }
0xeb: {  	[sflag:s22] =	ssyncadd.s32 $0xFFFFEC00  }
0xec: {  	_ =	swait.ge [sflag:s23], $0x80  }
0xed: {  	[sflag:s23] =	ssyncset.done $0x0  }
0xee: {  	s2 =	simm.s32 $0x0;
	[sflag:s23] =	ssyncadd.s32 $0xFFFFFF80  }
0xef: {  	v1 =	vld [tilespmem:s2+$0x64F0]  }
0xf0: {  	v2 =	vld [tilespmem:s2+$0x3CF0]  }
0xf1: {  	v3 =	vld [tilespmem:s2+$0x6480]  }
0xf2: {  	v4 =	vld [tilespmem:s2+$0x3C80]  }
0xf3: {  	v5 =	vld [tilespmem:s2+$0x6490]  }
0xf4: {  	v6 =	vld [tilespmem:s2+$0x3C90]  }
0xf5: {  	v7 =	vld [tilespmem:s2+$0x64A0]  }
0xf6: {  	v1 =	vadd.f32 v2, v1;
	v2 =	vld [tilespmem:s2+$0x3CA0]  }
0xf7: {  	v8 =	vld [tilespmem:s2+$0x64B0]  }
0xf8: {  	v63 =	vld [tilespmem:s2+$0x3CB0];
	v3 =	vadd.f32 v4, v3  }
0xf9: {  	v10 =	vld [tilespmem:s2+$0x64C0];
	v1 =	vmax.f32 v1, $0.0e+00  }
0xfa: {  	[tilespmem:s2+$0x8CF0] =	vst v1;
	v1 =	vmax.f32 v3, $0.0e+00;
	v3 =	vadd.f32 v6, v5;
	v6 =	vld [tilespmem:s2+$0x3CC0]  }
0xfb: {  	v4 =	vld [tilespmem:s2+$0x3CD0];
	v2 =	vadd.f32 v2, v7  }
0xfc: {  	[tilespmem:s2+$0x8C80] =	vst v1;
	v1 =	vld [tilespmem:s2+$0x64D0];
	v3 =	vmax.f32 v3, $0.0e+00  }
0xfd: {  	v5 =	vld [tilespmem:s2+$0x3CE0];
	v7 =	vadd.f32 v63, v8;
	[tilespmem:s2+$0x8C90] =	vst v3;
	v3 =	vmax.f32 v2, $0.0e+00  }
0xfe: {  	s0 =	simm.s32 $0x80;
	v2 =	vld [tilespmem:s2+$0x64E0];
	[tilespmem:s2+$0x8CA0] =	vst v3  }
0xff: {  	s8 =	simm.s32 $0x400;
	v7 =	vmax.f32 v7, $0.0e+00;
	v6 =	vadd.f32 v6, v10;
	v3 =	vld [tilespmem:s0+$0x64F0]  }
.LBB2_7:
0x100: {  	p2 =	sne.s32 s8, $0x4E00;
	v8 =	vld [tilespmem:s0+$0x3CF0];
	[tilespmem:s2+$0x8CB0] =	vst v7  }
0x101: {  	v7 =	vld [tilespmem:s0+$0x6480];
	v6 =	vmax.f32 v6, $0.0e+00;
	v1 =	vadd.f32 v4, v1  }
0x102: {  	v4 =	vld [tilespmem:s0+$0x3C80];
	[tilespmem:s2+$0x8CC0] =	vst v6  }
0x103: {  	v6 =	vld [tilespmem:s0+$0x6490];
	v1 =	vmax.f32 v1, $0.0e+00;
	v2 =	vadd.f32 v5, v2  }
0x104: {  	v5 =	vld [tilespmem:s0+$0x3C90];
	[tilespmem:s2+$0x8CD0] =	vst v1  }
0x105: {  	v1 =	vld [tilespmem:s0+$0x64A0];
	v3 =	vadd.f32 v8, v3;
	v2 =	vmax.f32 v2, $0.0e+00  }
0x106: {  	v8 =	vld [tilespmem:s0+$0x3CA0];
	[tilespmem:s2+$0x8CE0] =	vst v2;
	s2 =	smov.u32 s0  }
0x107: {  	v2 =	vadd.f32 v4, v7;
	v7 =	vld [tilespmem:s2+$0x64B0];
	v3 =	vmax.f32 v3, $0.0e+00  }
0x108: {  	v9 =	vld [tilespmem:s2+$0x3CB0];
	[tilespmem:s2+$0x8CF0] =	vst v3  }
0x109: {  	v2 =	vmax.f32 v2, $0.0e+00;
	v3 =	vadd.f32 v5, v6;
	v6 =	vld [tilespmem:s2+$0x64C0]  }
0x10a: {  	[tilespmem:s2+$0x8C80] =	vst v2;
	v10 =	vld [tilespmem:s2+$0x3CC0]  }
.Ltmp4:
0x10b: {  	v2 =	vmax.f32 v3, $0.0e+00;
	v3 =	vadd.f32 v8, v1;
	v1 =	vld [tilespmem:s2+$0x64D0];
	(pc) =	sbr.rel @p2 .LBB2_7-.Ltmp4, $4  }
0x10c: {  	[tilespmem:s2+$0x8C90] =	vst v2;
	v4 =	vld [tilespmem:s2+$0x3CD0]  }
0x10d: {  	v3 =	vmax.f32 v3, $0.0e+00;
	v7 =	vadd.f32 v9, v7;
	v2 =	vld [tilespmem:s2+$0x64E0]  }
0x10e: {  	s0 =	sshra.s32 s8, $0x2;
	[tilespmem:s2+$0x8CA0] =	vst v3;
	v5 =	vld [tilespmem:s2+$0x3CE0]  }
0x10f: {  	s8 =	sadd.s32 $0x200, s8;
	v3 =	vld [tilespmem:s0+$0x64F0];
	v7 =	vmax.f32 v7, $0.0e+00;
	v6 =	vadd.f32 v10, v6  }
0x110: {  	v8 =	vld [tilespmem:s0+$0x3CF0];
	[tilespmem:s2+$0x8CB0] =	vst v7  }
0x111: {  	v7 =	vld [tilespmem:s0+$0x6480];
	v6 =	vmax.f32 v6, $0.0e+00;
	v1 =	vadd.f32 v4, v1  }
0x112: {  	v9 =	vld [tilespmem:s0+$0x3C80];
	[tilespmem:s2+$0x8CC0] =	vst v6  }
0x113: {  	v57 =	vld [tilespmem:s0+$0x6490];
	v1 =	vmax.f32 v1, $0.0e+00;
	v2 =	vadd.f32 v5, v2  }
0x114: {  	v6 =	vld [tilespmem:s0+$0x3C90];
	[tilespmem:s2+$0x8CD0] =	vst v1  }
0x115: {  	v1 =	vld [tilespmem:s0+$0x64A0];
	v2 =	vmax.f32 v2, $0.0e+00  }
0x116: {  	v58 =	vld [tilespmem:s0+$0x3CA0];
	[tilespmem:s2+$0x8CE0] =	vst v2  }
0x117: {  	v2 =	vld [tilespmem:s0+$0x64B0]  }
0x118: {  	v3 =	vadd.f32 v8, v3;
	v59 =	vld [tilespmem:s0+$0x3CB0]  }
0x119: {  	v7 =	vadd.f32 v9, v7;
	v60 =	vld [tilespmem:s0+$0x64C0]  }
0x11a: {  	v3 =	vmax.f32 v3, $0.0e+00;
	v61 =	vld [tilespmem:s0+$0x64D0]  }
0x11b: {  	v62 =	vld [tilespmem:s0+$0x3CD0];
	[tilespmem:s0+$0x8CF0] =	vst v3;
	v3 =	vmax.f32 v7, $0.0e+00;
	v1 =	vadd.f32 v58, v1  }
0x11c: {  	[tilespmem:s0+$0x8C80] =	vst v3;
	v3 =	vld [tilespmem:s0+$0x3CC0]  }
0x11d: {  	v63 =	vld [tilespmem:s0+$0x64E0];
	v1 =	vmax.f32 v1, $0.0e+00  }
0x11e: {  	[tilespmem:s0+$0x8CA0] =	vst v1;
	v1 =	vld [tilespmem:s0+$0x3CE0]  }
0x11f: {  	v4 =	vadd.f32 v6, v57  }
0x120: {  	v2 =	vadd.f32 v59, v2  }
0x121: {  	v4 =	vmax.f32 v4, $0.0e+00;
	v3 =	vadd.f32 v3, v60  }
0x122: {  	[tilespmem:s0+$0x8C90] =	vst v4;
	v4 =	vadd.f32 v62, v61;
	v2 =	vmax.f32 v2, $0.0e+00  }
.Ltmp5:
0x123: {  	[tilespmem:s0+$0x8CB0] =	vst v2;
	v2 =	vmax.f32 v3, $0.0e+00;
	v1 =	vadd.f32 v1, v63;
	(pc) =	sbr.rel @p1 .LBB2_10-.Ltmp5, $4  }
0x124: {  	[tilespmem:s0+$0x8CC0] =	vst v2;
	v2 =	vmax.f32 v4, $0.0e+00  }
0x125: {  	[tilespmem:s0+$0x8CD0] =	vst v2;
	v1 =	vmax.f32 v1, $0.0e+00  }
0x126: {  	[tilespmem:s0+$0x8CE0] =	vst v1  }
0x127: {  	[spmem:s3] =	stream.indirect.scatter.add.f32 [tilespmem:s24], [sflag:$0x6], $0x80, s18, s13, $0xb8;
	[tilespmem:$0x1E080] =	vst v63  }
0x128: {  	s0 =	sadd.s32 $0x3, s31  }
0x129: {  	s2 =	smul.u32 $0x28, s0;
	_ =	sdelay $0x1  }
0x12a: {  	[tilespmem:s16], [sflag:$0x2] =	stream.indirect.gather [hbm4b:s1+s13], $0x80, s2, s13, $0xb8;
	[tilespmem:$0x1E080] =	vst v63  }
0x12b: {  	s2 =	sadd.s32 s5, s2  }
0x12c: {  	s30 =	sshll.u32 s30, $0x7;
	s2 =	sshll.u32 s2, $0x4  }
0x12d: {  	s8 =	sand.u32 $0xFC00, s30;
	s2 =	sadd.s32 s6, s2  }
0x12e: {  	[tilespmem:s17], [sflag:$0x4] =	stream.linear.gather [hbm4b:s2+s4], $0x1400, $0x38;
	[tilespmem:$0x1E080] =	vst v63  }
0x12f: {  	s8 =	sadd.s32 s10, s8;
	s2 =	sand.u32 $0x300, s30  }
0x130: {  	_ =	swait.ge [sflag:s25], $0x1400;
	s2 =	sor.u32 s2, s8  }
0x131: {  	s0 =	sshll.u32 s0, $0x7;
	[sflag:s25] =	ssyncset.done $0x0;
	s2 =	sshrl.u32 s2, $0x3  }
0x132: {  	s31 =	sand.u32 $0xFC00, s0;
	[sflag:s25] =	ssyncadd.s32 $0xFFFFEC00;
	s2 =	sadd.s32 s7, s2  }
0x133: {  	[tilespmem:s14], [sflag:$0x7] =	stream.linear.gather [hbm4b:s2+s4], $0x80, $0x38;
	[tilespmem:$0x1E080] =	vst v63  }
.Ltmp6:
0x134: {  	s0 =	sand.u32 $0x380, s0;
	s2 =	sadd.s32 s10, s31;
	(pc) =	sbr.rel .LBB2_4-.Ltmp6, $4  }
0x135: {  	_ =	swait.ge [sflag:s26], $0x1400;
	s0 =	sor.u32 s0, s2  }
0x136: {  	[sflag:s26] =	ssyncset.done $0x0;
	s0 =	sshrl.u32 s0, $0x3  }
0x137: {  	s29 =	sadd.s32 $0x1, s29;
	[sflag:s26] =	ssyncadd.s32 $0xFFFFEC00;
	s0 =	sadd.s32 s7, s0  }
0x138: {  	[tilespmem:s18], [sflag:$0x8] =	stream.linear.gather [hbm4b:s0+s4], $0x80, $0x38;
	[tilespmem:$0x1E080] =	vst v63  }
.LBB2_11:
0x139: {  	_ =	sfence.sel $0x180000  }
0x13a: {  	[bflag:$0x0] =	sbarrier.arrive $0xFFFF  }
0x13b: {  	_ =	strace $0x9000004D  }
0x13c: {  	s0 =	stileid.u32;
	[bflag:$0x2] =	sbarrier.arrive $0xFFFF  }
0x13d: {  	p0 =	sne.s32 s0, $0x0;
	s0 =	rddreg [dreg:$0x3]  }
0x13e: {  	s0 =	sadd.s32 @!p0 $0x100000, s0  }
0x13f: {  	[sflag:s0] =	ssyncadd.tile.s32 @!p0 $0x1;
	_ =	shalt  }
.Lfunc_end2:
_tile_overlayer_lowered:
.L_overlay_start_2:
0x140: {  	(tag) =	ssettag $0x2  }
0x141: {  	s0 =	rddreg [dreg:$0x0];
	s2 =	stileid.u32  }
0x142: {  	s1 =	rddreg [dreg:$0x1];
	p0 =	sne.s32 s2, $0x0  }
0x143: {  	s3 =	rddreg [dreg:$0x2];
	[bflag:$0x3] =	sbarrier.arrive $0xFFFF;
	s2 =	simm.s32 @!p0 $0x1C09  }
0x144: {  	[timem:s3], [sflag:s2] =	dma.local @!p0 [hbm:s0], s1  }
0x145: {  	s0 =	simm.s32 @!p0 $0x9  }
0x146: {  	_ =	swait.ge @!p0 [sflag:s0], s1  }
0x147: {  	s1 =	ssub.s32 @!p0 $0x0, s1;
	[sflag:s0] =	ssyncset.done @!p0 $0x0  }
0x148: {  	[sflag:s0] =	ssyncadd.s32 @!p0 s1  }
0x149: {  	[bflag:$0x3] =	sbarrier.arrive $0xFFFF  }
0x14a: {  	_ =	shalt  }

</sc_bundles>
